<compile_context>
chip_gen: v7x
topology: tpu7x:2x2x1
jax: 0.10.2.dev20260603
libtpu: 0.0.44.dev20260713+nightly
codegen_flags: <defaults>
</compile_context>

<pallas_src>
import functools

import jax
import jax.numpy as jnp
from jax import lax
from jax.experimental import pallas as pl
from jax.experimental.pallas import tpu as pltpu
from jax.experimental.pallas import tpu_sc as plsc

N_NODES = 10000
FEAT = 128
E_EDGES = 320000
NC = 2
NS = 16
CHUNK = 128
E_PAD = 327680
CPT16 = E_PAD // NS // CHUNK
CPT32 = E_PAD // (NC * NS) // CHUNK
IB_SP = 32
IB_DG = 16
NP = 10112
RPT = NP // NS
BN = 2000

_mesh = plsc.VectorSubcoreMesh(core_axis_name="c", subcore_axis_name="s")


def _deg_body(row2d, ones128, zeros128, out0, out1, rix, buf, acc, sem):
    c = lax.axis_index("c")
    s = lax.axis_index("s")
    wb = s * RPT
    pltpu.sync_copy(zeros128, buf)
    for k in range(4):
        pltpu.sync_copy(buf, acc.at[pl.ds(wb + k * CHUNK, CHUNK)])
    pltpu.sync_copy(buf.at[pl.ds(0, RPT - 4 * CHUNK)],
                    acc.at[pl.ds(wb + 4 * CHUNK, RPT - 4 * CHUNK)])
    pltpu.sync_copy(ones128, buf)
    wid = s * NC + c
    plsc.subcore_barrier()

    def blk(b, carry):
        pltpu.sync_copy(row2d.at[pl.ds(wid * CPT32 + b * IB_DG, IB_DG)], rix)

        def body(i, c2):
            pltpu.async_copy(buf, acc.at[rix.at[i]], sem, add=True)
            return c2

        lax.fori_loop(0, IB_DG, body, 0)

        def drain(i, c2):
            pltpu.make_async_copy(buf, acc.at[rix.at[0]], sem).wait()
            return c2

        lax.fori_loop(0, IB_DG, drain, 0)
        return carry

    lax.fori_loop(0, CPT32 // IB_DG, blk, 0)
    plsc.subcore_barrier()

    @pl.when(c == 0)
    def _():
        pltpu.sync_copy(acc.at[pl.ds(wb, RPT)], out0.at[pl.ds(wb, RPT)])

    @pl.when(c == 1)
    def _():
        pltpu.sync_copy(acc.at[pl.ds(wb, RPT)], out1.at[pl.ds(wb, RPT)])


def _spmm_body(hx, hn, row2d, col2d, zeros128, outx, outn,
               cix, rix, rows0, rows1, acc, g0, g1):
    c = lax.axis_index("c")
    s = lax.axis_index("s")
    wb = s * RPT
    pltpu.sync_copy(zeros128, rows0)
    for k in range(4):
        pltpu.sync_copy(rows0, acc.at[pl.ds(wb + k * CHUNK, CHUNK)])
    pltpu.sync_copy(rows0.at[pl.ds(0, RPT - 4 * CHUNK)],
                    acc.at[pl.ds(wb + 4 * CHUNK, RPT - 4 * CHUNK)])
    plsc.subcore_barrier()

    def run(h_hbm):
        H = CHUNK // 2

        def gat(i, dst, sem):
            pltpu.async_copy(h_hbm.at[cix.at[i, pl.ds(0, H)]],
                             dst.at[pl.ds(0, H)], sem)
            pltpu.async_copy(h_hbm.at[cix.at[i, pl.ds(H, H)]],
                             dst.at[pl.ds(H, H)], sem)

        def wat(dst, sem):
            pltpu.make_async_copy(h_hbm.at[cix.at[0, pl.ds(0, H)]],
                                  dst.at[pl.ds(0, H)], sem).wait()
            pltpu.make_async_copy(h_hbm.at[cix.at[0, pl.ds(0, H)]],
                                  dst.at[pl.ds(H, H)], sem).wait()

        def blk(b, carry):
            base = s * CPT16 + b * IB_SP
            pltpu.sync_copy(col2d.at[pl.ds(base, IB_SP)], cix)
            pltpu.sync_copy(row2d.at[pl.ds(base, IB_SP)], rix)
            gat(0, rows0, g0)

            def body(j, c2):
                i0 = 2 * j
                gat(i0 + 1, rows1, g1)
                wat(rows0, g0)
                pltpu.sync_copy(rows0, acc.at[rix.at[i0]], add=True)

                @pl.when(j < IB_SP // 2 - 1)
                def _():
                    gat(i0 + 2, rows0, g0)

                wat(rows1, g1)
                pltpu.sync_copy(rows1, acc.at[rix.at[i0 + 1]], add=True)
                return c2

            lax.fori_loop(0, IB_SP // 2, body, 0)
            return carry

        lax.fori_loop(0, CPT16 // IB_SP, blk, 0)

    @pl.when(c == 0)
    def _():
        run(hx)

    @pl.when(c == 1)
    def _():
        run(hn)

    plsc.subcore_barrier()

    @pl.when(c == 0)
    def _():
        pltpu.sync_copy(acc.at[pl.ds(wb, RPT)], outx.at[pl.ds(wb, RPT)])

    @pl.when(c == 1)
    def _():
        pltpu.sync_copy(acc.at[pl.ds(wb, RPT)], outn.at[pl.ds(wb, RPT)])


def _make_deg_kernel(interpret=False):
    return pl.kernel(
        _deg_body,
        out_type=(jax.ShapeDtypeStruct((NP, FEAT), jnp.float32),
                  jax.ShapeDtypeStruct((NP, FEAT), jnp.float32)),
        mesh=_mesh,
        scratch_types=[
            pltpu.VMEM((IB_DG, CHUNK), jnp.int32),
            pltpu.VMEM((CHUNK, FEAT), jnp.float32),
            pltpu.VMEM_SHARED((NP, FEAT), jnp.float32),
            pltpu.SemaphoreType.DMA,
        ],
        interpret=interpret,
    )


def _make_spmm_kernel(interpret=False):
    return pl.kernel(
        _spmm_body,
        out_type=(jax.ShapeDtypeStruct((NP, FEAT), jnp.float32),
                  jax.ShapeDtypeStruct((NP, FEAT), jnp.float32)),
        mesh=_mesh,
        scratch_types=[
            pltpu.VMEM((IB_SP, CHUNK), jnp.int32),
            pltpu.VMEM((IB_SP, CHUNK), jnp.int32),
            pltpu.VMEM((CHUNK, FEAT), jnp.float32),
            pltpu.VMEM((CHUNK, FEAT), jnp.float32),
            pltpu.VMEM_SHARED((NP, FEAT), jnp.float32),
            pltpu.SemaphoreType.DMA,
            pltpu.SemaphoreType.DMA,
        ],
        interpret=interpret,
    )


_deg_kernel = _make_deg_kernel()
_spmm_kernel = _make_spmm_kernel()


def _k1_body(d0, d1, x, sf, ox, on, od):
    deg = d0[:, 0:1] + d1[:, 0:1] + 1.0
    dinv = lax.rsqrt(deg)
    od[...] = jnp.broadcast_to(dinv, (BN, FEAT))
    ox[...] = x[...] * dinv
    on[...] = sf[...] * dinv


def _k2_body(dv, s1x, s1n, h1x, h1n, ox, on):
    d2 = dv[...] * dv[...]
    ox[...] = (s1x[...] + h1x[...]) * d2
    on[...] = (s1n[...] + h1n[...]) * d2


def _k3_body(dv, s2x, s2n, h2x, h2n, wsgc, bsgc, wl1, wl2, bl, out):
    dinv = dv[...]
    hx = (s2x[...] + h2x[...]) * dinv
    noise = (s2n[...] + h2n[...]) * dinv
    z = jnp.dot(hx, wsgc[...], preferred_element_type=jnp.float32) + bsgc[...]
    nrm = jnp.sqrt(jnp.sum(z * z, axis=-1, keepdims=True))
    z = z / jnp.maximum(nrm, 1e-12)
    out[...] = (jnp.dot(z, wl1[...], preferred_element_type=jnp.float32)
                + jnp.dot(noise, wl2[...], preferred_element_type=jnp.float32)
                + bl[...])


def _row_spec(w):
    return pl.BlockSpec((BN, w), lambda i: (i, 0))


def _full_spec(r, w):
    return pl.BlockSpec((r, w), lambda i: (0, 0))


_GRID = N_NODES // BN

_k1 = pl.pallas_call(
    _k1_body,
    grid=(_GRID,),
    in_specs=[_row_spec(FEAT), _row_spec(FEAT), _row_spec(FEAT), _row_spec(FEAT)],
    out_specs=(_row_spec(FEAT), _row_spec(FEAT), _row_spec(FEAT)),
    out_shape=(jax.ShapeDtypeStruct((N_NODES, FEAT), jnp.float32),
               jax.ShapeDtypeStruct((N_NODES, FEAT), jnp.float32),
               jax.ShapeDtypeStruct((N_NODES, FEAT), jnp.float32)),
)

_k2 = pl.pallas_call(
    _k2_body,
    grid=(_GRID,),
    in_specs=[_row_spec(FEAT),
              _row_spec(FEAT), _row_spec(FEAT), _row_spec(FEAT), _row_spec(FEAT)],
    out_specs=(_row_spec(FEAT), _row_spec(FEAT)),
    out_shape=(jax.ShapeDtypeStruct((N_NODES, FEAT), jnp.float32),
               jax.ShapeDtypeStruct((N_NODES, FEAT), jnp.float32)),
)

_k3 = pl.pallas_call(
    _k3_body,
    grid=(_GRID,),
    in_specs=[_row_spec(FEAT),
              _row_spec(FEAT), _row_spec(FEAT), _row_spec(FEAT), _row_spec(FEAT),
              _full_spec(FEAT, FEAT), _full_spec(1, FEAT),
              _full_spec(FEAT, FEAT), _full_spec(FEAT, FEAT), _full_spec(1, FEAT)],
    out_specs=pl.BlockSpec((BN, FEAT), lambda i: (i, 0)),
    out_shape=jax.ShapeDtypeStruct((N_NODES, FEAT), jnp.float32),
)


@jax.jit
def kernel(x, edge_index, stochastic_feature, W_sgc, b_sgc, W_last, b_last):
    row = edge_index[0].astype(jnp.int32)
    col = edge_index[1].astype(jnp.int32)
    pad = E_PAD - E_EDGES
    rowp = jnp.concatenate([row, jnp.full((pad,), N_NODES, jnp.int32)])
    colp = jnp.concatenate([col, jnp.zeros((pad,), jnp.int32)])
    row2d = rowp.reshape(E_PAD // CHUNK, CHUNK)
    col2d = colp.reshape(E_PAD // CHUNK, CHUNK)
    ones128 = jnp.ones((CHUNK, FEAT), jnp.float32)
    zeros128 = jnp.zeros((CHUNK, FEAT), jnp.float32)

    d0, d1 = _deg_kernel(row2d, ones128, zeros128)

    h1x, h1n, dv = _k1(d0[:N_NODES], d1[:N_NODES], x, stochastic_feature)
    s1x, s1n = _spmm_kernel(h1x, h1n, row2d, col2d, zeros128)
    h2x, h2n = _k2(dv, s1x[:N_NODES], s1n[:N_NODES], h1x, h1n)
    s2x, s2n = _spmm_kernel(h2x, h2n, row2d, col2d, zeros128)
    out = _k3(dv, s2x[:N_NODES], s2n[:N_NODES], h2x, h2n,
              W_sgc, b_sgc.reshape(1, FEAT),
              W_last[:FEAT], W_last[FEAT:], b_last.reshape(1, FEAT))
    return out

# --- scband reference (transcript-rebuilt; emitter-appended) ---
"""Pipeline reference for scband-adj-smp-69329362092564 (READ-ONLY COPY).

The authoritative reference and input builder live on the scoring server;
editing this copy changes nothing except your own understanding.
"""

import jax, jax.numpy as jnp
import numpy as np

N = 10000
E = 320000
D = 128
H = 128
O = 128
SD = 128
LAYERS = 2


def setup_inputs(seed: int = 0) -> dict:
    key = jax.random.key(seed)
    k1, k2, k3, k4, k5, k6, k7 = jax.random.split(key, 7)
    x = jax.random.normal(k1, (N, D), dtype=jnp.float32)
    edge_index = jax.random.randint(k2, (2, E), 0, N)
    # fixed stochastic feature, gen_stochastic_feature: randn * dim**-0.5
    stochastic_feature = jax.random.normal(k3, (N, SD), dtype=jnp.float32) * (SD ** -0.5)
    # AdjSGC linear (hidden after MP since input_dim == output_dim -> linear_first False)
    lim_sgc = (1.0 / D) ** 0.5
    W_sgc = jax.random.uniform(k4, (D, H), dtype=jnp.float32, minval=-lim_sgc, maxval=lim_sgc)
    b_sgc = jax.random.uniform(k5, (H,), dtype=jnp.float32, minval=-lim_sgc, maxval=lim_sgc)
    # last Linear: (H + SD) -> O
    lim_last = (1.0 / (H + SD)) ** 0.5
    W_last = jax.random.uniform(k6, (H + SD, O), dtype=jnp.float32, minval=-lim_last, maxval=lim_last)
    b_last = jax.random.uniform(k7, (O,), dtype=jnp.float32, minval=-lim_last, maxval=lim_last)
    return {"x": x, "edge_index": edge_index, "stochastic_feature": stochastic_feature,
            "W_sgc": W_sgc, "b_sgc": b_sgc, "W_last": W_last, "b_last": b_last}


def reference(x, edge_index, stochastic_feature, W_sgc, b_sgc, W_last, b_last):
    n = x.shape[0]
    loop = jnp.arange(n, dtype=edge_index.dtype)
    row = jnp.concatenate([edge_index[0], loop])
    col = jnp.concatenate([edge_index[1], loop])
    # GCN normalization: D^{-1/2} (A + I) D^{-1/2}
    deg = jnp.zeros((n,), jnp.float32).at[row].add(1.0)
    dinv = deg ** -0.5
    w = dinv[row] * dinv[col]

    def spmm(h):
        return jnp.zeros((n, h.shape[1]), h.dtype).at[row].add(w[:, None] * h[col])

    def mp(h):
        for _ in range(LAYERS):
            h = spmm(h)
        return h

    noise = mp(stochastic_feature)
    # AdjSGC: message passing first, then linear (linear_first = False)
    hx = mp(x)
    hx = hx @ W_sgc + b_sgc
    # F.normalize(x, p=2, dim=-1)
    nrm = jnp.sqrt(jnp.sum(hx * hx, axis=-1, keepdims=True))
    hx = hx / jnp.maximum(nrm, 1e-12)
    cat = jnp.concatenate([hx, noise], axis=-1)
    out = cat @ W_last + b_last
    return out

if __name__ == "__main__":
    import jax
    _d = setup_inputs()
    print(jax.jit(kernel)(*tuple(_d.values())))

</pallas_src>

<mosaic_0001>
#map = affine_map<(d0, d1) -> (0, 0)>
module attributes {stable_mosaic.version = 14 : i64} {
  func.func @_deg_body(%arg0: i32, %arg1: i32, %arg2: memref<2560x128xi32, #tpu.memory_space<hbm>>, %arg3: memref<128x128xf32, #tpu.memory_space<hbm>>, %arg4: memref<128x128xf32, #tpu.memory_space<hbm>>, %arg5: memref<10112x128xf32, #tpu.memory_space<hbm>>, %arg6: memref<10112x128xf32, #tpu.memory_space<hbm>>, %arg7: memref<16x128xi32, #tpu.memory_space<vmem>>, %arg8: memref<128x128xf32, #tpu.memory_space<vmem>>, %arg9: memref<10112x128xf32, #tpu.memory_space<vmem_shared>>, %arg10: memref<!tpu.dma_semaphore, #tpu.memory_space<semaphore_mem>>) attributes {dimension_semantics = [#tpu.dimension_semantics<core_parallel>, #tpu.dimension_semantics<subcore_parallel>], iteration_bounds = array<i64: 2, 16>, scalar_prefetch = 0 : i64, scratch_operands = 4 : i64, tpu.core_type = #tpu.core_type<sc_vector_subcore>, window_params = [{transform_indices = #map}, {transform_indices = #map}, {transform_indices = #map}, {transform_indices = #map}, {transform_indices = #map}]} {
    %mul3A = arith.constant 632 : i32
    %mul3A_0 = arith.muli %arg1, %mul3A : i32
    "tpu.region"() ({
      %run_scoped3A = tpu.sem_alloc : memref<!tpu.dma_semaphore, #tpu.memory_space<semaphore_mem>>
      tpu.enqueue_dma source(%arg4 : memref<128x128xf32, #tpu.memory_space<hbm>>) target(%arg8 : memref<128x128xf32, #tpu.memory_space<vmem>>) target_semaphore(%run_scoped3A : memref<!tpu.dma_semaphore, #tpu.memory_space<semaphore_mem>>)
      tpu.wait_dma2 semaphore(%run_scoped3A : memref<!tpu.dma_semaphore, #tpu.memory_space<semaphore_mem>>) src(%arg4 : memref<128x128xf32, #tpu.memory_space<hbm>>) dst(%arg8 : memref<128x128xf32, #tpu.memory_space<vmem>>)
      tpu.yield
    }) : () -> ()
    %add3A = arith.constant 0 : i32
    %add3A_1 = arith.addi %mul3A_0, %add3A : i32
    "tpu.region"() ({
      %run_scoped3A = tpu.sem_alloc : memref<!tpu.dma_semaphore, #tpu.memory_space<semaphore_mem>>
      %dma_start3A = arith.constant 0 : i32
      %dma_start3A_26 = tpu.memref_slice %arg9[%add3A_1, %dma_start3A] : memref<10112x128xf32, #tpu.memory_space<vmem_shared>> -> memref<128x128xf32, #tpu.memory_space<vmem_shared>>
      %dma_start3A_27 = arith.constant 0 : i32
      %dma_start3A_28 = tpu.memref_slice %arg9[%add3A_1, %dma_start3A_27] : memref<10112x128xf32, #tpu.memory_space<vmem_shared>> -> memref<128x128xf32, #tpu.memory_space<vmem_shared>>
      tpu.enqueue_dma source(%arg8 : memref<128x128xf32, #tpu.memory_space<vmem>>) target(%dma_start3A_28 : memref<128x128xf32, #tpu.memory_space<vmem_shared>>) target_semaphore(%run_scoped3A : memref<!tpu.dma_semaphore, #tpu.memory_space<semaphore_mem>>)
      %dma_wait3A = arith.constant 0 : i32
      %dma_wait3A_29 = tpu.memref_slice %arg9[%add3A_1, %dma_wait3A] : memref<10112x128xf32, #tpu.memory_space<vmem_shared>> -> memref<128x128xf32, #tpu.memory_space<vmem_shared>>
      %dma_wait3A_30 = arith.constant 0 : i32
      %dma_wait3A_31 = tpu.memref_slice %arg9[%add3A_1, %dma_wait3A_30] : memref<10112x128xf32, #tpu.memory_space<vmem_shared>> -> memref<128x128xf32, #tpu.memory_space<vmem_shared>>
      tpu.wait_dma2 semaphore(%run_scoped3A : memref<!tpu.dma_semaphore, #tpu.memory_space<semaphore_mem>>) src(%arg8 : memref<128x128xf32, #tpu.memory_space<vmem>>) dst(%dma_wait3A_31 : memref<128x128xf32, #tpu.memory_space<vmem_shared>>)
      tpu.yield
    }) : () -> ()
    %add3A_2 = arith.constant 128 : i32
    %add3A_3 = arith.addi %mul3A_0, %add3A_2 : i32
    "tpu.region"() ({
      %run_scoped3A = tpu.sem_alloc : memref<!tpu.dma_semaphore, #tpu.memory_space<semaphore_mem>>
      %dma_start3A = arith.constant 0 : i32
      %dma_start3A_26 = tpu.memref_slice %arg9[%add3A_3, %dma_start3A] : memref<10112x128xf32, #tpu.memory_space<vmem_shared>> -> memref<128x128xf32, #tpu.memory_space<vmem_shared>>
      %dma_start3A_27 = arith.constant 0 : i32
      %dma_start3A_28 = tpu.memref_slice %arg9[%add3A_3, %dma_start3A_27] : memref<10112x128xf32, #tpu.memory_space<vmem_shared>> -> memref<128x128xf32, #tpu.memory_space<vmem_shared>>
      tpu.enqueue_dma source(%arg8 : memref<128x128xf32, #tpu.memory_space<vmem>>) target(%dma_start3A_28 : memref<128x128xf32, #tpu.memory_space<vmem_shared>>) target_semaphore(%run_scoped3A : memref<!tpu.dma_semaphore, #tpu.memory_space<semaphore_mem>>)
      %dma_wait3A = arith.constant 0 : i32
      %dma_wait3A_29 = tpu.memref_slice %arg9[%add3A_3, %dma_wait3A] : memref<10112x128xf32, #tpu.memory_space<vmem_shared>> -> memref<128x128xf32, #tpu.memory_space<vmem_shared>>
      %dma_wait3A_30 = arith.constant 0 : i32
      %dma_wait3A_31 = tpu.memref_slice %arg9[%add3A_3, %dma_wait3A_30] : memref<10112x128xf32, #tpu.memory_space<vmem_shared>> -> memref<128x128xf32, #tpu.memory_space<vmem_shared>>
      tpu.wait_dma2 semaphore(%run_scoped3A : memref<!tpu.dma_semaphore, #tpu.memory_space<semaphore_mem>>) src(%arg8 : memref<128x128xf32, #tpu.memory_space<vmem>>) dst(%dma_wait3A_31 : memref<128x128xf32, #tpu.memory_space<vmem_shared>>)
      tpu.yield
    }) : () -> ()
    %add3A_4 = arith.constant 256 : i32
    %add3A_5 = arith.addi %mul3A_0, %add3A_4 : i32
    "tpu.region"() ({
      %run_scoped3A = tpu.sem_alloc : memref<!tpu.dma_semaphore, #tpu.memory_space<semaphore_mem>>
      %dma_start3A = arith.constant 0 : i32
      %dma_start3A_26 = tpu.memref_slice %arg9[%add3A_5, %dma_start3A] : memref<10112x128xf32, #tpu.memory_space<vmem_shared>> -> memref<128x128xf32, #tpu.memory_space<vmem_shared>>
      %dma_start3A_27 = arith.constant 0 : i32
      %dma_start3A_28 = tpu.memref_slice %arg9[%add3A_5, %dma_start3A_27] : memref<10112x128xf32, #tpu.memory_space<vmem_shared>> -> memref<128x128xf32, #tpu.memory_space<vmem_shared>>
      tpu.enqueue_dma source(%arg8 : memref<128x128xf32, #tpu.memory_space<vmem>>) target(%dma_start3A_28 : memref<128x128xf32, #tpu.memory_space<vmem_shared>>) target_semaphore(%run_scoped3A : memref<!tpu.dma_semaphore, #tpu.memory_space<semaphore_mem>>)
      %dma_wait3A = arith.constant 0 : i32
      %dma_wait3A_29 = tpu.memref_slice %arg9[%add3A_5, %dma_wait3A] : memref<10112x128xf32, #tpu.memory_space<vmem_shared>> -> memref<128x128xf32, #tpu.memory_space<vmem_shared>>
      %dma_wait3A_30 = arith.constant 0 : i32
      %dma_wait3A_31 = tpu.memref_slice %arg9[%add3A_5, %dma_wait3A_30] : memref<10112x128xf32, #tpu.memory_space<vmem_shared>> -> memref<128x128xf32, #tpu.memory_space<vmem_shared>>
      tpu.wait_dma2 semaphore(%run_scoped3A : memref<!tpu.dma_semaphore, #tpu.memory_space<semaphore_mem>>) src(%arg8 : memref<128x128xf32, #tpu.memory_space<vmem>>) dst(%dma_wait3A_31 : memref<128x128xf32, #tpu.memory_space<vmem_shared>>)
      tpu.yield
    }) : () -> ()
    %add3A_6 = arith.constant 384 : i32
    %add3A_7 = arith.addi %mul3A_0, %add3A_6 : i32
    "tpu.region"() ({
      %run_scoped3A = tpu.sem_alloc : memref<!tpu.dma_semaphore, #tpu.memory_space<semaphore_mem>>
      %dma_start3A = arith.constant 0 : i32
      %dma_start3A_26 = tpu.memref_slice %arg9[%add3A_7, %dma_start3A] : memref<10112x128xf32, #tpu.memory_space<vmem_shared>> -> memref<128x128xf32, #tpu.memory_space<vmem_shared>>
      %dma_start3A_27 = arith.constant 0 : i32
      %dma_start3A_28 = tpu.memref_slice %arg9[%add3A_7, %dma_start3A_27] : memref<10112x128xf32, #tpu.memory_space<vmem_shared>> -> memref<128x128xf32, #tpu.memory_space<vmem_shared>>
      tpu.enqueue_dma source(%arg8 : memref<128x128xf32, #tpu.memory_space<vmem>>) target(%dma_start3A_28 : memref<128x128xf32, #tpu.memory_space<vmem_shared>>) target_semaphore(%run_scoped3A : memref<!tpu.dma_semaphore, #tpu.memory_space<semaphore_mem>>)
      %dma_wait3A = arith.constant 0 : i32
      %dma_wait3A_29 = tpu.memref_slice %arg9[%add3A_7, %dma_wait3A] : memref<10112x128xf32, #tpu.memory_space<vmem_shared>> -> memref<128x128xf32, #tpu.memory_space<vmem_shared>>
      %dma_wait3A_30 = arith.constant 0 : i32
      %dma_wait3A_31 = tpu.memref_slice %arg9[%add3A_7, %dma_wait3A_30] : memref<10112x128xf32, #tpu.memory_space<vmem_shared>> -> memref<128x128xf32, #tpu.memory_space<vmem_shared>>
      tpu.wait_dma2 semaphore(%run_scoped3A : memref<!tpu.dma_semaphore, #tpu.memory_space<semaphore_mem>>) src(%arg8 : memref<128x128xf32, #tpu.memory_space<vmem>>) dst(%dma_wait3A_31 : memref<128x128xf32, #tpu.memory_space<vmem_shared>>)
      tpu.yield
    }) : () -> ()
    %add3A_8 = arith.constant 512 : i32
    %add3A_9 = arith.addi %mul3A_0, %add3A_8 : i32
    "tpu.region"() ({
      %run_scoped3A = tpu.sem_alloc : memref<!tpu.dma_semaphore, #tpu.memory_space<semaphore_mem>>
      %dma_start3A = arith.constant 0 : i32
      %dma_start3A_26 = arith.constant 0 : i32
      %dma_start3A_27 = tpu.memref_slice %arg8[%dma_start3A, %dma_start3A_26] : memref<128x128xf32, #tpu.memory_space<vmem>> -> memref<120x128xf32, #tpu.memory_space<vmem>>
      %dma_start3A_28 = arith.constant 0 : i32
      %dma_start3A_29 = tpu.memref_slice %arg9[%add3A_9, %dma_start3A_28] : memref<10112x128xf32, #tpu.memory_space<vmem_shared>> -> memref<120x128xf32, #tpu.memory_space<vmem_shared>>
      %dma_start3A_30 = arith.constant 0 : i32
      %dma_start3A_31 = tpu.memref_slice %arg9[%add3A_9, %dma_start3A_30] : memref<10112x128xf32, #tpu.memory_space<vmem_shared>> -> memref<120x128xf32, #tpu.memory_space<vmem_shared>>
      %dma_start3A_32 = arith.constant 0 : i32
      %dma_start3A_33 = arith.constant 0 : i32
      %dma_start3A_34 = tpu.memref_slice %arg8[%dma_start3A_32, %dma_start3A_33] : memref<128x128xf32, #tpu.memory_space<vmem>> -> memref<120x128xf32, #tpu.memory_space<vmem>>
      tpu.enqueue_dma source(%dma_start3A_34 : memref<120x128xf32, #tpu.memory_space<vmem>>) target(%dma_start3A_31 : memref<120x128xf32, #tpu.memory_space<vmem_shared>>) target_semaphore(%run_scoped3A : memref<!tpu.dma_semaphore, #tpu.memory_space<semaphore_mem>>)
      %dma_wait3A = arith.constant 0 : i32
      %dma_wait3A_35 = arith.constant 0 : i32
      %dma_wait3A_36 = tpu.memref_slice %arg8[%dma_wait3A, %dma_wait3A_35] : memref<128x128xf32, #tpu.memory_space<vmem>> -> memref<120x128xf32, #tpu.memory_space<vmem>>
      %dma_wait3A_37 = arith.constant 0 : i32
      %dma_wait3A_38 = tpu.memref_slice %arg9[%add3A_9, %dma_wait3A_37] : memref<10112x128xf32, #tpu.memory_space<vmem_shared>> -> memref<120x128xf32, #tpu.memory_space<vmem_shared>>
      %dma_wait3A_39 = arith.constant 0 : i32
      %dma_wait3A_40 = tpu.memref_slice %arg9[%add3A_9, %dma_wait3A_39] : memref<10112x128xf32, #tpu.memory_space<vmem_shared>> -> memref<120x128xf32, #tpu.memory_space<vmem_shared>>
      %dma_wait3A_41 = arith.constant 0 : i32
      %dma_wait3A_42 = arith.constant 0 : i32
      %dma_wait3A_43 = tpu.memref_slice %arg8[%dma_wait3A_41, %dma_wait3A_42] : memref<128x128xf32, #tpu.memory_space<vmem>> -> memref<120x128xf32, #tpu.memory_space<vmem>>
      tpu.wait_dma2 semaphore(%run_scoped3A : memref<!tpu.dma_semaphore, #tpu.memory_space<semaphore_mem>>) src(%dma_wait3A_43 : memref<120x128xf32, #tpu.memory_space<vmem>>) dst(%dma_wait3A_40 : memref<120x128xf32, #tpu.memory_space<vmem_shared>>)
      tpu.yield
    }) : () -> ()
    "tpu.region"() ({
      %run_scoped3A = tpu.sem_alloc : memref<!tpu.dma_semaphore, #tpu.memory_space<semaphore_mem>>
      tpu.enqueue_dma source(%arg3 : memref<128x128xf32, #tpu.memory_space<hbm>>) target(%arg8 : memref<128x128xf32, #tpu.memory_space<vmem>>) target_semaphore(%run_scoped3A : memref<!tpu.dma_semaphore, #tpu.memory_space<semaphore_mem>>)
      tpu.wait_dma2 semaphore(%run_scoped3A : memref<!tpu.dma_semaphore, #tpu.memory_space<semaphore_mem>>) src(%arg3 : memref<128x128xf32, #tpu.memory_space<hbm>>) dst(%arg8 : memref<128x128xf32, #tpu.memory_space<vmem>>)
      tpu.yield
    }) : () -> ()
    %mul3A_10 = arith.constant 2 : i32
    %mul3A_11 = arith.muli %arg1, %mul3A_10 : i32
    %add3A_12 = arith.addi %mul3A_11, %arg0 : i32
    %barrier3A = arith.constant 0 : index
    tpu.barrier barrier_id(%barrier3A)
    %scan3A = arith.constant 0 : i32
    %scan3A_13 = arith.constant 0 : i32
    %scan3A_14 = arith.constant 5 : i32
    %scan3A_15 = arith.addi %scan3A_13, %scan3A_14 : i32
    %scan3A_16 = arith.constant 1 : i32
    scf.for %scan3A_26 = %scan3A_13 to %scan3A_15 step %scan3A_16  : i32 {
      %mul3A_27 = arith.constant 80 : i32
      %mul3A_28 = arith.muli %add3A_12, %mul3A_27 : i32
      %mul3A_29 = arith.constant 16 : i32
      %mul3A_30 = arith.muli %scan3A_26, %mul3A_29 : i32
      %add3A_31 = arith.addi %mul3A_28, %mul3A_30 : i32
      "tpu.region"() ({
        %run_scoped3A = tpu.sem_alloc : memref<!tpu.dma_semaphore, #tpu.memory_space<semaphore_mem>>
        %dma_start3A = arith.constant 0 : i32
        %dma_start3A_44 = tpu.memref_slice %arg2[%add3A_31, %dma_start3A] : memref<2560x128xi32, #tpu.memory_space<hbm>> -> memref<16x128xi32, #tpu.memory_space<hbm>>
        %dma_start3A_45 = arith.constant 0 : i32
        %dma_start3A_46 = tpu.memref_slice %arg2[%add3A_31, %dma_start3A_45] : memref<2560x128xi32, #tpu.memory_space<hbm>> -> memref<16x128xi32, #tpu.memory_space<hbm>>
        tpu.enqueue_dma source(%dma_start3A_46 : memref<16x128xi32, #tpu.memory_space<hbm>>) target(%arg7 : memref<16x128xi32, #tpu.memory_space<vmem>>) target_semaphore(%run_scoped3A : memref<!tpu.dma_semaphore, #tpu.memory_space<semaphore_mem>>)
        %dma_wait3A = arith.constant 0 : i32
        %dma_wait3A_47 = tpu.memref_slice %arg2[%add3A_31, %dma_wait3A] : memref<2560x128xi32, #tpu.memory_space<hbm>> -> memref<16x128xi32, #tpu.memory_space<hbm>>
        %dma_wait3A_48 = arith.constant 0 : i32
        %dma_wait3A_49 = tpu.memref_slice %arg2[%add3A_31, %dma_wait3A_48] : memref<2560x128xi32, #tpu.memory_space<hbm>> -> memref<16x128xi32, #tpu.memory_space<hbm>>
        tpu.wait_dma2 semaphore(%run_scoped3A : memref<!tpu.dma_semaphore, #tpu.memory_space<semaphore_mem>>) src(%dma_wait3A_49 : memref<16x128xi32, #tpu.memory_space<hbm>>) dst(%arg7 : memref<16x128xi32, #tpu.memory_space<vmem>>)
        tpu.yield
      }) : () -> ()
      %scan3A_32 = arith.constant 0 : i32
      %scan3A_33 = arith.constant 0 : i32
      %scan3A_34 = arith.constant 16 : i32
      %scan3A_35 = arith.addi %scan3A_33, %scan3A_34 : i32
      %scan3A_36 = arith.constant 1 : i32
      scf.for %scan3A_44 = %scan3A_33 to %scan3A_35 step %scan3A_36  : i32 {
        %dma_start3A = arith.constant 0 : i32
        %dma_start3A_45 = tpu.memref_slice %arg7[%scan3A_44, %dma_start3A] : memref<16x128xi32, #tpu.memory_space<vmem>> -> memref<1x128xi32, #tpu.memory_space<vmem>>
        %dma_start3A_46 = tpu.memref_squeeze %dma_start3A_45 : memref<1x128xi32, #tpu.memory_space<vmem>> -> memref<128xi32, #tpu.memory_space<vmem>>
        %dma_start3A_47 = arith.constant 0 : i32
        %dma_start3A_48 = arith.constant 0 : i32
        %dma_start3A_49 = tpu.memref_slice %arg9[%dma_start3A_47, %dma_start3A_48] : memref<10112x128xf32, #tpu.memory_space<vmem_shared>> -> memref<10112x128xf32, #tpu.memory_space<vmem_shared>>
        tpu.enqueue_indirect_dma source(%arg8 : memref<128x128xf32, #tpu.memory_space<vmem>>) target(%dma_start3A_49 : memref<10112x128xf32, #tpu.memory_space<vmem_shared>>) offsets(%dma_start3A_46 : memref<128xi32, #tpu.memory_space<vmem>>) semaphore(%arg10 : memref<!tpu.dma_semaphore, #tpu.memory_space<semaphore_mem>>) {add = true}
      }
      %scan3A_37 = arith.constant 16 : i32
      %scan3A_38 = arith.constant 0 : i32
      %scan3A_39 = arith.constant 0 : i32
      %scan3A_40 = arith.constant 16 : i32
      %scan3A_41 = arith.addi %scan3A_39, %scan3A_40 : i32
      %scan3A_42 = arith.constant 1 : i32
      scf.for %scan3A_44 = %scan3A_39 to %scan3A_41 step %scan3A_42  : i32 {
        %dma_wait3A = arith.constant 0 : i32
        %dma_wait3A_45 = arith.constant 0 : i32
        %dma_wait3A_46 = tpu.memref_slice %arg7[%dma_wait3A, %dma_wait3A_45] : memref<16x128xi32, #tpu.memory_space<vmem>> -> memref<1x128xi32, #tpu.memory_space<vmem>>
        %dma_wait3A_47 = tpu.memref_squeeze %dma_wait3A_46 : memref<1x128xi32, #tpu.memory_space<vmem>> -> memref<128xi32, #tpu.memory_space<vmem>>
        %dma_wait3A_48 = arith.constant 0 : i32
        %dma_wait3A_49 = arith.constant 0 : i32
        %dma_wait3A_50 = tpu.memref_slice %arg9[%dma_wait3A_48, %dma_wait3A_49] : memref<10112x128xf32, #tpu.memory_space<vmem_shared>> -> memref<10112x128xf32, #tpu.memory_space<vmem_shared>>
        tpu.wait_indirect_dma semaphore(%arg10 : memref<!tpu.dma_semaphore, #tpu.memory_space<semaphore_mem>>) src(%arg8 : memref<128x128xf32, #tpu.memory_space<vmem>>) dst(%dma_wait3A_50 : memref<10112x128xf32, #tpu.memory_space<vmem_shared>>)
      }
      %scan3A_43 = arith.constant 16 : i32
    }
    %scan3A_17 = arith.constant 5 : i32
    %barrier3A_18 = arith.constant 0 : index
    tpu.barrier barrier_id(%barrier3A_18)
    %eq3A = arith.constant 0 : i32
    %eq3A_19 = arith.cmpi eq, %arg0, %eq3A : i32
    %convert_element_type3A = arith.extui %eq3A_19 : i1 to i32
    %cond3A = arith.constant 0 : i32
    %cond3A_20 = arith.cmpi ne, %convert_element_type3A, %cond3A : i32
    scf.if %cond3A_20 {
      "tpu.region"() ({
        %run_scoped3A = tpu.sem_alloc : memref<!tpu.dma_semaphore, #tpu.memory_space<semaphore_mem>>
        %dma_start3A = arith.constant 0 : i32
        %dma_start3A_26 = tpu.memref_slice %arg5[%mul3A_0, %dma_start3A] : memref<10112x128xf32, #tpu.memory_space<hbm>> -> memref<632x128xf32, #tpu.memory_space<hbm>>
        %dma_start3A_27 = arith.constant 0 : i32
        %dma_start3A_28 = tpu.memref_slice %arg9[%mul3A_0, %dma_start3A_27] : memref<10112x128xf32, #tpu.memory_space<vmem_shared>> -> memref<632x128xf32, #tpu.memory_space<vmem_shared>>
        tpu.enqueue_dma source(%dma_start3A_28 : memref<632x128xf32, #tpu.memory_space<vmem_shared>>) target(%dma_start3A_26 : memref<632x128xf32, #tpu.memory_space<hbm>>) target_semaphore(%run_scoped3A : memref<!tpu.dma_semaphore, #tpu.memory_space<semaphore_mem>>)
        %dma_wait3A = arith.constant 0 : i32
        %dma_wait3A_29 = tpu.memref_slice %arg5[%mul3A_0, %dma_wait3A] : memref<10112x128xf32, #tpu.memory_space<hbm>> -> memref<632x128xf32, #tpu.memory_space<hbm>>
        %dma_wait3A_30 = arith.constant 0 : i32
        %dma_wait3A_31 = tpu.memref_slice %arg9[%mul3A_0, %dma_wait3A_30] : memref<10112x128xf32, #tpu.memory_space<vmem_shared>> -> memref<632x128xf32, #tpu.memory_space<vmem_shared>>
        tpu.wait_dma2 semaphore(%run_scoped3A : memref<!tpu.dma_semaphore, #tpu.memory_space<semaphore_mem>>) src(%dma_wait3A_31 : memref<632x128xf32, #tpu.memory_space<vmem_shared>>) dst(%dma_wait3A_29 : memref<632x128xf32, #tpu.memory_space<hbm>>)
        tpu.yield
      }) : () -> ()
    } else {
    }
    %eq3A_21 = arith.constant 1 : i32
    %eq3A_22 = arith.cmpi eq, %arg0, %eq3A_21 : i32
    %convert_element_type3A_23 = arith.extui %eq3A_22 : i1 to i32
    %cond3A_24 = arith.constant 0 : i32
    %cond3A_25 = arith.cmpi ne, %convert_element_type3A_23, %cond3A_24 : i32
    scf.if %cond3A_25 {
      "tpu.region"() ({
        %run_scoped3A = tpu.sem_alloc : memref<!tpu.dma_semaphore, #tpu.memory_space<semaphore_mem>>
        %dma_start3A = arith.constant 0 : i32
        %dma_start3A_26 = tpu.memref_slice %arg6[%mul3A_0, %dma_start3A] : memref<10112x128xf32, #tpu.memory_space<hbm>> -> memref<632x128xf32, #tpu.memory_space<hbm>>
        %dma_start3A_27 = arith.constant 0 : i32
        %dma_start3A_28 = tpu.memref_slice %arg9[%mul3A_0, %dma_start3A_27] : memref<10112x128xf32, #tpu.memory_space<vmem_shared>> -> memref<632x128xf32, #tpu.memory_space<vmem_shared>>
        tpu.enqueue_dma source(%dma_start3A_28 : memref<632x128xf32, #tpu.memory_space<vmem_shared>>) target(%dma_start3A_26 : memref<632x128xf32, #tpu.memory_space<hbm>>) target_semaphore(%run_scoped3A : memref<!tpu.dma_semaphore, #tpu.memory_space<semaphore_mem>>)
        %dma_wait3A = arith.constant 0 : i32
        %dma_wait3A_29 = tpu.memref_slice %arg6[%mul3A_0, %dma_wait3A] : memref<10112x128xf32, #tpu.memory_space<hbm>> -> memref<632x128xf32, #tpu.memory_space<hbm>>
        %dma_wait3A_30 = arith.constant 0 : i32
        %dma_wait3A_31 = tpu.memref_slice %arg9[%mul3A_0, %dma_wait3A_30] : memref<10112x128xf32, #tpu.memory_space<vmem_shared>> -> memref<632x128xf32, #tpu.memory_space<vmem_shared>>
        tpu.wait_dma2 semaphore(%run_scoped3A : memref<!tpu.dma_semaphore, #tpu.memory_space<semaphore_mem>>) src(%dma_wait3A_31 : memref<632x128xf32, #tpu.memory_space<vmem_shared>>) dst(%dma_wait3A_29 : memref<632x128xf32, #tpu.memory_space<hbm>>)
        tpu.yield
      }) : () -> ()
    } else {
    }
    return
  }
}

#map = affine_map<(d0, d1) -> (0, 0)>
module attributes {stable_mosaic.version = 14 : i64} {
  func.func @_spmm_body(%arg0: i32, %arg1: i32, %arg2: memref<10000x128xf32, #tpu.memory_space<hbm>>, %arg3: memref<10000x128xf32, #tpu.memory_space<hbm>>, %arg4: memref<2560x128xi32, #tpu.memory_space<hbm>>, %arg5: memref<2560x128xi32, #tpu.memory_space<hbm>>, %arg6: memref<128x128xf32, #tpu.memory_space<hbm>>, %arg7: memref<10112x128xf32, #tpu.memory_space<hbm>>, %arg8: memref<10112x128xf32, #tpu.memory_space<hbm>>, %arg9: memref<32x128xi32, #tpu.memory_space<vmem>>, %arg10: memref<32x128xi32, #tpu.memory_space<vmem>>, %arg11: memref<128x128xf32, #tpu.memory_space<vmem>>, %arg12: memref<128x128xf32, #tpu.memory_space<vmem>>, %arg13: memref<10112x128xf32, #tpu.memory_space<vmem_shared>>, %arg14: memref<!tpu.dma_semaphore, #tpu.memory_space<semaphore_mem>>, %arg15: memref<!tpu.dma_semaphore, #tpu.memory_space<semaphore_mem>>) attributes {dimension_semantics = [#tpu.dimension_semantics<core_parallel>, #tpu.dimension_semantics<subcore_parallel>], iteration_bounds = array<i64: 2, 16>, scalar_prefetch = 0 : i64, scratch_operands = 7 : i64, tpu.core_type = #tpu.core_type<sc_vector_subcore>, window_params = [{transform_indices = #map}, {transform_indices = #map}, {transform_indices = #map}, {transform_indices = #map}, {transform_indices = #map}, {transform_indices = #map}, {transform_indices = #map}]} {
    %mul3A = arith.constant 632 : i32
    %mul3A_0 = arith.muli %arg1, %mul3A : i32
    "tpu.region"() ({
      %run_scoped3A = tpu.sem_alloc : memref<!tpu.dma_semaphore, #tpu.memory_space<semaphore_mem>>
      tpu.enqueue_dma source(%arg6 : memref<128x128xf32, #tpu.memory_space<hbm>>) target(%arg11 : memref<128x128xf32, #tpu.memory_space<vmem>>) target_semaphore(%run_scoped3A : memref<!tpu.dma_semaphore, #tpu.memory_space<semaphore_mem>>)
      tpu.wait_dma2 semaphore(%run_scoped3A : memref<!tpu.dma_semaphore, #tpu.memory_space<semaphore_mem>>) src(%arg6 : memref<128x128xf32, #tpu.memory_space<hbm>>) dst(%arg11 : memref<128x128xf32, #tpu.memory_space<vmem>>)
      tpu.yield
    }) : () -> ()
    %add3A = arith.constant 0 : i32
    %add3A_1 = arith.addi %mul3A_0, %add3A : i32
    "tpu.region"() ({
      %run_scoped3A = tpu.sem_alloc : memref<!tpu.dma_semaphore, #tpu.memory_space<semaphore_mem>>
      %dma_start3A = arith.constant 0 : i32
      %dma_start3A_28 = tpu.memref_slice %arg13[%add3A_1, %dma_start3A] : memref<10112x128xf32, #tpu.memory_space<vmem_shared>> -> memref<128x128xf32, #tpu.memory_space<vmem_shared>>
      %dma_start3A_29 = arith.constant 0 : i32
      %dma_start3A_30 = tpu.memref_slice %arg13[%add3A_1, %dma_start3A_29] : memref<10112x128xf32, #tpu.memory_space<vmem_shared>> -> memref<128x128xf32, #tpu.memory_space<vmem_shared>>
      tpu.enqueue_dma source(%arg11 : memref<128x128xf32, #tpu.memory_space<vmem>>) target(%dma_start3A_30 : memref<128x128xf32, #tpu.memory_space<vmem_shared>>) target_semaphore(%run_scoped3A : memref<!tpu.dma_semaphore, #tpu.memory_space<semaphore_mem>>)
      %dma_wait3A = arith.constant 0 : i32
      %dma_wait3A_31 = tpu.memref_slice %arg13[%add3A_1, %dma_wait3A] : memref<10112x128xf32, #tpu.memory_space<vmem_shared>> -> memref<128x128xf32, #tpu.memory_space<vmem_shared>>
      %dma_wait3A_32 = arith.constant 0 : i32
      %dma_wait3A_33 = tpu.memref_slice %arg13[%add3A_1, %dma_wait3A_32] : memref<10112x128xf32, #tpu.memory_space<vmem_shared>> -> memref<128x128xf32, #tpu.memory_space<vmem_shared>>
      tpu.wait_dma2 semaphore(%run_scoped3A : memref<!tpu.dma_semaphore, #tpu.memory_space<semaphore_mem>>) src(%arg11 : memref<128x128xf32, #tpu.memory_space<vmem>>) dst(%dma_wait3A_33 : memref<128x128xf32, #tpu.memory_space<vmem_shared>>)
      tpu.yield
    }) : () -> ()
    %add3A_2 = arith.constant 128 : i32
    %add3A_3 = arith.addi %mul3A_0, %add3A_2 : i32
    "tpu.region"() ({
      %run_scoped3A = tpu.sem_alloc : memref<!tpu.dma_semaphore, #tpu.memory_space<semaphore_mem>>
      %dma_start3A = arith.constant 0 : i32
      %dma_start3A_28 = tpu.memref_slice %arg13[%add3A_3, %dma_start3A] : memref<10112x128xf32, #tpu.memory_space<vmem_shared>> -> memref<128x128xf32, #tpu.memory_space<vmem_shared>>
      %dma_start3A_29 = arith.constant 0 : i32
      %dma_start3A_30 = tpu.memref_slice %arg13[%add3A_3, %dma_start3A_29] : memref<10112x128xf32, #tpu.memory_space<vmem_shared>> -> memref<128x128xf32, #tpu.memory_space<vmem_shared>>
      tpu.enqueue_dma source(%arg11 : memref<128x128xf32, #tpu.memory_space<vmem>>) target(%dma_start3A_30 : memref<128x128xf32, #tpu.memory_space<vmem_shared>>) target_semaphore(%run_scoped3A : memref<!tpu.dma_semaphore, #tpu.memory_space<semaphore_mem>>)
      %dma_wait3A = arith.constant 0 : i32
      %dma_wait3A_31 = tpu.memref_slice %arg13[%add3A_3, %dma_wait3A] : memref<10112x128xf32, #tpu.memory_space<vmem_shared>> -> memref<128x128xf32, #tpu.memory_space<vmem_shared>>
      %dma_wait3A_32 = arith.constant 0 : i32
      %dma_wait3A_33 = tpu.memref_slice %arg13[%add3A_3, %dma_wait3A_32] : memref<10112x128xf32, #tpu.memory_space<vmem_shared>> -> memref<128x128xf32, #tpu.memory_space<vmem_shared>>
      tpu.wait_dma2 semaphore(%run_scoped3A : memref<!tpu.dma_semaphore, #tpu.memory_space<semaphore_mem>>) src(%arg11 : memref<128x128xf32, #tpu.memory_space<vmem>>) dst(%dma_wait3A_33 : memref<128x128xf32, #tpu.memory_space<vmem_shared>>)
      tpu.yield
    }) : () -> ()
    %add3A_4 = arith.constant 256 : i32
    %add3A_5 = arith.addi %mul3A_0, %add3A_4 : i32
    "tpu.region"() ({
      %run_scoped3A = tpu.sem_alloc : memref<!tpu.dma_semaphore, #tpu.memory_space<semaphore_mem>>
      %dma_start3A = arith.constant 0 : i32
      %dma_start3A_28 = tpu.memref_slice %arg13[%add3A_5, %dma_start3A] : memref<10112x128xf32, #tpu.memory_space<vmem_shared>> -> memref<128x128xf32, #tpu.memory_space<vmem_shared>>
      %dma_start3A_29 = arith.constant 0 : i32
      %dma_start3A_30 = tpu.memref_slice %arg13[%add3A_5, %dma_start3A_29] : memref<10112x128xf32, #tpu.memory_space<vmem_shared>> -> memref<128x128xf32, #tpu.memory_space<vmem_shared>>
      tpu.enqueue_dma source(%arg11 : memref<128x128xf32, #tpu.memory_space<vmem>>) target(%dma_start3A_30 : memref<128x128xf32, #tpu.memory_space<vmem_shared>>) target_semaphore(%run_scoped3A : memref<!tpu.dma_semaphore, #tpu.memory_space<semaphore_mem>>)
      %dma_wait3A = arith.constant 0 : i32
      %dma_wait3A_31 = tpu.memref_slice %arg13[%add3A_5, %dma_wait3A] : memref<10112x128xf32, #tpu.memory_space<vmem_shared>> -> memref<128x128xf32, #tpu.memory_space<vmem_shared>>
      %dma_wait3A_32 = arith.constant 0 : i32
      %dma_wait3A_33 = tpu.memref_slice %arg13[%add3A_5, %dma_wait3A_32] : memref<10112x128xf32, #tpu.memory_space<vmem_shared>> -> memref<128x128xf32, #tpu.memory_space<vmem_shared>>
      tpu.wait_dma2 semaphore(%run_scoped3A : memref<!tpu.dma_semaphore, #tpu.memory_space<semaphore_mem>>) src(%arg11 : memref<128x128xf32, #tpu.memory_space<vmem>>) dst(%dma_wait3A_33 : memref<128x128xf32, #tpu.memory_space<vmem_shared>>)
      tpu.yield
    }) : () -> ()
    %add3A_6 = arith.constant 384 : i32
    %add3A_7 = arith.addi %mul3A_0, %add3A_6 : i32
    "tpu.region"() ({
      %run_scoped3A = tpu.sem_alloc : memref<!tpu.dma_semaphore, #tpu.memory_space<semaphore_mem>>
      %dma_start3A = arith.constant 0 : i32
      %dma_start3A_28 = tpu.memref_slice %arg13[%add3A_7, %dma_start3A] : memref<10112x128xf32, #tpu.memory_space<vmem_shared>> -> memref<128x128xf32, #tpu.memory_space<vmem_shared>>
      %dma_start3A_29 = arith.constant 0 : i32
      %dma_start3A_30 = tpu.memref_slice %arg13[%add3A_7, %dma_start3A_29] : memref<10112x128xf32, #tpu.memory_space<vmem_shared>> -> memref<128x128xf32, #tpu.memory_space<vmem_shared>>
      tpu.enqueue_dma source(%arg11 : memref<128x128xf32, #tpu.memory_space<vmem>>) target(%dma_start3A_30 : memref<128x128xf32, #tpu.memory_space<vmem_shared>>) target_semaphore(%run_scoped3A : memref<!tpu.dma_semaphore, #tpu.memory_space<semaphore_mem>>)
      %dma_wait3A = arith.constant 0 : i32
      %dma_wait3A_31 = tpu.memref_slice %arg13[%add3A_7, %dma_wait3A] : memref<10112x128xf32, #tpu.memory_space<vmem_shared>> -> memref<128x128xf32, #tpu.memory_space<vmem_shared>>
      %dma_wait3A_32 = arith.constant 0 : i32
      %dma_wait3A_33 = tpu.memref_slice %arg13[%add3A_7, %dma_wait3A_32] : memref<10112x128xf32, #tpu.memory_space<vmem_shared>> -> memref<128x128xf32, #tpu.memory_space<vmem_shared>>
      tpu.wait_dma2 semaphore(%run_scoped3A : memref<!tpu.dma_semaphore, #tpu.memory_space<semaphore_mem>>) src(%arg11 : memref<128x128xf32, #tpu.memory_space<vmem>>) dst(%dma_wait3A_33 : memref<128x128xf32, #tpu.memory_space<vmem_shared>>)
      tpu.yield
    }) : () -> ()
    %add3A_8 = arith.constant 512 : i32
    %add3A_9 = arith.addi %mul3A_0, %add3A_8 : i32
    "tpu.region"() ({
      %run_scoped3A = tpu.sem_alloc : memref<!tpu.dma_semaphore, #tpu.memory_space<semaphore_mem>>
      %dma_start3A = arith.constant 0 : i32
      %dma_start3A_28 = arith.constant 0 : i32
      %dma_start3A_29 = tpu.memref_slice %arg11[%dma_start3A, %dma_start3A_28] : memref<128x128xf32, #tpu.memory_space<vmem>> -> memref<120x128xf32, #tpu.memory_space<vmem>>
      %dma_start3A_30 = arith.constant 0 : i32
      %dma_start3A_31 = tpu.memref_slice %arg13[%add3A_9, %dma_start3A_30] : memref<10112x128xf32, #tpu.memory_space<vmem_shared>> -> memref<120x128xf32, #tpu.memory_space<vmem_shared>>
      %dma_start3A_32 = arith.constant 0 : i32
      %dma_start3A_33 = tpu.memref_slice %arg13[%add3A_9, %dma_start3A_32] : memref<10112x128xf32, #tpu.memory_space<vmem_shared>> -> memref<120x128xf32, #tpu.memory_space<vmem_shared>>
      %dma_start3A_34 = arith.constant 0 : i32
      %dma_start3A_35 = arith.constant 0 : i32
      %dma_start3A_36 = tpu.memref_slice %arg11[%dma_start3A_34, %dma_start3A_35] : memref<128x128xf32, #tpu.memory_space<vmem>> -> memref<120x128xf32, #tpu.memory_space<vmem>>
      tpu.enqueue_dma source(%dma_start3A_36 : memref<120x128xf32, #tpu.memory_space<vmem>>) target(%dma_start3A_33 : memref<120x128xf32, #tpu.memory_space<vmem_shared>>) target_semaphore(%run_scoped3A : memref<!tpu.dma_semaphore, #tpu.memory_space<semaphore_mem>>)
      %dma_wait3A = arith.constant 0 : i32
      %dma_wait3A_37 = arith.constant 0 : i32
      %dma_wait3A_38 = tpu.memref_slice %arg11[%dma_wait3A, %dma_wait3A_37] : memref<128x128xf32, #tpu.memory_space<vmem>> -> memref<120x128xf32, #tpu.memory_space<vmem>>
      %dma_wait3A_39 = arith.constant 0 : i32
      %dma_wait3A_40 = tpu.memref_slice %arg13[%add3A_9, %dma_wait3A_39] : memref<10112x128xf32, #tpu.memory_space<vmem_shared>> -> memref<120x128xf32, #tpu.memory_space<vmem_shared>>
      %dma_wait3A_41 = arith.constant 0 : i32
      %dma_wait3A_42 = tpu.memref_slice %arg13[%add3A_9, %dma_wait3A_41] : memref<10112x128xf32, #tpu.memory_space<vmem_shared>> -> memref<120x128xf32, #tpu.memory_space<vmem_shared>>
      %dma_wait3A_43 = arith.constant 0 : i32
      %dma_wait3A_44 = arith.constant 0 : i32
      %dma_wait3A_45 = tpu.memref_slice %arg11[%dma_wait3A_43, %dma_wait3A_44] : memref<128x128xf32, #tpu.memory_space<vmem>> -> memref<120x128xf32, #tpu.memory_space<vmem>>
      tpu.wait_dma2 semaphore(%run_scoped3A : memref<!tpu.dma_semaphore, #tpu.memory_space<semaphore_mem>>) src(%dma_wait3A_45 : memref<120x128xf32, #tpu.memory_space<vmem>>) dst(%dma_wait3A_42 : memref<120x128xf32, #tpu.memory_space<vmem_shared>>)
      tpu.yield
    }) : () -> ()
    %barrier3A = arith.constant 0 : index
    tpu.barrier barrier_id(%barrier3A)
    %eq3A = arith.constant 0 : i32
    %eq3A_10 = arith.cmpi eq, %arg0, %eq3A : i32
    %convert_element_type3A = arith.extui %eq3A_10 : i1 to i32
    %cond3A = arith.constant 0 : i32
    %cond3A_11 = arith.cmpi ne, %convert_element_type3A, %cond3A : i32
    scf.if %cond3A_11 {
      %scan3A = arith.constant 0 : i32
      %scan3A_28 = arith.constant 0 : i32
      %scan3A_29 = arith.constant 5 : i32
      %scan3A_30 = arith.addi %scan3A_28, %scan3A_29 : i32
      %scan3A_31 = arith.constant 1 : i32
      scf.for %scan3A_33 = %scan3A_28 to %scan3A_30 step %scan3A_31  : i32 {
        %mul3A_34 = arith.constant 160 : i32
        %mul3A_35 = arith.muli %arg1, %mul3A_34 : i32
        %mul3A_36 = arith.constant 32 : i32
        %mul3A_37 = arith.muli %scan3A_33, %mul3A_36 : i32
        %add3A_38 = arith.addi %mul3A_35, %mul3A_37 : i32
        "tpu.region"() ({
          %run_scoped3A = tpu.sem_alloc : memref<!tpu.dma_semaphore, #tpu.memory_space<semaphore_mem>>
          %dma_start3A_64 = arith.constant 0 : i32
          %dma_start3A_65 = tpu.memref_slice %arg5[%add3A_38, %dma_start3A_64] : memref<2560x128xi32, #tpu.memory_space<hbm>> -> memref<32x128xi32, #tpu.memory_space<hbm>>
          %dma_start3A_66 = arith.constant 0 : i32
          %dma_start3A_67 = tpu.memref_slice %arg5[%add3A_38, %dma_start3A_66] : memref<2560x128xi32, #tpu.memory_space<hbm>> -> memref<32x128xi32, #tpu.memory_space<hbm>>
          tpu.enqueue_dma source(%dma_start3A_67 : memref<32x128xi32, #tpu.memory_space<hbm>>) target(%arg9 : memref<32x128xi32, #tpu.memory_space<vmem>>) target_semaphore(%run_scoped3A : memref<!tpu.dma_semaphore, #tpu.memory_space<semaphore_mem>>)
          %dma_wait3A = arith.constant 0 : i32
          %dma_wait3A_68 = tpu.memref_slice %arg5[%add3A_38, %dma_wait3A] : memref<2560x128xi32, #tpu.memory_space<hbm>> -> memref<32x128xi32, #tpu.memory_space<hbm>>
          %dma_wait3A_69 = arith.constant 0 : i32
          %dma_wait3A_70 = tpu.memref_slice %arg5[%add3A_38, %dma_wait3A_69] : memref<2560x128xi32, #tpu.memory_space<hbm>> -> memref<32x128xi32, #tpu.memory_space<hbm>>
          tpu.wait_dma2 semaphore(%run_scoped3A : memref<!tpu.dma_semaphore, #tpu.memory_space<semaphore_mem>>) src(%dma_wait3A_70 : memref<32x128xi32, #tpu.memory_space<hbm>>) dst(%arg9 : memref<32x128xi32, #tpu.memory_space<vmem>>)
          tpu.yield
        }) : () -> ()
        "tpu.region"() ({
          %run_scoped3A = tpu.sem_alloc : memref<!tpu.dma_semaphore, #tpu.memory_space<semaphore_mem>>
          %dma_start3A_64 = arith.constant 0 : i32
          %dma_start3A_65 = tpu.memref_slice %arg4[%add3A_38, %dma_start3A_64] : memref<2560x128xi32, #tpu.memory_space<hbm>> -> memref<32x128xi32, #tpu.memory_space<hbm>>
          %dma_start3A_66 = arith.constant 0 : i32
          %dma_start3A_67 = tpu.memref_slice %arg4[%add3A_38, %dma_start3A_66] : memref<2560x128xi32, #tpu.memory_space<hbm>> -> memref<32x128xi32, #tpu.memory_space<hbm>>
          tpu.enqueue_dma source(%dma_start3A_67 : memref<32x128xi32, #tpu.memory_space<hbm>>) target(%arg10 : memref<32x128xi32, #tpu.memory_space<vmem>>) target_semaphore(%run_scoped3A : memref<!tpu.dma_semaphore, #tpu.memory_space<semaphore_mem>>)
          %dma_wait3A = arith.constant 0 : i32
          %dma_wait3A_68 = tpu.memref_slice %arg4[%add3A_38, %dma_wait3A] : memref<2560x128xi32, #tpu.memory_space<hbm>> -> memref<32x128xi32, #tpu.memory_space<hbm>>
          %dma_wait3A_69 = arith.constant 0 : i32
          %dma_wait3A_70 = tpu.memref_slice %arg4[%add3A_38, %dma_wait3A_69] : memref<2560x128xi32, #tpu.memory_space<hbm>> -> memref<32x128xi32, #tpu.memory_space<hbm>>
          tpu.wait_dma2 semaphore(%run_scoped3A : memref<!tpu.dma_semaphore, #tpu.memory_space<semaphore_mem>>) src(%dma_wait3A_70 : memref<32x128xi32, #tpu.memory_space<hbm>>) dst(%arg10 : memref<32x128xi32, #tpu.memory_space<vmem>>)
          tpu.yield
        }) : () -> ()
        %dma_start3A = arith.constant 0 : i32
        %dma_start3A_39 = arith.constant 0 : i32
        %dma_start3A_40 = arith.constant 0 : i32
        %dma_start3A_41 = tpu.memref_slice %arg11[%dma_start3A_39, %dma_start3A_40] : memref<128x128xf32, #tpu.memory_space<vmem>> -> memref<64x128xf32, #tpu.memory_space<vmem>>
        %dma_start3A_42 = arith.constant 0 : i32
        %dma_start3A_43 = tpu.memref_slice %arg9[%dma_start3A, %dma_start3A_42] : memref<32x128xi32, #tpu.memory_space<vmem>> -> memref<1x64xi32, #tpu.memory_space<vmem>>
        %dma_start3A_44 = tpu.memref_squeeze %dma_start3A_43 : memref<1x64xi32, #tpu.memory_space<vmem>> -> memref<64xi32, #tpu.memory_space<vmem>>
        %dma_start3A_45 = arith.constant 0 : i32
        %dma_start3A_46 = arith.constant 0 : i32
        %dma_start3A_47 = tpu.memref_slice %arg2[%dma_start3A_45, %dma_start3A_46] : memref<10000x128xf32, #tpu.memory_space<hbm>> -> memref<10000x128xf32, #tpu.memory_space<hbm>>
        tpu.enqueue_indirect_dma source(%dma_start3A_47 : memref<10000x128xf32, #tpu.memory_space<hbm>>) target(%dma_start3A_41 : memref<64x128xf32, #tpu.memory_space<vmem>>) offsets(%dma_start3A_44 : memref<64xi32, #tpu.memory_space<vmem>>) semaphore(%arg14 : memref<!tpu.dma_semaphore, #tpu.memory_space<semaphore_mem>>)
        %dma_start3A_48 = arith.constant 0 : i32
        %dma_start3A_49 = arith.constant 64 : i32
        %dma_start3A_50 = arith.constant 0 : i32
        %dma_start3A_51 = tpu.memref_slice %arg11[%dma_start3A_49, %dma_start3A_50] : memref<128x128xf32, #tpu.memory_space<vmem>> -> memref<64x128xf32, #tpu.memory_space<vmem>>
        %dma_start3A_52 = arith.constant 64 : i32
        %dma_start3A_53 = tpu.memref_slice %arg9[%dma_start3A_48, %dma_start3A_52] : memref<32x128xi32, #tpu.memory_space<vmem>> -> memref<1x64xi32, #tpu.memory_space<vmem>>
        %dma_start3A_54 = tpu.memref_squeeze %dma_start3A_53 : memref<1x64xi32, #tpu.memory_space<vmem>> -> memref<64xi32, #tpu.memory_space<vmem>>
        %dma_start3A_55 = arith.constant 0 : i32
        %dma_start3A_56 = arith.constant 0 : i32
        %dma_start3A_57 = tpu.memref_slice %arg2[%dma_start3A_55, %dma_start3A_56] : memref<10000x128xf32, #tpu.memory_space<hbm>> -> memref<10000x128xf32, #tpu.memory_space<hbm>>
        tpu.enqueue_indirect_dma source(%dma_start3A_57 : memref<10000x128xf32, #tpu.memory_space<hbm>>) target(%dma_start3A_51 : memref<64x128xf32, #tpu.memory_space<vmem>>) offsets(%dma_start3A_54 : memref<64xi32, #tpu.memory_space<vmem>>) semaphore(%arg14 : memref<!tpu.dma_semaphore, #tpu.memory_space<semaphore_mem>>)
        %scan3A_58 = arith.constant 0 : i32
        %scan3A_59 = arith.constant 0 : i32
        %scan3A_60 = arith.constant 16 : i32
        %scan3A_61 = arith.addi %scan3A_59, %scan3A_60 : i32
        %scan3A_62 = arith.constant 1 : i32
        scf.for %scan3A_64 = %scan3A_59 to %scan3A_61 step %scan3A_62  : i32 {
          %mul3A_65 = arith.constant 2 : i32
          %mul3A_66 = arith.muli %mul3A_65, %scan3A_64 : i32
          %add3A_67 = arith.constant 1 : i32
          %add3A_68 = arith.addi %mul3A_66, %add3A_67 : i32
          %dma_start3A_69 = arith.constant 0 : i32
          %dma_start3A_70 = arith.constant 0 : i32
          %dma_start3A_71 = tpu.memref_slice %arg12[%dma_start3A_69, %dma_start3A_70] : memref<128x128xf32, #tpu.memory_space<vmem>> -> memref<64x128xf32, #tpu.memory_space<vmem>>
          %dma_start3A_72 = arith.constant 0 : i32
          %dma_start3A_73 = tpu.memref_slice %arg9[%add3A_68, %dma_start3A_72] : memref<32x128xi32, #tpu.memory_space<vmem>> -> memref<1x64xi32, #tpu.memory_space<vmem>>
          %dma_start3A_74 = tpu.memref_squeeze %dma_start3A_73 : memref<1x64xi32, #tpu.memory_space<vmem>> -> memref<64xi32, #tpu.memory_space<vmem>>
          %dma_start3A_75 = arith.constant 0 : i32
          %dma_start3A_76 = arith.constant 0 : i32
          %dma_start3A_77 = tpu.memref_slice %arg2[%dma_start3A_75, %dma_start3A_76] : memref<10000x128xf32, #tpu.memory_space<hbm>> -> memref<10000x128xf32, #tpu.memory_space<hbm>>
          tpu.enqueue_indirect_dma source(%dma_start3A_77 : memref<10000x128xf32, #tpu.memory_space<hbm>>) target(%dma_start3A_71 : memref<64x128xf32, #tpu.memory_space<vmem>>) offsets(%dma_start3A_74 : memref<64xi32, #tpu.memory_space<vmem>>) semaphore(%arg15 : memref<!tpu.dma_semaphore, #tpu.memory_space<semaphore_mem>>)
          %dma_start3A_78 = arith.constant 64 : i32
          %dma_start3A_79 = arith.constant 0 : i32
          %dma_start3A_80 = tpu.memref_slice %arg12[%dma_start3A_78, %dma_start3A_79] : memref<128x128xf32, #tpu.memory_space<vmem>> -> memref<64x128xf32, #tpu.memory_space<vmem>>
          %dma_start3A_81 = arith.constant 64 : i32
          %dma_start3A_82 = tpu.memref_slice %arg9[%add3A_68, %dma_start3A_81] : memref<32x128xi32, #tpu.memory_space<vmem>> -> memref<1x64xi32, #tpu.memory_space<vmem>>
          %dma_start3A_83 = tpu.memref_squeeze %dma_start3A_82 : memref<1x64xi32, #tpu.memory_space<vmem>> -> memref<64xi32, #tpu.memory_space<vmem>>
          %dma_start3A_84 = arith.constant 0 : i32
          %dma_start3A_85 = arith.constant 0 : i32
          %dma_start3A_86 = tpu.memref_slice %arg2[%dma_start3A_84, %dma_start3A_85] : memref<10000x128xf32, #tpu.memory_space<hbm>> -> memref<10000x128xf32, #tpu.memory_space<hbm>>
          tpu.enqueue_indirect_dma source(%dma_start3A_86 : memref<10000x128xf32, #tpu.memory_space<hbm>>) target(%dma_start3A_80 : memref<64x128xf32, #tpu.memory_space<vmem>>) offsets(%dma_start3A_83 : memref<64xi32, #tpu.memory_space<vmem>>) semaphore(%arg15 : memref<!tpu.dma_semaphore, #tpu.memory_space<semaphore_mem>>)
          %dma_wait3A = arith.constant 0 : i32
          %dma_wait3A_87 = arith.constant 0 : i32
          %dma_wait3A_88 = arith.constant 0 : i32
          %dma_wait3A_89 = tpu.memref_slice %arg11[%dma_wait3A_87, %dma_wait3A_88] : memref<128x128xf32, #tpu.memory_space<vmem>> -> memref<64x128xf32, #tpu.memory_space<vmem>>
          %dma_wait3A_90 = arith.constant 0 : i32
          %dma_wait3A_91 = tpu.memref_slice %arg9[%dma_wait3A, %dma_wait3A_90] : memref<32x128xi32, #tpu.memory_space<vmem>> -> memref<1x64xi32, #tpu.memory_space<vmem>>
          %dma_wait3A_92 = tpu.memref_squeeze %dma_wait3A_91 : memref<1x64xi32, #tpu.memory_space<vmem>> -> memref<64xi32, #tpu.memory_space<vmem>>
          %dma_wait3A_93 = arith.constant 0 : i32
          %dma_wait3A_94 = arith.constant 0 : i32
          %dma_wait3A_95 = tpu.memref_slice %arg2[%dma_wait3A_93, %dma_wait3A_94] : memref<10000x128xf32, #tpu.memory_space<hbm>> -> memref<10000x128xf32, #tpu.memory_space<hbm>>
          tpu.wait_indirect_dma semaphore(%arg14 : memref<!tpu.dma_semaphore, #tpu.memory_space<semaphore_mem>>) src(%dma_wait3A_95 : memref<10000x128xf32, #tpu.memory_space<hbm>>) dst(%dma_wait3A_89 : memref<64x128xf32, #tpu.memory_space<vmem>>)
          %dma_wait3A_96 = arith.constant 0 : i32
          %dma_wait3A_97 = arith.constant 64 : i32
          %dma_wait3A_98 = arith.constant 0 : i32
          %dma_wait3A_99 = tpu.memref_slice %arg11[%dma_wait3A_97, %dma_wait3A_98] : memref<128x128xf32, #tpu.memory_space<vmem>> -> memref<64x128xf32, #tpu.memory_space<vmem>>
          %dma_wait3A_100 = arith.constant 0 : i32
          %dma_wait3A_101 = tpu.memref_slice %arg9[%dma_wait3A_96, %dma_wait3A_100] : memref<32x128xi32, #tpu.memory_space<vmem>> -> memref<1x64xi32, #tpu.memory_space<vmem>>
          %dma_wait3A_102 = tpu.memref_squeeze %dma_wait3A_101 : memref<1x64xi32, #tpu.memory_space<vmem>> -> memref<64xi32, #tpu.memory_space<vmem>>
          %dma_wait3A_103 = arith.constant 0 : i32
          %dma_wait3A_104 = arith.constant 0 : i32
          %dma_wait3A_105 = tpu.memref_slice %arg2[%dma_wait3A_103, %dma_wait3A_104] : memref<10000x128xf32, #tpu.memory_space<hbm>> -> memref<10000x128xf32, #tpu.memory_space<hbm>>
          tpu.wait_indirect_dma semaphore(%arg14 : memref<!tpu.dma_semaphore, #tpu.memory_space<semaphore_mem>>) src(%dma_wait3A_105 : memref<10000x128xf32, #tpu.memory_space<hbm>>) dst(%dma_wait3A_99 : memref<64x128xf32, #tpu.memory_space<vmem>>)
          "tpu.region"() ({
            %run_scoped3A = tpu.sem_alloc : memref<!tpu.dma_semaphore, #tpu.memory_space<semaphore_mem>>
            %dma_start3A_132 = arith.constant 0 : i32
            %dma_start3A_133 = tpu.memref_slice %arg10[%mul3A_66, %dma_start3A_132] : memref<32x128xi32, #tpu.memory_space<vmem>> -> memref<1x128xi32, #tpu.memory_space<vmem>>
            %dma_start3A_134 = tpu.memref_squeeze %dma_start3A_133 : memref<1x128xi32, #tpu.memory_space<vmem>> -> memref<128xi32, #tpu.memory_space<vmem>>
            %dma_start3A_135 = arith.constant 0 : i32
            %dma_start3A_136 = arith.constant 0 : i32
            %dma_start3A_137 = tpu.memref_slice %arg13[%dma_start3A_135, %dma_start3A_136] : memref<10112x128xf32, #tpu.memory_space<vmem_shared>> -> memref<10112x128xf32, #tpu.memory_space<vmem_shared>>
            tpu.enqueue_indirect_dma source(%arg11 : memref<128x128xf32, #tpu.memory_space<vmem>>) target(%dma_start3A_137 : memref<10112x128xf32, #tpu.memory_space<vmem_shared>>) offsets(%dma_start3A_134 : memref<128xi32, #tpu.memory_space<vmem>>) semaphore(%run_scoped3A : memref<!tpu.dma_semaphore, #tpu.memory_space<semaphore_mem>>) {add = true}
            %dma_wait3A_138 = arith.constant 0 : i32
            %dma_wait3A_139 = tpu.memref_slice %arg10[%mul3A_66, %dma_wait3A_138] : memref<32x128xi32, #tpu.memory_space<vmem>> -> memref<1x128xi32, #tpu.memory_space<vmem>>
            %dma_wait3A_140 = tpu.memref_squeeze %dma_wait3A_139 : memref<1x128xi32, #tpu.memory_space<vmem>> -> memref<128xi32, #tpu.memory_space<vmem>>
            %dma_wait3A_141 = arith.constant 0 : i32
            %dma_wait3A_142 = arith.constant 0 : i32
            %dma_wait3A_143 = tpu.memref_slice %arg13[%dma_wait3A_141, %dma_wait3A_142] : memref<10112x128xf32, #tpu.memory_space<vmem_shared>> -> memref<10112x128xf32, #tpu.memory_space<vmem_shared>>
            tpu.wait_indirect_dma semaphore(%run_scoped3A : memref<!tpu.dma_semaphore, #tpu.memory_space<semaphore_mem>>) src(%arg11 : memref<128x128xf32, #tpu.memory_space<vmem>>) dst(%dma_wait3A_143 : memref<10112x128xf32, #tpu.memory_space<vmem_shared>>)
            tpu.yield
          }) : () -> ()
          %lt3A = arith.constant 15 : i32
          %lt3A_106 = arith.cmpi slt, %scan3A_64, %lt3A : i32
          %convert_element_type3A_107 = arith.extui %lt3A_106 : i1 to i32
          %cond3A_108 = arith.constant 0 : i32
          %cond3A_109 = arith.cmpi ne, %convert_element_type3A_107, %cond3A_108 : i32
          scf.if %cond3A_109 {
            %add3A_132 = arith.constant 2 : i32
            %add3A_133 = arith.addi %mul3A_66, %add3A_132 : i32
            %dma_start3A_134 = arith.constant 0 : i32
            %dma_start3A_135 = arith.constant 0 : i32
            %dma_start3A_136 = tpu.memref_slice %arg11[%dma_start3A_134, %dma_start3A_135] : memref<128x128xf32, #tpu.memory_space<vmem>> -> memref<64x128xf32, #tpu.memory_space<vmem>>
            %dma_start3A_137 = arith.constant 0 : i32
            %dma_start3A_138 = tpu.memref_slice %arg9[%add3A_133, %dma_start3A_137] : memref<32x128xi32, #tpu.memory_space<vmem>> -> memref<1x64xi32, #tpu.memory_space<vmem>>
            %dma_start3A_139 = tpu.memref_squeeze %dma_start3A_138 : memref<1x64xi32, #tpu.memory_space<vmem>> -> memref<64xi32, #tpu.memory_space<vmem>>
            %dma_start3A_140 = arith.constant 0 : i32
            %dma_start3A_141 = arith.constant 0 : i32
            %dma_start3A_142 = tpu.memref_slice %arg2[%dma_start3A_140, %dma_start3A_141] : memref<10000x128xf32, #tpu.memory_space<hbm>> -> memref<10000x128xf32, #tpu.memory_space<hbm>>
            tpu.enqueue_indirect_dma source(%dma_start3A_142 : memref<10000x128xf32, #tpu.memory_space<hbm>>) target(%dma_start3A_136 : memref<64x128xf32, #tpu.memory_space<vmem>>) offsets(%dma_start3A_139 : memref<64xi32, #tpu.memory_space<vmem>>) semaphore(%arg14 : memref<!tpu.dma_semaphore, #tpu.memory_space<semaphore_mem>>)
            %dma_start3A_143 = arith.constant 64 : i32
            %dma_start3A_144 = arith.constant 0 : i32
            %dma_start3A_145 = tpu.memref_slice %arg11[%dma_start3A_143, %dma_start3A_144] : memref<128x128xf32, #tpu.memory_space<vmem>> -> memref<64x128xf32, #tpu.memory_space<vmem>>
            %dma_start3A_146 = arith.constant 64 : i32
            %dma_start3A_147 = tpu.memref_slice %arg9[%add3A_133, %dma_start3A_146] : memref<32x128xi32, #tpu.memory_space<vmem>> -> memref<1x64xi32, #tpu.memory_space<vmem>>
            %dma_start3A_148 = tpu.memref_squeeze %dma_start3A_147 : memref<1x64xi32, #tpu.memory_space<vmem>> -> memref<64xi32, #tpu.memory_space<vmem>>
            %dma_start3A_149 = arith.constant 0 : i32
            %dma_start3A_150 = arith.constant 0 : i32
            %dma_start3A_151 = tpu.memref_slice %arg2[%dma_start3A_149, %dma_start3A_150] : memref<10000x128xf32, #tpu.memory_space<hbm>> -> memref<10000x128xf32, #tpu.memory_space<hbm>>
            tpu.enqueue_indirect_dma source(%dma_start3A_151 : memref<10000x128xf32, #tpu.memory_space<hbm>>) target(%dma_start3A_145 : memref<64x128xf32, #tpu.memory_space<vmem>>) offsets(%dma_start3A_148 : memref<64xi32, #tpu.memory_space<vmem>>) semaphore(%arg14 : memref<!tpu.dma_semaphore, #tpu.memory_space<semaphore_mem>>)
          } else {
          }
          %dma_wait3A_110 = arith.constant 0 : i32
          %dma_wait3A_111 = arith.constant 0 : i32
          %dma_wait3A_112 = arith.constant 0 : i32
          %dma_wait3A_113 = tpu.memref_slice %arg12[%dma_wait3A_111, %dma_wait3A_112] : memref<128x128xf32, #tpu.memory_space<vmem>> -> memref<64x128xf32, #tpu.memory_space<vmem>>
          %dma_wait3A_114 = arith.constant 0 : i32
          %dma_wait3A_115 = tpu.memref_slice %arg9[%dma_wait3A_110, %dma_wait3A_114] : memref<32x128xi32, #tpu.memory_space<vmem>> -> memref<1x64xi32, #tpu.memory_space<vmem>>
          %dma_wait3A_116 = tpu.memref_squeeze %dma_wait3A_115 : memref<1x64xi32, #tpu.memory_space<vmem>> -> memref<64xi32, #tpu.memory_space<vmem>>
          %dma_wait3A_117 = arith.constant 0 : i32
          %dma_wait3A_118 = arith.constant 0 : i32
          %dma_wait3A_119 = tpu.memref_slice %arg2[%dma_wait3A_117, %dma_wait3A_118] : memref<10000x128xf32, #tpu.memory_space<hbm>> -> memref<10000x128xf32, #tpu.memory_space<hbm>>
          tpu.wait_indirect_dma semaphore(%arg15 : memref<!tpu.dma_semaphore, #tpu.memory_space<semaphore_mem>>) src(%dma_wait3A_119 : memref<10000x128xf32, #tpu.memory_space<hbm>>) dst(%dma_wait3A_113 : memref<64x128xf32, #tpu.memory_space<vmem>>)
          %dma_wait3A_120 = arith.constant 0 : i32
          %dma_wait3A_121 = arith.constant 64 : i32
          %dma_wait3A_122 = arith.constant 0 : i32
          %dma_wait3A_123 = tpu.memref_slice %arg12[%dma_wait3A_121, %dma_wait3A_122] : memref<128x128xf32, #tpu.memory_space<vmem>> -> memref<64x128xf32, #tpu.memory_space<vmem>>
          %dma_wait3A_124 = arith.constant 0 : i32
          %dma_wait3A_125 = tpu.memref_slice %arg9[%dma_wait3A_120, %dma_wait3A_124] : memref<32x128xi32, #tpu.memory_space<vmem>> -> memref<1x64xi32, #tpu.memory_space<vmem>>
          %dma_wait3A_126 = tpu.memref_squeeze %dma_wait3A_125 : memref<1x64xi32, #tpu.memory_space<vmem>> -> memref<64xi32, #tpu.memory_space<vmem>>
          %dma_wait3A_127 = arith.constant 0 : i32
          %dma_wait3A_128 = arith.constant 0 : i32
          %dma_wait3A_129 = tpu.memref_slice %arg2[%dma_wait3A_127, %dma_wait3A_128] : memref<10000x128xf32, #tpu.memory_space<hbm>> -> memref<10000x128xf32, #tpu.memory_space<hbm>>
          tpu.wait_indirect_dma semaphore(%arg15 : memref<!tpu.dma_semaphore, #tpu.memory_space<semaphore_mem>>) src(%dma_wait3A_129 : memref<10000x128xf32, #tpu.memory_space<hbm>>) dst(%dma_wait3A_123 : memref<64x128xf32, #tpu.memory_space<vmem>>)
          %add3A_130 = arith.constant 1 : i32
          %add3A_131 = arith.addi %mul3A_66, %add3A_130 : i32
          "tpu.region"() ({
            %run_scoped3A = tpu.sem_alloc : memref<!tpu.dma_semaphore, #tpu.memory_space<semaphore_mem>>
            %dma_start3A_132 = arith.constant 0 : i32
            %dma_start3A_133 = tpu.memref_slice %arg10[%add3A_131, %dma_start3A_132] : memref<32x128xi32, #tpu.memory_space<vmem>> -> memref<1x128xi32, #tpu.memory_space<vmem>>
            %dma_start3A_134 = tpu.memref_squeeze %dma_start3A_133 : memref<1x128xi32, #tpu.memory_space<vmem>> -> memref<128xi32, #tpu.memory_space<vmem>>
            %dma_start3A_135 = arith.constant 0 : i32
            %dma_start3A_136 = arith.constant 0 : i32
            %dma_start3A_137 = tpu.memref_slice %arg13[%dma_start3A_135, %dma_start3A_136] : memref<10112x128xf32, #tpu.memory_space<vmem_shared>> -> memref<10112x128xf32, #tpu.memory_space<vmem_shared>>
            tpu.enqueue_indirect_dma source(%arg12 : memref<128x128xf32, #tpu.memory_space<vmem>>) target(%dma_start3A_137 : memref<10112x128xf32, #tpu.memory_space<vmem_shared>>) offsets(%dma_start3A_134 : memref<128xi32, #tpu.memory_space<vmem>>) semaphore(%run_scoped3A : memref<!tpu.dma_semaphore, #tpu.memory_space<semaphore_mem>>) {add = true}
            %dma_wait3A_138 = arith.constant 0 : i32
            %dma_wait3A_139 = tpu.memref_slice %arg10[%add3A_131, %dma_wait3A_138] : memref<32x128xi32, #tpu.memory_space<vmem>> -> memref<1x128xi32, #tpu.memory_space<vmem>>
            %dma_wait3A_140 = tpu.memref_squeeze %dma_wait3A_139 : memref<1x128xi32, #tpu.memory_space<vmem>> -> memref<128xi32, #tpu.memory_space<vmem>>
            %dma_wait3A_141 = arith.constant 0 : i32
            %dma_wait3A_142 = arith.constant 0 : i32
            %dma_wait3A_143 = tpu.memref_slice %arg13[%dma_wait3A_141, %dma_wait3A_142] : memref<10112x128xf32, #tpu.memory_space<vmem_shared>> -> memref<10112x128xf32, #tpu.memory_space<vmem_shared>>
            tpu.wait_indirect_dma semaphore(%run_scoped3A : memref<!tpu.dma_semaphore, #tpu.memory_space<semaphore_mem>>) src(%arg12 : memref<128x128xf32, #tpu.memory_space<vmem>>) dst(%dma_wait3A_143 : memref<10112x128xf32, #tpu.memory_space<vmem_shared>>)
            tpu.yield
          }) : () -> ()
        }
        %scan3A_63 = arith.constant 16 : i32
      }
      %scan3A_32 = arith.constant 5 : i32
    } else {
    }
    %eq3A_12 = arith.constant 1 : i32
    %eq3A_13 = arith.cmpi eq, %arg0, %eq3A_12 : i32
    %convert_element_type3A_14 = arith.extui %eq3A_13 : i1 to i32
    %cond3A_15 = arith.constant 0 : i32
    %cond3A_16 = arith.cmpi ne, %convert_element_type3A_14, %cond3A_15 : i32
    scf.if %cond3A_16 {
      %scan3A = arith.constant 0 : i32
      %scan3A_28 = arith.constant 0 : i32
      %scan3A_29 = arith.constant 5 : i32
      %scan3A_30 = arith.addi %scan3A_28, %scan3A_29 : i32
      %scan3A_31 = arith.constant 1 : i32
      scf.for %scan3A_33 = %scan3A_28 to %scan3A_30 step %scan3A_31  : i32 {
        %mul3A_34 = arith.constant 160 : i32
        %mul3A_35 = arith.muli %arg1, %mul3A_34 : i32
        %mul3A_36 = arith.constant 32 : i32
        %mul3A_37 = arith.muli %scan3A_33, %mul3A_36 : i32
        %add3A_38 = arith.addi %mul3A_35, %mul3A_37 : i32
        "tpu.region"() ({
          %run_scoped3A = tpu.sem_alloc : memref<!tpu.dma_semaphore, #tpu.memory_space<semaphore_mem>>
          %dma_start3A_64 = arith.constant 0 : i32
          %dma_start3A_65 = tpu.memref_slice %arg5[%add3A_38, %dma_start3A_64] : memref<2560x128xi32, #tpu.memory_space<hbm>> -> memref<32x128xi32, #tpu.memory_space<hbm>>
          %dma_start3A_66 = arith.constant 0 : i32
          %dma_start3A_67 = tpu.memref_slice %arg5[%add3A_38, %dma_start3A_66] : memref<2560x128xi32, #tpu.memory_space<hbm>> -> memref<32x128xi32, #tpu.memory_space<hbm>>
          tpu.enqueue_dma source(%dma_start3A_67 : memref<32x128xi32, #tpu.memory_space<hbm>>) target(%arg9 : memref<32x128xi32, #tpu.memory_space<vmem>>) target_semaphore(%run_scoped3A : memref<!tpu.dma_semaphore, #tpu.memory_space<semaphore_mem>>)
          %dma_wait3A = arith.constant 0 : i32
          %dma_wait3A_68 = tpu.memref_slice %arg5[%add3A_38, %dma_wait3A] : memref<2560x128xi32, #tpu.memory_space<hbm>> -> memref<32x128xi32, #tpu.memory_space<hbm>>
          %dma_wait3A_69 = arith.constant 0 : i32
          %dma_wait3A_70 = tpu.memref_slice %arg5[%add3A_38, %dma_wait3A_69] : memref<2560x128xi32, #tpu.memory_space<hbm>> -> memref<32x128xi32, #tpu.memory_space<hbm>>
          tpu.wait_dma2 semaphore(%run_scoped3A : memref<!tpu.dma_semaphore, #tpu.memory_space<semaphore_mem>>) src(%dma_wait3A_70 : memref<32x128xi32, #tpu.memory_space<hbm>>) dst(%arg9 : memref<32x128xi32, #tpu.memory_space<vmem>>)
          tpu.yield
        }) : () -> ()
        "tpu.region"() ({
          %run_scoped3A = tpu.sem_alloc : memref<!tpu.dma_semaphore, #tpu.memory_space<semaphore_mem>>
          %dma_start3A_64 = arith.constant 0 : i32
          %dma_start3A_65 = tpu.memref_slice %arg4[%add3A_38, %dma_start3A_64] : memref<2560x128xi32, #tpu.memory_space<hbm>> -> memref<32x128xi32, #tpu.memory_space<hbm>>
          %dma_start3A_66 = arith.constant 0 : i32
          %dma_start3A_67 = tpu.memref_slice %arg4[%add3A_38, %dma_start3A_66] : memref<2560x128xi32, #tpu.memory_space<hbm>> -> memref<32x128xi32, #tpu.memory_space<hbm>>
          tpu.enqueue_dma source(%dma_start3A_67 : memref<32x128xi32, #tpu.memory_space<hbm>>) target(%arg10 : memref<32x128xi32, #tpu.memory_space<vmem>>) target_semaphore(%run_scoped3A : memref<!tpu.dma_semaphore, #tpu.memory_space<semaphore_mem>>)
          %dma_wait3A = arith.constant 0 : i32
          %dma_wait3A_68 = tpu.memref_slice %arg4[%add3A_38, %dma_wait3A] : memref<2560x128xi32, #tpu.memory_space<hbm>> -> memref<32x128xi32, #tpu.memory_space<hbm>>
          %dma_wait3A_69 = arith.constant 0 : i32
          %dma_wait3A_70 = tpu.memref_slice %arg4[%add3A_38, %dma_wait3A_69] : memref<2560x128xi32, #tpu.memory_space<hbm>> -> memref<32x128xi32, #tpu.memory_space<hbm>>
          tpu.wait_dma2 semaphore(%run_scoped3A : memref<!tpu.dma_semaphore, #tpu.memory_space<semaphore_mem>>) src(%dma_wait3A_70 : memref<32x128xi32, #tpu.memory_space<hbm>>) dst(%arg10 : memref<32x128xi32, #tpu.memory_space<vmem>>)
          tpu.yield
        }) : () -> ()
        %dma_start3A = arith.constant 0 : i32
        %dma_start3A_39 = arith.constant 0 : i32
        %dma_start3A_40 = arith.constant 0 : i32
        %dma_start3A_41 = tpu.memref_slice %arg11[%dma_start3A_39, %dma_start3A_40] : memref<128x128xf32, #tpu.memory_space<vmem>> -> memref<64x128xf32, #tpu.memory_space<vmem>>
        %dma_start3A_42 = arith.constant 0 : i32
        %dma_start3A_43 = tpu.memref_slice %arg9[%dma_start3A, %dma_start3A_42] : memref<32x128xi32, #tpu.memory_space<vmem>> -> memref<1x64xi32, #tpu.memory_space<vmem>>
        %dma_start3A_44 = tpu.memref_squeeze %dma_start3A_43 : memref<1x64xi32, #tpu.memory_space<vmem>> -> memref<64xi32, #tpu.memory_space<vmem>>
        %dma_start3A_45 = arith.constant 0 : i32
        %dma_start3A_46 = arith.constant 0 : i32
        %dma_start3A_47 = tpu.memref_slice %arg3[%dma_start3A_45, %dma_start3A_46] : memref<10000x128xf32, #tpu.memory_space<hbm>> -> memref<10000x128xf32, #tpu.memory_space<hbm>>
        tpu.enqueue_indirect_dma source(%dma_start3A_47 : memref<10000x128xf32, #tpu.memory_space<hbm>>) target(%dma_start3A_41 : memref<64x128xf32, #tpu.memory_space<vmem>>) offsets(%dma_start3A_44 : memref<64xi32, #tpu.memory_space<vmem>>) semaphore(%arg14 : memref<!tpu.dma_semaphore, #tpu.memory_space<semaphore_mem>>)
        %dma_start3A_48 = arith.constant 0 : i32
        %dma_start3A_49 = arith.constant 64 : i32
        %dma_start3A_50 = arith.constant 0 : i32
        %dma_start3A_51 = tpu.memref_slice %arg11[%dma_start3A_49, %dma_start3A_50] : memref<128x128xf32, #tpu.memory_space<vmem>> -> memref<64x128xf32, #tpu.memory_space<vmem>>
        %dma_start3A_52 = arith.constant 64 : i32
        %dma_start3A_53 = tpu.memref_slice %arg9[%dma_start3A_48, %dma_start3A_52] : memref<32x128xi32, #tpu.memory_space<vmem>> -> memref<1x64xi32, #tpu.memory_space<vmem>>
        %dma_start3A_54 = tpu.memref_squeeze %dma_start3A_53 : memref<1x64xi32, #tpu.memory_space<vmem>> -> memref<64xi32, #tpu.memory_space<vmem>>
        %dma_start3A_55 = arith.constant 0 : i32
        %dma_start3A_56 = arith.constant 0 : i32
        %dma_start3A_57 = tpu.memref_slice %arg3[%dma_start3A_55, %dma_start3A_56] : memref<10000x128xf32, #tpu.memory_space<hbm>> -> memref<10000x128xf32, #tpu.memory_space<hbm>>
        tpu.enqueue_indirect_dma source(%dma_start3A_57 : memref<10000x128xf32, #tpu.memory_space<hbm>>) target(%dma_start3A_51 : memref<64x128xf32, #tpu.memory_space<vmem>>) offsets(%dma_start3A_54 : memref<64xi32, #tpu.memory_space<vmem>>) semaphore(%arg14 : memref<!tpu.dma_semaphore, #tpu.memory_space<semaphore_mem>>)
        %scan3A_58 = arith.constant 0 : i32
        %scan3A_59 = arith.constant 0 : i32
        %scan3A_60 = arith.constant 16 : i32
        %scan3A_61 = arith.addi %scan3A_59, %scan3A_60 : i32
        %scan3A_62 = arith.constant 1 : i32
        scf.for %scan3A_64 = %scan3A_59 to %scan3A_61 step %scan3A_62  : i32 {
          %mul3A_65 = arith.constant 2 : i32
          %mul3A_66 = arith.muli %mul3A_65, %scan3A_64 : i32
          %add3A_67 = arith.constant 1 : i32
          %add3A_68 = arith.addi %mul3A_66, %add3A_67 : i32
          %dma_start3A_69 = arith.constant 0 : i32
          %dma_start3A_70 = arith.constant 0 : i32
          %dma_start3A_71 = tpu.memref_slice %arg12[%dma_start3A_69, %dma_start3A_70] : memref<128x128xf32, #tpu.memory_space<vmem>> -> memref<64x128xf32, #tpu.memory_space<vmem>>
          %dma_start3A_72 = arith.constant 0 : i32
          %dma_start3A_73 = tpu.memref_slice %arg9[%add3A_68, %dma_start3A_72] : memref<32x128xi32, #tpu.memory_space<vmem>> -> memref<1x64xi32, #tpu.memory_space<vmem>>
          %dma_start3A_74 = tpu.memref_squeeze %dma_start3A_73 : memref<1x64xi32, #tpu.memory_space<vmem>> -> memref<64xi32, #tpu.memory_space<vmem>>
          %dma_start3A_75 = arith.constant 0 : i32
          %dma_start3A_76 = arith.constant 0 : i32
          %dma_start3A_77 = tpu.memref_slice %arg3[%dma_start3A_75, %dma_start3A_76] : memref<10000x128xf32, #tpu.memory_space<hbm>> -> memref<10000x128xf32, #tpu.memory_space<hbm>>
          tpu.enqueue_indirect_dma source(%dma_start3A_77 : memref<10000x128xf32, #tpu.memory_space<hbm>>) target(%dma_start3A_71 : memref<64x128xf32, #tpu.memory_space<vmem>>) offsets(%dma_start3A_74 : memref<64xi32, #tpu.memory_space<vmem>>) semaphore(%arg15 : memref<!tpu.dma_semaphore, #tpu.memory_space<semaphore_mem>>)
          %dma_start3A_78 = arith.constant 64 : i32
          %dma_start3A_79 = arith.constant 0 : i32
          %dma_start3A_80 = tpu.memref_slice %arg12[%dma_start3A_78, %dma_start3A_79] : memref<128x128xf32, #tpu.memory_space<vmem>> -> memref<64x128xf32, #tpu.memory_space<vmem>>
          %dma_start3A_81 = arith.constant 64 : i32
          %dma_start3A_82 = tpu.memref_slice %arg9[%add3A_68, %dma_start3A_81] : memref<32x128xi32, #tpu.memory_space<vmem>> -> memref<1x64xi32, #tpu.memory_space<vmem>>
          %dma_start3A_83 = tpu.memref_squeeze %dma_start3A_82 : memref<1x64xi32, #tpu.memory_space<vmem>> -> memref<64xi32, #tpu.memory_space<vmem>>
          %dma_start3A_84 = arith.constant 0 : i32
          %dma_start3A_85 = arith.constant 0 : i32
          %dma_start3A_86 = tpu.memref_slice %arg3[%dma_start3A_84, %dma_start3A_85] : memref<10000x128xf32, #tpu.memory_space<hbm>> -> memref<10000x128xf32, #tpu.memory_space<hbm>>
          tpu.enqueue_indirect_dma source(%dma_start3A_86 : memref<10000x128xf32, #tpu.memory_space<hbm>>) target(%dma_start3A_80 : memref<64x128xf32, #tpu.memory_space<vmem>>) offsets(%dma_start3A_83 : memref<64xi32, #tpu.memory_space<vmem>>) semaphore(%arg15 : memref<!tpu.dma_semaphore, #tpu.memory_space<semaphore_mem>>)
          %dma_wait3A = arith.constant 0 : i32
          %dma_wait3A_87 = arith.constant 0 : i32
          %dma_wait3A_88 = arith.constant 0 : i32
          %dma_wait3A_89 = tpu.memref_slice %arg11[%dma_wait3A_87, %dma_wait3A_88] : memref<128x128xf32, #tpu.memory_space<vmem>> -> memref<64x128xf32, #tpu.memory_space<vmem>>
          %dma_wait3A_90 = arith.constant 0 : i32
          %dma_wait3A_91 = tpu.memref_slice %arg9[%dma_wait3A, %dma_wait3A_90] : memref<32x128xi32, #tpu.memory_space<vmem>> -> memref<1x64xi32, #tpu.memory_space<vmem>>
          %dma_wait3A_92 = tpu.memref_squeeze %dma_wait3A_91 : memref<1x64xi32, #tpu.memory_space<vmem>> -> memref<64xi32, #tpu.memory_space<vmem>>
          %dma_wait3A_93 = arith.constant 0 : i32
          %dma_wait3A_94 = arith.constant 0 : i32
          %dma_wait3A_95 = tpu.memref_slice %arg3[%dma_wait3A_93, %dma_wait3A_94] : memref<10000x128xf32, #tpu.memory_space<hbm>> -> memref<10000x128xf32, #tpu.memory_space<hbm>>
          tpu.wait_indirect_dma semaphore(%arg14 : memref<!tpu.dma_semaphore, #tpu.memory_space<semaphore_mem>>) src(%dma_wait3A_95 : memref<10000x128xf32, #tpu.memory_space<hbm>>) dst(%dma_wait3A_89 : memref<64x128xf32, #tpu.memory_space<vmem>>)
          %dma_wait3A_96 = arith.constant 0 : i32
          %dma_wait3A_97 = arith.constant 64 : i32
          %dma_wait3A_98 = arith.constant 0 : i32
          %dma_wait3A_99 = tpu.memref_slice %arg11[%dma_wait3A_97, %dma_wait3A_98] : memref<128x128xf32, #tpu.memory_space<vmem>> -> memref<64x128xf32, #tpu.memory_space<vmem>>
          %dma_wait3A_100 = arith.constant 0 : i32
          %dma_wait3A_101 = tpu.memref_slice %arg9[%dma_wait3A_96, %dma_wait3A_100] : memref<32x128xi32, #tpu.memory_space<vmem>> -> memref<1x64xi32, #tpu.memory_space<vmem>>
          %dma_wait3A_102 = tpu.memref_squeeze %dma_wait3A_101 : memref<1x64xi32, #tpu.memory_space<vmem>> -> memref<64xi32, #tpu.memory_space<vmem>>
          %dma_wait3A_103 = arith.constant 0 : i32
          %dma_wait3A_104 = arith.constant 0 : i32
          %dma_wait3A_105 = tpu.memref_slice %arg3[%dma_wait3A_103, %dma_wait3A_104] : memref<10000x128xf32, #tpu.memory_space<hbm>> -> memref<10000x128xf32, #tpu.memory_space<hbm>>
          tpu.wait_indirect_dma semaphore(%arg14 : memref<!tpu.dma_semaphore, #tpu.memory_space<semaphore_mem>>) src(%dma_wait3A_105 : memref<10000x128xf32, #tpu.memory_space<hbm>>) dst(%dma_wait3A_99 : memref<64x128xf32, #tpu.memory_space<vmem>>)
          "tpu.region"() ({
            %run_scoped3A = tpu.sem_alloc : memref<!tpu.dma_semaphore, #tpu.memory_space<semaphore_mem>>
            %dma_start3A_132 = arith.constant 0 : i32
            %dma_start3A_133 = tpu.memref_slice %arg10[%mul3A_66, %dma_start3A_132] : memref<32x128xi32, #tpu.memory_space<vmem>> -> memref<1x128xi32, #tpu.memory_space<vmem>>
            %dma_start3A_134 = tpu.memref_squeeze %dma_start3A_133 : memref<1x128xi32, #tpu.memory_space<vmem>> -> memref<128xi32, #tpu.memory_space<vmem>>
            %dma_start3A_135 = arith.constant 0 : i32
            %dma_start3A_136 = arith.constant 0 : i32
            %dma_start3A_137 = tpu.memref_slice %arg13[%dma_start3A_135, %dma_start3A_136] : memref<10112x128xf32, #tpu.memory_space<vmem_shared>> -> memref<10112x128xf32, #tpu.memory_space<vmem_shared>>
            tpu.enqueue_indirect_dma source(%arg11 : memref<128x128xf32, #tpu.memory_space<vmem>>) target(%dma_start3A_137 : memref<10112x128xf32, #tpu.memory_space<vmem_shared>>) offsets(%dma_start3A_134 : memref<128xi32, #tpu.memory_space<vmem>>) semaphore(%run_scoped3A : memref<!tpu.dma_semaphore, #tpu.memory_space<semaphore_mem>>) {add = true}
            %dma_wait3A_138 = arith.constant 0 : i32
            %dma_wait3A_139 = tpu.memref_slice %arg10[%mul3A_66, %dma_wait3A_138] : memref<32x128xi32, #tpu.memory_space<vmem>> -> memref<1x128xi32, #tpu.memory_space<vmem>>
            %dma_wait3A_140 = tpu.memref_squeeze %dma_wait3A_139 : memref<1x128xi32, #tpu.memory_space<vmem>> -> memref<128xi32, #tpu.memory_space<vmem>>
            %dma_wait3A_141 = arith.constant 0 : i32
            %dma_wait3A_142 = arith.constant 0 : i32
            %dma_wait3A_143 = tpu.memref_slice %arg13[%dma_wait3A_141, %dma_wait3A_142] : memref<10112x128xf32, #tpu.memory_space<vmem_shared>> -> memref<10112x128xf32, #tpu.memory_space<vmem_shared>>
            tpu.wait_indirect_dma semaphore(%run_scoped3A : memref<!tpu.dma_semaphore, #tpu.memory_space<semaphore_mem>>) src(%arg11 : memref<128x128xf32, #tpu.memory_space<vmem>>) dst(%dma_wait3A_143 : memref<10112x128xf32, #tpu.memory_space<vmem_shared>>)
            tpu.yield
          }) : () -> ()
          %lt3A = arith.constant 15 : i32
          %lt3A_106 = arith.cmpi slt, %scan3A_64, %lt3A : i32
          %convert_element_type3A_107 = arith.extui %lt3A_106 : i1 to i32
          %cond3A_108 = arith.constant 0 : i32
          %cond3A_109 = arith.cmpi ne, %convert_element_type3A_107, %cond3A_108 : i32
          scf.if %cond3A_109 {
            %add3A_132 = arith.constant 2 : i32
            %add3A_133 = arith.addi %mul3A_66, %add3A_132 : i32
            %dma_start3A_134 = arith.constant 0 : i32
            %dma_start3A_135 = arith.constant 0 : i32
            %dma_start3A_136 = tpu.memref_slice %arg11[%dma_start3A_134, %dma_start3A_135] : memref<128x128xf32, #tpu.memory_space<vmem>> -> memref<64x128xf32, #tpu.memory_space<vmem>>
            %dma_start3A_137 = arith.constant 0 : i32
            %dma_start3A_138 = tpu.memref_slice %arg9[%add3A_133, %dma_start3A_137] : memref<32x128xi32, #tpu.memory_space<vmem>> -> memref<1x64xi32, #tpu.memory_space<vmem>>
            %dma_start3A_139 = tpu.memref_squeeze %dma_start3A_138 : memref<1x64xi32, #tpu.memory_space<vmem>> -> memref<64xi32, #tpu.memory_space<vmem>>
            %dma_start3A_140 = arith.constant 0 : i32
            %dma_start3A_141 = arith.constant 0 : i32
            %dma_start3A_142 = tpu.memref_slice %arg3[%dma_start3A_140, %dma_start3A_141] : memref<10000x128xf32, #tpu.memory_space<hbm>> -> memref<10000x128xf32, #tpu.memory_space<hbm>>
            tpu.enqueue_indirect_dma source(%dma_start3A_142 : memref<10000x128xf32, #tpu.memory_space<hbm>>) target(%dma_start3A_136 : memref<64x128xf32, #tpu.memory_space<vmem>>) offsets(%dma_start3A_139 : memref<64xi32, #tpu.memory_space<vmem>>) semaphore(%arg14 : memref<!tpu.dma_semaphore, #tpu.memory_space<semaphore_mem>>)
            %dma_start3A_143 = arith.constant 64 : i32
            %dma_start3A_144 = arith.constant 0 : i32
            %dma_start3A_145 = tpu.memref_slice %arg11[%dma_start3A_143, %dma_start3A_144] : memref<128x128xf32, #tpu.memory_space<vmem>> -> memref<64x128xf32, #tpu.memory_space<vmem>>
            %dma_start3A_146 = arith.constant 64 : i32
            %dma_start3A_147 = tpu.memref_slice %arg9[%add3A_133, %dma_start3A_146] : memref<32x128xi32, #tpu.memory_space<vmem>> -> memref<1x64xi32, #tpu.memory_space<vmem>>
            %dma_start3A_148 = tpu.memref_squeeze %dma_start3A_147 : memref<1x64xi32, #tpu.memory_space<vmem>> -> memref<64xi32, #tpu.memory_space<vmem>>
            %dma_start3A_149 = arith.constant 0 : i32
            %dma_start3A_150 = arith.constant 0 : i32
            %dma_start3A_151 = tpu.memref_slice %arg3[%dma_start3A_149, %dma_start3A_150] : memref<10000x128xf32, #tpu.memory_space<hbm>> -> memref<10000x128xf32, #tpu.memory_space<hbm>>
            tpu.enqueue_indirect_dma source(%dma_start3A_151 : memref<10000x128xf32, #tpu.memory_space<hbm>>) target(%dma_start3A_145 : memref<64x128xf32, #tpu.memory_space<vmem>>) offsets(%dma_start3A_148 : memref<64xi32, #tpu.memory_space<vmem>>) semaphore(%arg14 : memref<!tpu.dma_semaphore, #tpu.memory_space<semaphore_mem>>)
          } else {
          }
          %dma_wait3A_110 = arith.constant 0 : i32
          %dma_wait3A_111 = arith.constant 0 : i32
          %dma_wait3A_112 = arith.constant 0 : i32
          %dma_wait3A_113 = tpu.memref_slice %arg12[%dma_wait3A_111, %dma_wait3A_112] : memref<128x128xf32, #tpu.memory_space<vmem>> -> memref<64x128xf32, #tpu.memory_space<vmem>>
          %dma_wait3A_114 = arith.constant 0 : i32
          %dma_wait3A_115 = tpu.memref_slice %arg9[%dma_wait3A_110, %dma_wait3A_114] : memref<32x128xi32, #tpu.memory_space<vmem>> -> memref<1x64xi32, #tpu.memory_space<vmem>>
          %dma_wait3A_116 = tpu.memref_squeeze %dma_wait3A_115 : memref<1x64xi32, #tpu.memory_space<vmem>> -> memref<64xi32, #tpu.memory_space<vmem>>
          %dma_wait3A_117 = arith.constant 0 : i32
          %dma_wait3A_118 = arith.constant 0 : i32
          %dma_wait3A_119 = tpu.memref_slice %arg3[%dma_wait3A_117, %dma_wait3A_118] : memref<10000x128xf32, #tpu.memory_space<hbm>> -> memref<10000x128xf32, #tpu.memory_space<hbm>>
          tpu.wait_indirect_dma semaphore(%arg15 : memref<!tpu.dma_semaphore, #tpu.memory_space<semaphore_mem>>) src(%dma_wait3A_119 : memref<10000x128xf32, #tpu.memory_space<hbm>>) dst(%dma_wait3A_113 : memref<64x128xf32, #tpu.memory_space<vmem>>)
          %dma_wait3A_120 = arith.constant 0 : i32
          %dma_wait3A_121 = arith.constant 64 : i32
          %dma_wait3A_122 = arith.constant 0 : i32
          %dma_wait3A_123 = tpu.memref_slice %arg12[%dma_wait3A_121, %dma_wait3A_122] : memref<128x128xf32, #tpu.memory_space<vmem>> -> memref<64x128xf32, #tpu.memory_space<vmem>>
          %dma_wait3A_124 = arith.constant 0 : i32
          %dma_wait3A_125 = tpu.memref_slice %arg9[%dma_wait3A_120, %dma_wait3A_124] : memref<32x128xi32, #tpu.memory_space<vmem>> -> memref<1x64xi32, #tpu.memory_space<vmem>>
          %dma_wait3A_126 = tpu.memref_squeeze %dma_wait3A_125 : memref<1x64xi32, #tpu.memory_space<vmem>> -> memref<64xi32, #tpu.memory_space<vmem>>
          %dma_wait3A_127 = arith.constant 0 : i32
          %dma_wait3A_128 = arith.constant 0 : i32
          %dma_wait3A_129 = tpu.memref_slice %arg3[%dma_wait3A_127, %dma_wait3A_128] : memref<10000x128xf32, #tpu.memory_space<hbm>> -> memref<10000x128xf32, #tpu.memory_space<hbm>>
          tpu.wait_indirect_dma semaphore(%arg15 : memref<!tpu.dma_semaphore, #tpu.memory_space<semaphore_mem>>) src(%dma_wait3A_129 : memref<10000x128xf32, #tpu.memory_space<hbm>>) dst(%dma_wait3A_123 : memref<64x128xf32, #tpu.memory_space<vmem>>)
          %add3A_130 = arith.constant 1 : i32
          %add3A_131 = arith.addi %mul3A_66, %add3A_130 : i32
          "tpu.region"() ({
            %run_scoped3A = tpu.sem_alloc : memref<!tpu.dma_semaphore, #tpu.memory_space<semaphore_mem>>
            %dma_start3A_132 = arith.constant 0 : i32
            %dma_start3A_133 = tpu.memref_slice %arg10[%add3A_131, %dma_start3A_132] : memref<32x128xi32, #tpu.memory_space<vmem>> -> memref<1x128xi32, #tpu.memory_space<vmem>>
            %dma_start3A_134 = tpu.memref_squeeze %dma_start3A_133 : memref<1x128xi32, #tpu.memory_space<vmem>> -> memref<128xi32, #tpu.memory_space<vmem>>
            %dma_start3A_135 = arith.constant 0 : i32
            %dma_start3A_136 = arith.constant 0 : i32
            %dma_start3A_137 = tpu.memref_slice %arg13[%dma_start3A_135, %dma_start3A_136] : memref<10112x128xf32, #tpu.memory_space<vmem_shared>> -> memref<10112x128xf32, #tpu.memory_space<vmem_shared>>
            tpu.enqueue_indirect_dma source(%arg12 : memref<128x128xf32, #tpu.memory_space<vmem>>) target(%dma_start3A_137 : memref<10112x128xf32, #tpu.memory_space<vmem_shared>>) offsets(%dma_start3A_134 : memref<128xi32, #tpu.memory_space<vmem>>) semaphore(%run_scoped3A : memref<!tpu.dma_semaphore, #tpu.memory_space<semaphore_mem>>) {add = true}
            %dma_wait3A_138 = arith.constant 0 : i32
            %dma_wait3A_139 = tpu.memref_slice %arg10[%add3A_131, %dma_wait3A_138] : memref<32x128xi32, #tpu.memory_space<vmem>> -> memref<1x128xi32, #tpu.memory_space<vmem>>
            %dma_wait3A_140 = tpu.memref_squeeze %dma_wait3A_139 : memref<1x128xi32, #tpu.memory_space<vmem>> -> memref<128xi32, #tpu.memory_space<vmem>>
            %dma_wait3A_141 = arith.constant 0 : i32
            %dma_wait3A_142 = arith.constant 0 : i32
            %dma_wait3A_143 = tpu.memref_slice %arg13[%dma_wait3A_141, %dma_wait3A_142] : memref<10112x128xf32, #tpu.memory_space<vmem_shared>> -> memref<10112x128xf32, #tpu.memory_space<vmem_shared>>
            tpu.wait_indirect_dma semaphore(%run_scoped3A : memref<!tpu.dma_semaphore, #tpu.memory_space<semaphore_mem>>) src(%arg12 : memref<128x128xf32, #tpu.memory_space<vmem>>) dst(%dma_wait3A_143 : memref<10112x128xf32, #tpu.memory_space<vmem_shared>>)
            tpu.yield
          }) : () -> ()
        }
        %scan3A_63 = arith.constant 16 : i32
      }
      %scan3A_32 = arith.constant 5 : i32
    } else {
    }
    %barrier3A_17 = arith.constant 0 : index
    tpu.barrier barrier_id(%barrier3A_17)
    %eq3A_18 = arith.constant 0 : i32
    %eq3A_19 = arith.cmpi eq, %arg0, %eq3A_18 : i32
    %convert_element_type3A_20 = arith.extui %eq3A_19 : i1 to i32
    %cond3A_21 = arith.constant 0 : i32
    %cond3A_22 = arith.cmpi ne, %convert_element_type3A_20, %cond3A_21 : i32
    scf.if %cond3A_22 {
      "tpu.region"() ({
        %run_scoped3A = tpu.sem_alloc : memref<!tpu.dma_semaphore, #tpu.memory_space<semaphore_mem>>
        %dma_start3A = arith.constant 0 : i32
        %dma_start3A_28 = tpu.memref_slice %arg7[%mul3A_0, %dma_start3A] : memref<10112x128xf32, #tpu.memory_space<hbm>> -> memref<632x128xf32, #tpu.memory_space<hbm>>
        %dma_start3A_29 = arith.constant 0 : i32
        %dma_start3A_30 = tpu.memref_slice %arg13[%mul3A_0, %dma_start3A_29] : memref<10112x128xf32, #tpu.memory_space<vmem_shared>> -> memref<632x128xf32, #tpu.memory_space<vmem_shared>>
        tpu.enqueue_dma source(%dma_start3A_30 : memref<632x128xf32, #tpu.memory_space<vmem_shared>>) target(%dma_start3A_28 : memref<632x128xf32, #tpu.memory_space<hbm>>) target_semaphore(%run_scoped3A : memref<!tpu.dma_semaphore, #tpu.memory_space<semaphore_mem>>)
        %dma_wait3A = arith.constant 0 : i32
        %dma_wait3A_31 = tpu.memref_slice %arg7[%mul3A_0, %dma_wait3A] : memref<10112x128xf32, #tpu.memory_space<hbm>> -> memref<632x128xf32, #tpu.memory_space<hbm>>
        %dma_wait3A_32 = arith.constant 0 : i32
        %dma_wait3A_33 = tpu.memref_slice %arg13[%mul3A_0, %dma_wait3A_32] : memref<10112x128xf32, #tpu.memory_space<vmem_shared>> -> memref<632x128xf32, #tpu.memory_space<vmem_shared>>
        tpu.wait_dma2 semaphore(%run_scoped3A : memref<!tpu.dma_semaphore, #tpu.memory_space<semaphore_mem>>) src(%dma_wait3A_33 : memref<632x128xf32, #tpu.memory_space<vmem_shared>>) dst(%dma_wait3A_31 : memref<632x128xf32, #tpu.memory_space<hbm>>)
        tpu.yield
      }) : () -> ()
    } else {
    }
    %eq3A_23 = arith.constant 1 : i32
    %eq3A_24 = arith.cmpi eq, %arg0, %eq3A_23 : i32
    %convert_element_type3A_25 = arith.extui %eq3A_24 : i1 to i32
    %cond3A_26 = arith.constant 0 : i32
    %cond3A_27 = arith.cmpi ne, %convert_element_type3A_25, %cond3A_26 : i32
    scf.if %cond3A_27 {
      "tpu.region"() ({
        %run_scoped3A = tpu.sem_alloc : memref<!tpu.dma_semaphore, #tpu.memory_space<semaphore_mem>>
        %dma_start3A = arith.constant 0 : i32
        %dma_start3A_28 = tpu.memref_slice %arg8[%mul3A_0, %dma_start3A] : memref<10112x128xf32, #tpu.memory_space<hbm>> -> memref<632x128xf32, #tpu.memory_space<hbm>>
        %dma_start3A_29 = arith.constant 0 : i32
        %dma_start3A_30 = tpu.memref_slice %arg13[%mul3A_0, %dma_start3A_29] : memref<10112x128xf32, #tpu.memory_space<vmem_shared>> -> memref<632x128xf32, #tpu.memory_space<vmem_shared>>
        tpu.enqueue_dma source(%dma_start3A_30 : memref<632x128xf32, #tpu.memory_space<vmem_shared>>) target(%dma_start3A_28 : memref<632x128xf32, #tpu.memory_space<hbm>>) target_semaphore(%run_scoped3A : memref<!tpu.dma_semaphore, #tpu.memory_space<semaphore_mem>>)
        %dma_wait3A = arith.constant 0 : i32
        %dma_wait3A_31 = tpu.memref_slice %arg8[%mul3A_0, %dma_wait3A] : memref<10112x128xf32, #tpu.memory_space<hbm>> -> memref<632x128xf32, #tpu.memory_space<hbm>>
        %dma_wait3A_32 = arith.constant 0 : i32
        %dma_wait3A_33 = tpu.memref_slice %arg13[%mul3A_0, %dma_wait3A_32] : memref<10112x128xf32, #tpu.memory_space<vmem_shared>> -> memref<632x128xf32, #tpu.memory_space<vmem_shared>>
        tpu.wait_dma2 semaphore(%run_scoped3A : memref<!tpu.dma_semaphore, #tpu.memory_space<semaphore_mem>>) src(%dma_wait3A_33 : memref<632x128xf32, #tpu.memory_space<vmem_shared>>) dst(%dma_wait3A_31 : memref<632x128xf32, #tpu.memory_space<hbm>>)
        tpu.yield
      }) : () -> ()
    } else {
    }
    return
  }
}

#map = affine_map<(d0, d1) -> (0, 0)>
module attributes {stable_mosaic.version = 14 : i64} {
  func.func @_spmm_body(%arg0: i32, %arg1: i32, %arg2: memref<10000x128xf32, #tpu.memory_space<hbm>>, %arg3: memref<10000x128xf32, #tpu.memory_space<hbm>>, %arg4: memref<2560x128xi32, #tpu.memory_space<hbm>>, %arg5: memref<2560x128xi32, #tpu.memory_space<hbm>>, %arg6: memref<128x128xf32, #tpu.memory_space<hbm>>, %arg7: memref<10112x128xf32, #tpu.memory_space<hbm>>, %arg8: memref<10112x128xf32, #tpu.memory_space<hbm>>, %arg9: memref<32x128xi32, #tpu.memory_space<vmem>>, %arg10: memref<32x128xi32, #tpu.memory_space<vmem>>, %arg11: memref<128x128xf32, #tpu.memory_space<vmem>>, %arg12: memref<128x128xf32, #tpu.memory_space<vmem>>, %arg13: memref<10112x128xf32, #tpu.memory_space<vmem_shared>>, %arg14: memref<!tpu.dma_semaphore, #tpu.memory_space<semaphore_mem>>, %arg15: memref<!tpu.dma_semaphore, #tpu.memory_space<semaphore_mem>>) attributes {dimension_semantics = [#tpu.dimension_semantics<core_parallel>, #tpu.dimension_semantics<subcore_parallel>], iteration_bounds = array<i64: 2, 16>, scalar_prefetch = 0 : i64, scratch_operands = 7 : i64, tpu.core_type = #tpu.core_type<sc_vector_subcore>, window_params = [{transform_indices = #map}, {transform_indices = #map}, {transform_indices = #map}, {transform_indices = #map}, {transform_indices = #map}, {transform_indices = #map}, {transform_indices = #map}]} {
    %mul3A = arith.constant 632 : i32
    %mul3A_0 = arith.muli %arg1, %mul3A : i32
    "tpu.region"() ({
      %run_scoped3A = tpu.sem_alloc : memref<!tpu.dma_semaphore, #tpu.memory_space<semaphore_mem>>
      tpu.enqueue_dma source(%arg6 : memref<128x128xf32, #tpu.memory_space<hbm>>) target(%arg11 : memref<128x128xf32, #tpu.memory_space<vmem>>) target_semaphore(%run_scoped3A : memref<!tpu.dma_semaphore, #tpu.memory_space<semaphore_mem>>)
      tpu.wait_dma2 semaphore(%run_scoped3A : memref<!tpu.dma_semaphore, #tpu.memory_space<semaphore_mem>>) src(%arg6 : memref<128x128xf32, #tpu.memory_space<hbm>>) dst(%arg11 : memref<128x128xf32, #tpu.memory_space<vmem>>)
      tpu.yield
    }) : () -> ()
    %add3A = arith.constant 0 : i32
    %add3A_1 = arith.addi %mul3A_0, %add3A : i32
    "tpu.region"() ({
      %run_scoped3A = tpu.sem_alloc : memref<!tpu.dma_semaphore, #tpu.memory_space<semaphore_mem>>
      %dma_start3A = arith.constant 0 : i32
      %dma_start3A_28 = tpu.memref_slice %arg13[%add3A_1, %dma_start3A] : memref<10112x128xf32, #tpu.memory_space<vmem_shared>> -> memref<128x128xf32, #tpu.memory_space<vmem_shared>>
      %dma_start3A_29 = arith.constant 0 : i32
      %dma_start3A_30 = tpu.memref_slice %arg13[%add3A_1, %dma_start3A_29] : memref<10112x128xf32, #tpu.memory_space<vmem_shared>> -> memref<128x128xf32, #tpu.memory_space<vmem_shared>>
      tpu.enqueue_dma source(%arg11 : memref<128x128xf32, #tpu.memory_space<vmem>>) target(%dma_start3A_30 : memref<128x128xf32, #tpu.memory_space<vmem_shared>>) target_semaphore(%run_scoped3A : memref<!tpu.dma_semaphore, #tpu.memory_space<semaphore_mem>>)
      %dma_wait3A = arith.constant 0 : i32
      %dma_wait3A_31 = tpu.memref_slice %arg13[%add3A_1, %dma_wait3A] : memref<10112x128xf32, #tpu.memory_space<vmem_shared>> -> memref<128x128xf32, #tpu.memory_space<vmem_shared>>
      %dma_wait3A_32 = arith.constant 0 : i32
      %dma_wait3A_33 = tpu.memref_slice %arg13[%add3A_1, %dma_wait3A_32] : memref<10112x128xf32, #tpu.memory_space<vmem_shared>> -> memref<128x128xf32, #tpu.memory_space<vmem_shared>>
      tpu.wait_dma2 semaphore(%run_scoped3A : memref<!tpu.dma_semaphore, #tpu.memory_space<semaphore_mem>>) src(%arg11 : memref<128x128xf32, #tpu.memory_space<vmem>>) dst(%dma_wait3A_33 : memref<128x128xf32, #tpu.memory_space<vmem_shared>>)
      tpu.yield
    }) : () -> ()
    %add3A_2 = arith.constant 128 : i32
    %add3A_3 = arith.addi %mul3A_0, %add3A_2 : i32
    "tpu.region"() ({
      %run_scoped3A = tpu.sem_alloc : memref<!tpu.dma_semaphore, #tpu.memory_space<semaphore_mem>>
      %dma_start3A = arith.constant 0 : i32
      %dma_start3A_28 = tpu.memref_slice %arg13[%add3A_3, %dma_start3A] : memref<10112x128xf32, #tpu.memory_space<vmem_shared>> -> memref<128x128xf32, #tpu.memory_space<vmem_shared>>
      %dma_start3A_29 = arith.constant 0 : i32
      %dma_start3A_30 = tpu.memref_slice %arg13[%add3A_3, %dma_start3A_29] : memref<10112x128xf32, #tpu.memory_space<vmem_shared>> -> memref<128x128xf32, #tpu.memory_space<vmem_shared>>
      tpu.enqueue_dma source(%arg11 : memref<128x128xf32, #tpu.memory_space<vmem>>) target(%dma_start3A_30 : memref<128x128xf32, #tpu.memory_space<vmem_shared>>) target_semaphore(%run_scoped3A : memref<!tpu.dma_semaphore, #tpu.memory_space<semaphore_mem>>)
      %dma_wait3A = arith.constant 0 : i32
      %dma_wait3A_31 = tpu.memref_slice %arg13[%add3A_3, %dma_wait3A] : memref<10112x128xf32, #tpu.memory_space<vmem_shared>> -> memref<128x128xf32, #tpu.memory_space<vmem_shared>>
      %dma_wait3A_32 = arith.constant 0 : i32
      %dma_wait3A_33 = tpu.memref_slice %arg13[%add3A_3, %dma_wait3A_32] : memref<10112x128xf32, #tpu.memory_space<vmem_shared>> -> memref<128x128xf32, #tpu.memory_space<vmem_shared>>
      tpu.wait_dma2 semaphore(%run_scoped3A : memref<!tpu.dma_semaphore, #tpu.memory_space<semaphore_mem>>) src(%arg11 : memref<128x128xf32, #tpu.memory_space<vmem>>) dst(%dma_wait3A_33 : memref<128x128xf32, #tpu.memory_space<vmem_shared>>)
      tpu.yield
    }) : () -> ()
    %add3A_4 = arith.constant 256 : i32
    %add3A_5 = arith.addi %mul3A_0, %add3A_4 : i32
    "tpu.region"() ({
      %run_scoped3A = tpu.sem_alloc : memref<!tpu.dma_semaphore, #tpu.memory_space<semaphore_mem>>
      %dma_start3A = arith.constant 0 : i32
      %dma_start3A_28 = tpu.memref_slice %arg13[%add3A_5, %dma_start3A] : memref<10112x128xf32, #tpu.memory_space<vmem_shared>> -> memref<128x128xf32, #tpu.memory_space<vmem_shared>>
      %dma_start3A_29 = arith.constant 0 : i32
      %dma_start3A_30 = tpu.memref_slice %arg13[%add3A_5, %dma_start3A_29] : memref<10112x128xf32, #tpu.memory_space<vmem_shared>> -> memref<128x128xf32, #tpu.memory_space<vmem_shared>>
      tpu.enqueue_dma source(%arg11 : memref<128x128xf32, #tpu.memory_space<vmem>>) target(%dma_start3A_30 : memref<128x128xf32, #tpu.memory_space<vmem_shared>>) target_semaphore(%run_scoped3A : memref<!tpu.dma_semaphore, #tpu.memory_space<semaphore_mem>>)
      %dma_wait3A = arith.constant 0 : i32
      %dma_wait3A_31 = tpu.memref_slice %arg13[%add3A_5, %dma_wait3A] : memref<10112x128xf32, #tpu.memory_space<vmem_shared>> -> memref<128x128xf32, #tpu.memory_space<vmem_shared>>
      %dma_wait3A_32 = arith.constant 0 : i32
      %dma_wait3A_33 = tpu.memref_slice %arg13[%add3A_5, %dma_wait3A_32] : memref<10112x128xf32, #tpu.memory_space<vmem_shared>> -> memref<128x128xf32, #tpu.memory_space<vmem_shared>>
      tpu.wait_dma2 semaphore(%run_scoped3A : memref<!tpu.dma_semaphore, #tpu.memory_space<semaphore_mem>>) src(%arg11 : memref<128x128xf32, #tpu.memory_space<vmem>>) dst(%dma_wait3A_33 : memref<128x128xf32, #tpu.memory_space<vmem_shared>>)
      tpu.yield
    }) : () -> ()
    %add3A_6 = arith.constant 384 : i32
    %add3A_7 = arith.addi %mul3A_0, %add3A_6 : i32
    "tpu.region"() ({
      %run_scoped3A = tpu.sem_alloc : memref<!tpu.dma_semaphore, #tpu.memory_space<semaphore_mem>>
      %dma_start3A = arith.constant 0 : i32
      %dma_start3A_28 = tpu.memref_slice %arg13[%add3A_7, %dma_start3A] : memref<10112x128xf32, #tpu.memory_space<vmem_shared>> -> memref<128x128xf32, #tpu.memory_space<vmem_shared>>
      %dma_start3A_29 = arith.constant 0 : i32
      %dma_start3A_30 = tpu.memref_slice %arg13[%add3A_7, %dma_start3A_29] : memref<10112x128xf32, #tpu.memory_space<vmem_shared>> -> memref<128x128xf32, #tpu.memory_space<vmem_shared>>
      tpu.enqueue_dma source(%arg11 : memref<128x128xf32, #tpu.memory_space<vmem>>) target(%dma_start3A_30 : memref<128x128xf32, #tpu.memory_space<vmem_shared>>) target_semaphore(%run_scoped3A : memref<!tpu.dma_semaphore, #tpu.memory_space<semaphore_mem>>)
      %dma_wait3A = arith.constant 0 : i32
      %dma_wait3A_31 = tpu.memref_slice %arg13[%add3A_7, %dma_wait3A] : memref<10112x128xf32, #tpu.memory_space<vmem_shared>> -> memref<128x128xf32, #tpu.memory_space<vmem_shared>>
      %dma_wait3A_32 = arith.constant 0 : i32
      %dma_wait3A_33 = tpu.memref_slice %arg13[%add3A_7, %dma_wait3A_32] : memref<10112x128xf32, #tpu.memory_space<vmem_shared>> -> memref<128x128xf32, #tpu.memory_space<vmem_shared>>
      tpu.wait_dma2 semaphore(%run_scoped3A : memref<!tpu.dma_semaphore, #tpu.memory_space<semaphore_mem>>) src(%arg11 : memref<128x128xf32, #tpu.memory_space<vmem>>) dst(%dma_wait3A_33 : memref<128x128xf32, #tpu.memory_space<vmem_shared>>)
      tpu.yield
    }) : () -> ()
    %add3A_8 = arith.constant 512 : i32
    %add3A_9 = arith.addi %mul3A_0, %add3A_8 : i32
    "tpu.region"() ({
      %run_scoped3A = tpu.sem_alloc : memref<!tpu.dma_semaphore, #tpu.memory_space<semaphore_mem>>
      %dma_start3A = arith.constant 0 : i32
      %dma_start3A_28 = arith.constant 0 : i32
      %dma_start3A_29 = tpu.memref_slice %arg11[%dma_start3A, %dma_start3A_28] : memref<128x128xf32, #tpu.memory_space<vmem>> -> memref<120x128xf32, #tpu.memory_space<vmem>>
      %dma_start3A_30 = arith.constant 0 : i32
      %dma_start3A_31 = tpu.memref_slice %arg13[%add3A_9, %dma_start3A_30] : memref<10112x128xf32, #tpu.memory_space<vmem_shared>> -> memref<120x128xf32, #tpu.memory_space<vmem_shared>>
      %dma_start3A_32 = arith.constant 0 : i32
      %dma_start3A_33 = tpu.memref_slice %arg13[%add3A_9, %dma_start3A_32] : memref<10112x128xf32, #tpu.memory_space<vmem_shared>> -> memref<120x128xf32, #tpu.memory_space<vmem_shared>>
      %dma_start3A_34 = arith.constant 0 : i32
      %dma_start3A_35 = arith.constant 0 : i32
      %dma_start3A_36 = tpu.memref_slice %arg11[%dma_start3A_34, %dma_start3A_35] : memref<128x128xf32, #tpu.memory_space<vmem>> -> memref<120x128xf32, #tpu.memory_space<vmem>>
      tpu.enqueue_dma source(%dma_start3A_36 : memref<120x128xf32, #tpu.memory_space<vmem>>) target(%dma_start3A_33 : memref<120x128xf32, #tpu.memory_space<vmem_shared>>) target_semaphore(%run_scoped3A : memref<!tpu.dma_semaphore, #tpu.memory_space<semaphore_mem>>)
      %dma_wait3A = arith.constant 0 : i32
      %dma_wait3A_37 = arith.constant 0 : i32
      %dma_wait3A_38 = tpu.memref_slice %arg11[%dma_wait3A, %dma_wait3A_37] : memref<128x128xf32, #tpu.memory_space<vmem>> -> memref<120x128xf32, #tpu.memory_space<vmem>>
      %dma_wait3A_39 = arith.constant 0 : i32
      %dma_wait3A_40 = tpu.memref_slice %arg13[%add3A_9, %dma_wait3A_39] : memref<10112x128xf32, #tpu.memory_space<vmem_shared>> -> memref<120x128xf32, #tpu.memory_space<vmem_shared>>
      %dma_wait3A_41 = arith.constant 0 : i32
      %dma_wait3A_42 = tpu.memref_slice %arg13[%add3A_9, %dma_wait3A_41] : memref<10112x128xf32, #tpu.memory_space<vmem_shared>> -> memref<120x128xf32, #tpu.memory_space<vmem_shared>>
      %dma_wait3A_43 = arith.constant 0 : i32
      %dma_wait3A_44 = arith.constant 0 : i32
      %dma_wait3A_45 = tpu.memref_slice %arg11[%dma_wait3A_43, %dma_wait3A_44] : memref<128x128xf32, #tpu.memory_space<vmem>> -> memref<120x128xf32, #tpu.memory_space<vmem>>
      tpu.wait_dma2 semaphore(%run_scoped3A : memref<!tpu.dma_semaphore, #tpu.memory_space<semaphore_mem>>) src(%dma_wait3A_45 : memref<120x128xf32, #tpu.memory_space<vmem>>) dst(%dma_wait3A_42 : memref<120x128xf32, #tpu.memory_space<vmem_shared>>)
      tpu.yield
    }) : () -> ()
    %barrier3A = arith.constant 0 : index
    tpu.barrier barrier_id(%barrier3A)
    %eq3A = arith.constant 0 : i32
    %eq3A_10 = arith.cmpi eq, %arg0, %eq3A : i32
    %convert_element_type3A = arith.extui %eq3A_10 : i1 to i32
    %cond3A = arith.constant 0 : i32
    %cond3A_11 = arith.cmpi ne, %convert_element_type3A, %cond3A : i32
    scf.if %cond3A_11 {
      %scan3A = arith.constant 0 : i32
      %scan3A_28 = arith.constant 0 : i32
      %scan3A_29 = arith.constant 5 : i32
      %scan3A_30 = arith.addi %scan3A_28, %scan3A_29 : i32
      %scan3A_31 = arith.constant 1 : i32
      scf.for %scan3A_33 = %scan3A_28 to %scan3A_30 step %scan3A_31  : i32 {
        %mul3A_34 = arith.constant 160 : i32
        %mul3A_35 = arith.muli %arg1, %mul3A_34 : i32
        %mul3A_36 = arith.constant 32 : i32
        %mul3A_37 = arith.muli %scan3A_33, %mul3A_36 : i32
        %add3A_38 = arith.addi %mul3A_35, %mul3A_37 : i32
        "tpu.region"() ({
          %run_scoped3A = tpu.sem_alloc : memref<!tpu.dma_semaphore, #tpu.memory_space<semaphore_mem>>
          %dma_start3A_64 = arith.constant 0 : i32
          %dma_start3A_65 = tpu.memref_slice %arg5[%add3A_38, %dma_start3A_64] : memref<2560x128xi32, #tpu.memory_space<hbm>> -> memref<32x128xi32, #tpu.memory_space<hbm>>
          %dma_start3A_66 = arith.constant 0 : i32
          %dma_start3A_67 = tpu.memref_slice %arg5[%add3A_38, %dma_start3A_66] : memref<2560x128xi32, #tpu.memory_space<hbm>> -> memref<32x128xi32, #tpu.memory_space<hbm>>
          tpu.enqueue_dma source(%dma_start3A_67 : memref<32x128xi32, #tpu.memory_space<hbm>>) target(%arg9 : memref<32x128xi32, #tpu.memory_space<vmem>>) target_semaphore(%run_scoped3A : memref<!tpu.dma_semaphore, #tpu.memory_space<semaphore_mem>>)
          %dma_wait3A = arith.constant 0 : i32
          %dma_wait3A_68 = tpu.memref_slice %arg5[%add3A_38, %dma_wait3A] : memref<2560x128xi32, #tpu.memory_space<hbm>> -> memref<32x128xi32, #tpu.memory_space<hbm>>
          %dma_wait3A_69 = arith.constant 0 : i32
          %dma_wait3A_70 = tpu.memref_slice %arg5[%add3A_38, %dma_wait3A_69] : memref<2560x128xi32, #tpu.memory_space<hbm>> -> memref<32x128xi32, #tpu.memory_space<hbm>>
          tpu.wait_dma2 semaphore(%run_scoped3A : memref<!tpu.dma_semaphore, #tpu.memory_space<semaphore_mem>>) src(%dma_wait3A_70 : memref<32x128xi32, #tpu.memory_space<hbm>>) dst(%arg9 : memref<32x128xi32, #tpu.memory_space<vmem>>)
          tpu.yield
        }) : () -> ()
        "tpu.region"() ({
          %run_scoped3A = tpu.sem_alloc : memref<!tpu.dma_semaphore, #tpu.memory_space<semaphore_mem>>
          %dma_start3A_64 = arith.constant 0 : i32
          %dma_start3A_65 = tpu.memref_slice %arg4[%add3A_38, %dma_start3A_64] : memref<2560x128xi32, #tpu.memory_space<hbm>> -> memref<32x128xi32, #tpu.memory_space<hbm>>
          %dma_start3A_66 = arith.constant 0 : i32
          %dma_start3A_67 = tpu.memref_slice %arg4[%add3A_38, %dma_start3A_66] : memref<2560x128xi32, #tpu.memory_space<hbm>> -> memref<32x128xi32, #tpu.memory_space<hbm>>
          tpu.enqueue_dma source(%dma_start3A_67 : memref<32x128xi32, #tpu.memory_space<hbm>>) target(%arg10 : memref<32x128xi32, #tpu.memory_space<vmem>>) target_semaphore(%run_scoped3A : memref<!tpu.dma_semaphore, #tpu.memory_space<semaphore_mem>>)
          %dma_wait3A = arith.constant 0 : i32
          %dma_wait3A_68 = tpu.memref_slice %arg4[%add3A_38, %dma_wait3A] : memref<2560x128xi32, #tpu.memory_space<hbm>> -> memref<32x128xi32, #tpu.memory_space<hbm>>
          %dma_wait3A_69 = arith.constant 0 : i32
          %dma_wait3A_70 = tpu.memref_slice %arg4[%add3A_38, %dma_wait3A_69] : memref<2560x128xi32, #tpu.memory_space<hbm>> -> memref<32x128xi32, #tpu.memory_space<hbm>>
          tpu.wait_dma2 semaphore(%run_scoped3A : memref<!tpu.dma_semaphore, #tpu.memory_space<semaphore_mem>>) src(%dma_wait3A_70 : memref<32x128xi32, #tpu.memory_space<hbm>>) dst(%arg10 : memref<32x128xi32, #tpu.memory_space<vmem>>)
          tpu.yield
        }) : () -> ()
        %dma_start3A = arith.constant 0 : i32
        %dma_start3A_39 = arith.constant 0 : i32
        %dma_start3A_40 = arith.constant 0 : i32
        %dma_start3A_41 = tpu.memref_slice %arg11[%dma_start3A_39, %dma_start3A_40] : memref<128x128xf32, #tpu.memory_space<vmem>> -> memref<64x128xf32, #tpu.memory_space<vmem>>
        %dma_start3A_42 = arith.constant 0 : i32
        %dma_start3A_43 = tpu.memref_slice %arg9[%dma_start3A, %dma_start3A_42] : memref<32x128xi32, #tpu.memory_space<vmem>> -> memref<1x64xi32, #tpu.memory_space<vmem>>
        %dma_start3A_44 = tpu.memref_squeeze %dma_start3A_43 : memref<1x64xi32, #tpu.memory_space<vmem>> -> memref<64xi32, #tpu.memory_space<vmem>>
        %dma_start3A_45 = arith.constant 0 : i32
        %dma_start3A_46 = arith.constant 0 : i32
        %dma_start3A_47 = tpu.memref_slice %arg2[%dma_start3A_45, %dma_start3A_46] : memref<10000x128xf32, #tpu.memory_space<hbm>> -> memref<10000x128xf32, #tpu.memory_space<hbm>>
        tpu.enqueue_indirect_dma source(%dma_start3A_47 : memref<10000x128xf32, #tpu.memory_space<hbm>>) target(%dma_start3A_41 : memref<64x128xf32, #tpu.memory_space<vmem>>) offsets(%dma_start3A_44 : memref<64xi32, #tpu.memory_space<vmem>>) semaphore(%arg14 : memref<!tpu.dma_semaphore, #tpu.memory_space<semaphore_mem>>)
        %dma_start3A_48 = arith.constant 0 : i32
        %dma_start3A_49 = arith.constant 64 : i32
        %dma_start3A_50 = arith.constant 0 : i32
        %dma_start3A_51 = tpu.memref_slice %arg11[%dma_start3A_49, %dma_start3A_50] : memref<128x128xf32, #tpu.memory_space<vmem>> -> memref<64x128xf32, #tpu.memory_space<vmem>>
        %dma_start3A_52 = arith.constant 64 : i32
        %dma_start3A_53 = tpu.memref_slice %arg9[%dma_start3A_48, %dma_start3A_52] : memref<32x128xi32, #tpu.memory_space<vmem>> -> memref<1x64xi32, #tpu.memory_space<vmem>>
        %dma_start3A_54 = tpu.memref_squeeze %dma_start3A_53 : memref<1x64xi32, #tpu.memory_space<vmem>> -> memref<64xi32, #tpu.memory_space<vmem>>
        %dma_start3A_55 = arith.constant 0 : i32
        %dma_start3A_56 = arith.constant 0 : i32
        %dma_start3A_57 = tpu.memref_slice %arg2[%dma_start3A_55, %dma_start3A_56] : memref<10000x128xf32, #tpu.memory_space<hbm>> -> memref<10000x128xf32, #tpu.memory_space<hbm>>
        tpu.enqueue_indirect_dma source(%dma_start3A_57 : memref<10000x128xf32, #tpu.memory_space<hbm>>) target(%dma_start3A_51 : memref<64x128xf32, #tpu.memory_space<vmem>>) offsets(%dma_start3A_54 : memref<64xi32, #tpu.memory_space<vmem>>) semaphore(%arg14 : memref<!tpu.dma_semaphore, #tpu.memory_space<semaphore_mem>>)
        %scan3A_58 = arith.constant 0 : i32
        %scan3A_59 = arith.constant 0 : i32
        %scan3A_60 = arith.constant 16 : i32
        %scan3A_61 = arith.addi %scan3A_59, %scan3A_60 : i32
        %scan3A_62 = arith.constant 1 : i32
        scf.for %scan3A_64 = %scan3A_59 to %scan3A_61 step %scan3A_62  : i32 {
          %mul3A_65 = arith.constant 2 : i32
          %mul3A_66 = arith.muli %mul3A_65, %scan3A_64 : i32
          %add3A_67 = arith.constant 1 : i32
          %add3A_68 = arith.addi %mul3A_66, %add3A_67 : i32
          %dma_start3A_69 = arith.constant 0 : i32
          %dma_start3A_70 = arith.constant 0 : i32
          %dma_start3A_71 = tpu.memref_slice %arg12[%dma_start3A_69, %dma_start3A_70] : memref<128x128xf32, #tpu.memory_space<vmem>> -> memref<64x128xf32, #tpu.memory_space<vmem>>
          %dma_start3A_72 = arith.constant 0 : i32
          %dma_start3A_73 = tpu.memref_slice %arg9[%add3A_68, %dma_start3A_72] : memref<32x128xi32, #tpu.memory_space<vmem>> -> memref<1x64xi32, #tpu.memory_space<vmem>>
          %dma_start3A_74 = tpu.memref_squeeze %dma_start3A_73 : memref<1x64xi32, #tpu.memory_space<vmem>> -> memref<64xi32, #tpu.memory_space<vmem>>
          %dma_start3A_75 = arith.constant 0 : i32
          %dma_start3A_76 = arith.constant 0 : i32
          %dma_start3A_77 = tpu.memref_slice %arg2[%dma_start3A_75, %dma_start3A_76] : memref<10000x128xf32, #tpu.memory_space<hbm>> -> memref<10000x128xf32, #tpu.memory_space<hbm>>
          tpu.enqueue_indirect_dma source(%dma_start3A_77 : memref<10000x128xf32, #tpu.memory_space<hbm>>) target(%dma_start3A_71 : memref<64x128xf32, #tpu.memory_space<vmem>>) offsets(%dma_start3A_74 : memref<64xi32, #tpu.memory_space<vmem>>) semaphore(%arg15 : memref<!tpu.dma_semaphore, #tpu.memory_space<semaphore_mem>>)
          %dma_start3A_78 = arith.constant 64 : i32
          %dma_start3A_79 = arith.constant 0 : i32
          %dma_start3A_80 = tpu.memref_slice %arg12[%dma_start3A_78, %dma_start3A_79] : memref<128x128xf32, #tpu.memory_space<vmem>> -> memref<64x128xf32, #tpu.memory_space<vmem>>
          %dma_start3A_81 = arith.constant 64 : i32
          %dma_start3A_82 = tpu.memref_slice %arg9[%add3A_68, %dma_start3A_81] : memref<32x128xi32, #tpu.memory_space<vmem>> -> memref<1x64xi32, #tpu.memory_space<vmem>>
          %dma_start3A_83 = tpu.memref_squeeze %dma_start3A_82 : memref<1x64xi32, #tpu.memory_space<vmem>> -> memref<64xi32, #tpu.memory_space<vmem>>
          %dma_start3A_84 = arith.constant 0 : i32
          %dma_start3A_85 = arith.constant 0 : i32
          %dma_start3A_86 = tpu.memref_slice %arg2[%dma_start3A_84, %dma_start3A_85] : memref<10000x128xf32, #tpu.memory_space<hbm>> -> memref<10000x128xf32, #tpu.memory_space<hbm>>
          tpu.enqueue_indirect_dma source(%dma_start3A_86 : memref<10000x128xf32, #tpu.memory_space<hbm>>) target(%dma_start3A_80 : memref<64x128xf32, #tpu.memory_space<vmem>>) offsets(%dma_start3A_83 : memref<64xi32, #tpu.memory_space<vmem>>) semaphore(%arg15 : memref<!tpu.dma_semaphore, #tpu.memory_space<semaphore_mem>>)
          %dma_wait3A = arith.constant 0 : i32
          %dma_wait3A_87 = arith.constant 0 : i32
          %dma_wait3A_88 = arith.constant 0 : i32
          %dma_wait3A_89 = tpu.memref_slice %arg11[%dma_wait3A_87, %dma_wait3A_88] : memref<128x128xf32, #tpu.memory_space<vmem>> -> memref<64x128xf32, #tpu.memory_space<vmem>>
          %dma_wait3A_90 = arith.constant 0 : i32
          %dma_wait3A_91 = tpu.memref_slice %arg9[%dma_wait3A, %dma_wait3A_90] : memref<32x128xi32, #tpu.memory_space<vmem>> -> memref<1x64xi32, #tpu.memory_space<vmem>>
          %dma_wait3A_92 = tpu.memref_squeeze %dma_wait3A_91 : memref<1x64xi32, #tpu.memory_space<vmem>> -> memref<64xi32, #tpu.memory_space<vmem>>
          %dma_wait3A_93 = arith.constant 0 : i32
          %dma_wait3A_94 = arith.constant 0 : i32
          %dma_wait3A_95 = tpu.memref_slice %arg2[%dma_wait3A_93, %dma_wait3A_94] : memref<10000x128xf32, #tpu.memory_space<hbm>> -> memref<10000x128xf32, #tpu.memory_space<hbm>>
          tpu.wait_indirect_dma semaphore(%arg14 : memref<!tpu.dma_semaphore, #tpu.memory_space<semaphore_mem>>) src(%dma_wait3A_95 : memref<10000x128xf32, #tpu.memory_space<hbm>>) dst(%dma_wait3A_89 : memref<64x128xf32, #tpu.memory_space<vmem>>)
          %dma_wait3A_96 = arith.constant 0 : i32
          %dma_wait3A_97 = arith.constant 64 : i32
          %dma_wait3A_98 = arith.constant 0 : i32
          %dma_wait3A_99 = tpu.memref_slice %arg11[%dma_wait3A_97, %dma_wait3A_98] : memref<128x128xf32, #tpu.memory_space<vmem>> -> memref<64x128xf32, #tpu.memory_space<vmem>>
          %dma_wait3A_100 = arith.constant 0 : i32
          %dma_wait3A_101 = tpu.memref_slice %arg9[%dma_wait3A_96, %dma_wait3A_100] : memref<32x128xi32, #tpu.memory_space<vmem>> -> memref<1x64xi32, #tpu.memory_space<vmem>>
          %dma_wait3A_102 = tpu.memref_squeeze %dma_wait3A_101 : memref<1x64xi32, #tpu.memory_space<vmem>> -> memref<64xi32, #tpu.memory_space<vmem>>
          %dma_wait3A_103 = arith.constant 0 : i32
          %dma_wait3A_104 = arith.constant 0 : i32
          %dma_wait3A_105 = tpu.memref_slice %arg2[%dma_wait3A_103, %dma_wait3A_104] : memref<10000x128xf32, #tpu.memory_space<hbm>> -> memref<10000x128xf32, #tpu.memory_space<hbm>>
          tpu.wait_indirect_dma semaphore(%arg14 : memref<!tpu.dma_semaphore, #tpu.memory_space<semaphore_mem>>) src(%dma_wait3A_105 : memref<10000x128xf32, #tpu.memory_space<hbm>>) dst(%dma_wait3A_99 : memref<64x128xf32, #tpu.memory_space<vmem>>)
          "tpu.region"() ({
            %run_scoped3A = tpu.sem_alloc : memref<!tpu.dma_semaphore, #tpu.memory_space<semaphore_mem>>
            %dma_start3A_132 = arith.constant 0 : i32
            %dma_start3A_133 = tpu.memref_slice %arg10[%mul3A_66, %dma_start3A_132] : memref<32x128xi32, #tpu.memory_space<vmem>> -> memref<1x128xi32, #tpu.memory_space<vmem>>
            %dma_start3A_134 = tpu.memref_squeeze %dma_start3A_133 : memref<1x128xi32, #tpu.memory_space<vmem>> -> memref<128xi32, #tpu.memory_space<vmem>>
            %dma_start3A_135 = arith.constant 0 : i32
            %dma_start3A_136 = arith.constant 0 : i32
            %dma_start3A_137 = tpu.memref_slice %arg13[%dma_start3A_135, %dma_start3A_136] : memref<10112x128xf32, #tpu.memory_space<vmem_shared>> -> memref<10112x128xf32, #tpu.memory_space<vmem_shared>>
            tpu.enqueue_indirect_dma source(%arg11 : memref<128x128xf32, #tpu.memory_space<vmem>>) target(%dma_start3A_137 : memref<10112x128xf32, #tpu.memory_space<vmem_shared>>) offsets(%dma_start3A_134 : memref<128xi32, #tpu.memory_space<vmem>>) semaphore(%run_scoped3A : memref<!tpu.dma_semaphore, #tpu.memory_space<semaphore_mem>>) {add = true}
            %dma_wait3A_138 = arith.constant 0 : i32
            %dma_wait3A_139 = tpu.memref_slice %arg10[%mul3A_66, %dma_wait3A_138] : memref<32x128xi32, #tpu.memory_space<vmem>> -> memref<1x128xi32, #tpu.memory_space<vmem>>
            %dma_wait3A_140 = tpu.memref_squeeze %dma_wait3A_139 : memref<1x128xi32, #tpu.memory_space<vmem>> -> memref<128xi32, #tpu.memory_space<vmem>>
            %dma_wait3A_141 = arith.constant 0 : i32
            %dma_wait3A_142 = arith.constant 0 : i32
            %dma_wait3A_143 = tpu.memref_slice %arg13[%dma_wait3A_141, %dma_wait3A_142] : memref<10112x128xf32, #tpu.memory_space<vmem_shared>> -> memref<10112x128xf32, #tpu.memory_space<vmem_shared>>
            tpu.wait_indirect_dma semaphore(%run_scoped3A : memref<!tpu.dma_semaphore, #tpu.memory_space<semaphore_mem>>) src(%arg11 : memref<128x128xf32, #tpu.memory_space<vmem>>) dst(%dma_wait3A_143 : memref<10112x128xf32, #tpu.memory_space<vmem_shared>>)
            tpu.yield
          }) : () -> ()
          %lt3A = arith.constant 15 : i32
          %lt3A_106 = arith.cmpi slt, %scan3A_64, %lt3A : i32
          %convert_element_type3A_107 = arith.extui %lt3A_106 : i1 to i32
          %cond3A_108 = arith.constant 0 : i32
          %cond3A_109 = arith.cmpi ne, %convert_element_type3A_107, %cond3A_108 : i32
          scf.if %cond3A_109 {
            %add3A_132 = arith.constant 2 : i32
            %add3A_133 = arith.addi %mul3A_66, %add3A_132 : i32
            %dma_start3A_134 = arith.constant 0 : i32
            %dma_start3A_135 = arith.constant 0 : i32
            %dma_start3A_136 = tpu.memref_slice %arg11[%dma_start3A_134, %dma_start3A_135] : memref<128x128xf32, #tpu.memory_space<vmem>> -> memref<64x128xf32, #tpu.memory_space<vmem>>
            %dma_start3A_137 = arith.constant 0 : i32
            %dma_start3A_138 = tpu.memref_slice %arg9[%add3A_133, %dma_start3A_137] : memref<32x128xi32, #tpu.memory_space<vmem>> -> memref<1x64xi32, #tpu.memory_space<vmem>>
            %dma_start3A_139 = tpu.memref_squeeze %dma_start3A_138 : memref<1x64xi32, #tpu.memory_space<vmem>> -> memref<64xi32, #tpu.memory_space<vmem>>
            %dma_start3A_140 = arith.constant 0 : i32
            %dma_start3A_141 = arith.constant 0 : i32
            %dma_start3A_142 = tpu.memref_slice %arg2[%dma_start3A_140, %dma_start3A_141] : memref<10000x128xf32, #tpu.memory_space<hbm>> -> memref<10000x128xf32, #tpu.memory_space<hbm>>
            tpu.enqueue_indirect_dma source(%dma_start3A_142 : memref<10000x128xf32, #tpu.memory_space<hbm>>) target(%dma_start3A_136 : memref<64x128xf32, #tpu.memory_space<vmem>>) offsets(%dma_start3A_139 : memref<64xi32, #tpu.memory_space<vmem>>) semaphore(%arg14 : memref<!tpu.dma_semaphore, #tpu.memory_space<semaphore_mem>>)
            %dma_start3A_143 = arith.constant 64 : i32
            %dma_start3A_144 = arith.constant 0 : i32
            %dma_start3A_145 = tpu.memref_slice %arg11[%dma_start3A_143, %dma_start3A_144] : memref<128x128xf32, #tpu.memory_space<vmem>> -> memref<64x128xf32, #tpu.memory_space<vmem>>
            %dma_start3A_146 = arith.constant 64 : i32
            %dma_start3A_147 = tpu.memref_slice %arg9[%add3A_133, %dma_start3A_146] : memref<32x128xi32, #tpu.memory_space<vmem>> -> memref<1x64xi32, #tpu.memory_space<vmem>>
            %dma_start3A_148 = tpu.memref_squeeze %dma_start3A_147 : memref<1x64xi32, #tpu.memory_space<vmem>> -> memref<64xi32, #tpu.memory_space<vmem>>
            %dma_start3A_149 = arith.constant 0 : i32
            %dma_start3A_150 = arith.constant 0 : i32
            %dma_start3A_151 = tpu.memref_slice %arg2[%dma_start3A_149, %dma_start3A_150] : memref<10000x128xf32, #tpu.memory_space<hbm>> -> memref<10000x128xf32, #tpu.memory_space<hbm>>
            tpu.enqueue_indirect_dma source(%dma_start3A_151 : memref<10000x128xf32, #tpu.memory_space<hbm>>) target(%dma_start3A_145 : memref<64x128xf32, #tpu.memory_space<vmem>>) offsets(%dma_start3A_148 : memref<64xi32, #tpu.memory_space<vmem>>) semaphore(%arg14 : memref<!tpu.dma_semaphore, #tpu.memory_space<semaphore_mem>>)
          } else {
          }
          %dma_wait3A_110 = arith.constant 0 : i32
          %dma_wait3A_111 = arith.constant 0 : i32
          %dma_wait3A_112 = arith.constant 0 : i32
          %dma_wait3A_113 = tpu.memref_slice %arg12[%dma_wait3A_111, %dma_wait3A_112] : memref<128x128xf32, #tpu.memory_space<vmem>> -> memref<64x128xf32, #tpu.memory_space<vmem>>
          %dma_wait3A_114 = arith.constant 0 : i32
          %dma_wait3A_115 = tpu.memref_slice %arg9[%dma_wait3A_110, %dma_wait3A_114] : memref<32x128xi32, #tpu.memory_space<vmem>> -> memref<1x64xi32, #tpu.memory_space<vmem>>
          %dma_wait3A_116 = tpu.memref_squeeze %dma_wait3A_115 : memref<1x64xi32, #tpu.memory_space<vmem>> -> memref<64xi32, #tpu.memory_space<vmem>>
          %dma_wait3A_117 = arith.constant 0 : i32
          %dma_wait3A_118 = arith.constant 0 : i32
          %dma_wait3A_119 = tpu.memref_slice %arg2[%dma_wait3A_117, %dma_wait3A_118] : memref<10000x128xf32, #tpu.memory_space<hbm>> -> memref<10000x128xf32, #tpu.memory_space<hbm>>
          tpu.wait_indirect_dma semaphore(%arg15 : memref<!tpu.dma_semaphore, #tpu.memory_space<semaphore_mem>>) src(%dma_wait3A_119 : memref<10000x128xf32, #tpu.memory_space<hbm>>) dst(%dma_wait3A_113 : memref<64x128xf32, #tpu.memory_space<vmem>>)
          %dma_wait3A_120 = arith.constant 0 : i32
          %dma_wait3A_121 = arith.constant 64 : i32
          %dma_wait3A_122 = arith.constant 0 : i32
          %dma_wait3A_123 = tpu.memref_slice %arg12[%dma_wait3A_121, %dma_wait3A_122] : memref<128x128xf32, #tpu.memory_space<vmem>> -> memref<64x128xf32, #tpu.memory_space<vmem>>
          %dma_wait3A_124 = arith.constant 0 : i32
          %dma_wait3A_125 = tpu.memref_slice %arg9[%dma_wait3A_120, %dma_wait3A_124] : memref<32x128xi32, #tpu.memory_space<vmem>> -> memref<1x64xi32, #tpu.memory_space<vmem>>
          %dma_wait3A_126 = tpu.memref_squeeze %dma_wait3A_125 : memref<1x64xi32, #tpu.memory_space<vmem>> -> memref<64xi32, #tpu.memory_space<vmem>>
          %dma_wait3A_127 = arith.constant 0 : i32
          %dma_wait3A_128 = arith.constant 0 : i32
          %dma_wait3A_129 = tpu.memref_slice %arg2[%dma_wait3A_127, %dma_wait3A_128] : memref<10000x128xf32, #tpu.memory_space<hbm>> -> memref<10000x128xf32, #tpu.memory_space<hbm>>
          tpu.wait_indirect_dma semaphore(%arg15 : memref<!tpu.dma_semaphore, #tpu.memory_space<semaphore_mem>>) src(%dma_wait3A_129 : memref<10000x128xf32, #tpu.memory_space<hbm>>) dst(%dma_wait3A_123 : memref<64x128xf32, #tpu.memory_space<vmem>>)
          %add3A_130 = arith.constant 1 : i32
          %add3A_131 = arith.addi %mul3A_66, %add3A_130 : i32
          "tpu.region"() ({
            %run_scoped3A = tpu.sem_alloc : memref<!tpu.dma_semaphore, #tpu.memory_space<semaphore_mem>>
            %dma_start3A_132 = arith.constant 0 : i32
            %dma_start3A_133 = tpu.memref_slice %arg10[%add3A_131, %dma_start3A_132] : memref<32x128xi32, #tpu.memory_space<vmem>> -> memref<1x128xi32, #tpu.memory_space<vmem>>
            %dma_start3A_134 = tpu.memref_squeeze %dma_start3A_133 : memref<1x128xi32, #tpu.memory_space<vmem>> -> memref<128xi32, #tpu.memory_space<vmem>>
            %dma_start3A_135 = arith.constant 0 : i32
            %dma_start3A_136 = arith.constant 0 : i32
            %dma_start3A_137 = tpu.memref_slice %arg13[%dma_start3A_135, %dma_start3A_136] : memref<10112x128xf32, #tpu.memory_space<vmem_shared>> -> memref<10112x128xf32, #tpu.memory_space<vmem_shared>>
            tpu.enqueue_indirect_dma source(%arg12 : memref<128x128xf32, #tpu.memory_space<vmem>>) target(%dma_start3A_137 : memref<10112x128xf32, #tpu.memory_space<vmem_shared>>) offsets(%dma_start3A_134 : memref<128xi32, #tpu.memory_space<vmem>>) semaphore(%run_scoped3A : memref<!tpu.dma_semaphore, #tpu.memory_space<semaphore_mem>>) {add = true}
            %dma_wait3A_138 = arith.constant 0 : i32
            %dma_wait3A_139 = tpu.memref_slice %arg10[%add3A_131, %dma_wait3A_138] : memref<32x128xi32, #tpu.memory_space<vmem>> -> memref<1x128xi32, #tpu.memory_space<vmem>>
            %dma_wait3A_140 = tpu.memref_squeeze %dma_wait3A_139 : memref<1x128xi32, #tpu.memory_space<vmem>> -> memref<128xi32, #tpu.memory_space<vmem>>
            %dma_wait3A_141 = arith.constant 0 : i32
            %dma_wait3A_142 = arith.constant 0 : i32
            %dma_wait3A_143 = tpu.memref_slice %arg13[%dma_wait3A_141, %dma_wait3A_142] : memref<10112x128xf32, #tpu.memory_space<vmem_shared>> -> memref<10112x128xf32, #tpu.memory_space<vmem_shared>>
            tpu.wait_indirect_dma semaphore(%run_scoped3A : memref<!tpu.dma_semaphore, #tpu.memory_space<semaphore_mem>>) src(%arg12 : memref<128x128xf32, #tpu.memory_space<vmem>>) dst(%dma_wait3A_143 : memref<10112x128xf32, #tpu.memory_space<vmem_shared>>)
            tpu.yield
          }) : () -> ()
        }
        %scan3A_63 = arith.constant 16 : i32
      }
      %scan3A_32 = arith.constant 5 : i32
    } else {
    }
    %eq3A_12 = arith.constant 1 : i32
    %eq3A_13 = arith.cmpi eq, %arg0, %eq3A_12 : i32
    %convert_element_type3A_14 = arith.extui %eq3A_13 : i1 to i32
    %cond3A_15 = arith.constant 0 : i32
    %cond3A_16 = arith.cmpi ne, %convert_element_type3A_14, %cond3A_15 : i32
    scf.if %cond3A_16 {
      %scan3A = arith.constant 0 : i32
      %scan3A_28 = arith.constant 0 : i32
      %scan3A_29 = arith.constant 5 : i32
      %scan3A_30 = arith.addi %scan3A_28, %scan3A_29 : i32
      %scan3A_31 = arith.constant 1 : i32
      scf.for %scan3A_33 = %scan3A_28 to %scan3A_30 step %scan3A_31  : i32 {
        %mul3A_34 = arith.constant 160 : i32
        %mul3A_35 = arith.muli %arg1, %mul3A_34 : i32
        %mul3A_36 = arith.constant 32 : i32
        %mul3A_37 = arith.muli %scan3A_33, %mul3A_36 : i32
        %add3A_38 = arith.addi %mul3A_35, %mul3A_37 : i32
        "tpu.region"() ({
          %run_scoped3A = tpu.sem_alloc : memref<!tpu.dma_semaphore, #tpu.memory_space<semaphore_mem>>
          %dma_start3A_64 = arith.constant 0 : i32
          %dma_start3A_65 = tpu.memref_slice %arg5[%add3A_38, %dma_start3A_64] : memref<2560x128xi32, #tpu.memory_space<hbm>> -> memref<32x128xi32, #tpu.memory_space<hbm>>
          %dma_start3A_66 = arith.constant 0 : i32
          %dma_start3A_67 = tpu.memref_slice %arg5[%add3A_38, %dma_start3A_66] : memref<2560x128xi32, #tpu.memory_space<hbm>> -> memref<32x128xi32, #tpu.memory_space<hbm>>
          tpu.enqueue_dma source(%dma_start3A_67 : memref<32x128xi32, #tpu.memory_space<hbm>>) target(%arg9 : memref<32x128xi32, #tpu.memory_space<vmem>>) target_semaphore(%run_scoped3A : memref<!tpu.dma_semaphore, #tpu.memory_space<semaphore_mem>>)
          %dma_wait3A = arith.constant 0 : i32
          %dma_wait3A_68 = tpu.memref_slice %arg5[%add3A_38, %dma_wait3A] : memref<2560x128xi32, #tpu.memory_space<hbm>> -> memref<32x128xi32, #tpu.memory_space<hbm>>
          %dma_wait3A_69 = arith.constant 0 : i32
          %dma_wait3A_70 = tpu.memref_slice %arg5[%add3A_38, %dma_wait3A_69] : memref<2560x128xi32, #tpu.memory_space<hbm>> -> memref<32x128xi32, #tpu.memory_space<hbm>>
          tpu.wait_dma2 semaphore(%run_scoped3A : memref<!tpu.dma_semaphore, #tpu.memory_space<semaphore_mem>>) src(%dma_wait3A_70 : memref<32x128xi32, #tpu.memory_space<hbm>>) dst(%arg9 : memref<32x128xi32, #tpu.memory_space<vmem>>)
          tpu.yield
        }) : () -> ()
        "tpu.region"() ({
          %run_scoped3A = tpu.sem_alloc : memref<!tpu.dma_semaphore, #tpu.memory_space<semaphore_mem>>
          %dma_start3A_64 = arith.constant 0 : i32
          %dma_start3A_65 = tpu.memref_slice %arg4[%add3A_38, %dma_start3A_64] : memref<2560x128xi32, #tpu.memory_space<hbm>> -> memref<32x128xi32, #tpu.memory_space<hbm>>
          %dma_start3A_66 = arith.constant 0 : i32
          %dma_start3A_67 = tpu.memref_slice %arg4[%add3A_38, %dma_start3A_66] : memref<2560x128xi32, #tpu.memory_space<hbm>> -> memref<32x128xi32, #tpu.memory_space<hbm>>
          tpu.enqueue_dma source(%dma_start3A_67 : memref<32x128xi32, #tpu.memory_space<hbm>>) target(%arg10 : memref<32x128xi32, #tpu.memory_space<vmem>>) target_semaphore(%run_scoped3A : memref<!tpu.dma_semaphore, #tpu.memory_space<semaphore_mem>>)
          %dma_wait3A = arith.constant 0 : i32
          %dma_wait3A_68 = tpu.memref_slice %arg4[%add3A_38, %dma_wait3A] : memref<2560x128xi32, #tpu.memory_space<hbm>> -> memref<32x128xi32, #tpu.memory_space<hbm>>
          %dma_wait3A_69 = arith.constant 0 : i32
          %dma_wait3A_70 = tpu.memref_slice %arg4[%add3A_38, %dma_wait3A_69] : memref<2560x128xi32, #tpu.memory_space<hbm>> -> memref<32x128xi32, #tpu.memory_space<hbm>>
          tpu.wait_dma2 semaphore(%run_scoped3A : memref<!tpu.dma_semaphore, #tpu.memory_space<semaphore_mem>>) src(%dma_wait3A_70 : memref<32x128xi32, #tpu.memory_space<hbm>>) dst(%arg10 : memref<32x128xi32, #tpu.memory_space<vmem>>)
          tpu.yield
        }) : () -> ()
        %dma_start3A = arith.constant 0 : i32
        %dma_start3A_39 = arith.constant 0 : i32
        %dma_start3A_40 = arith.constant 0 : i32
        %dma_start3A_41 = tpu.memref_slice %arg11[%dma_start3A_39, %dma_start3A_40] : memref<128x128xf32, #tpu.memory_space<vmem>> -> memref<64x128xf32, #tpu.memory_space<vmem>>
        %dma_start3A_42 = arith.constant 0 : i32
        %dma_start3A_43 = tpu.memref_slice %arg9[%dma_start3A, %dma_start3A_42] : memref<32x128xi32, #tpu.memory_space<vmem>> -> memref<1x64xi32, #tpu.memory_space<vmem>>
        %dma_start3A_44 = tpu.memref_squeeze %dma_start3A_43 : memref<1x64xi32, #tpu.memory_space<vmem>> -> memref<64xi32, #tpu.memory_space<vmem>>
        %dma_start3A_45 = arith.constant 0 : i32
        %dma_start3A_46 = arith.constant 0 : i32
        %dma_start3A_47 = tpu.memref_slice %arg3[%dma_start3A_45, %dma_start3A_46] : memref<10000x128xf32, #tpu.memory_space<hbm>> -> memref<10000x128xf32, #tpu.memory_space<hbm>>
        tpu.enqueue_indirect_dma source(%dma_start3A_47 : memref<10000x128xf32, #tpu.memory_space<hbm>>) target(%dma_start3A_41 : memref<64x128xf32, #tpu.memory_space<vmem>>) offsets(%dma_start3A_44 : memref<64xi32, #tpu.memory_space<vmem>>) semaphore(%arg14 : memref<!tpu.dma_semaphore, #tpu.memory_space<semaphore_mem>>)
        %dma_start3A_48 = arith.constant 0 : i32
        %dma_start3A_49 = arith.constant 64 : i32
        %dma_start3A_50 = arith.constant 0 : i32
        %dma_start3A_51 = tpu.memref_slice %arg11[%dma_start3A_49, %dma_start3A_50] : memref<128x128xf32, #tpu.memory_space<vmem>> -> memref<64x128xf32, #tpu.memory_space<vmem>>
        %dma_start3A_52 = arith.constant 64 : i32
        %dma_start3A_53 = tpu.memref_slice %arg9[%dma_start3A_48, %dma_start3A_52] : memref<32x128xi32, #tpu.memory_space<vmem>> -> memref<1x64xi32, #tpu.memory_space<vmem>>
        %dma_start3A_54 = tpu.memref_squeeze %dma_start3A_53 : memref<1x64xi32, #tpu.memory_space<vmem>> -> memref<64xi32, #tpu.memory_space<vmem>>
        %dma_start3A_55 = arith.constant 0 : i32
        %dma_start3A_56 = arith.constant 0 : i32
        %dma_start3A_57 = tpu.memref_slice %arg3[%dma_start3A_55, %dma_start3A_56] : memref<10000x128xf32, #tpu.memory_space<hbm>> -> memref<10000x128xf32, #tpu.memory_space<hbm>>
        tpu.enqueue_indirect_dma source(%dma_start3A_57 : memref<10000x128xf32, #tpu.memory_space<hbm>>) target(%dma_start3A_51 : memref<64x128xf32, #tpu.memory_space<vmem>>) offsets(%dma_start3A_54 : memref<64xi32, #tpu.memory_space<vmem>>) semaphore(%arg14 : memref<!tpu.dma_semaphore, #tpu.memory_space<semaphore_mem>>)
        %scan3A_58 = arith.constant 0 : i32
        %scan3A_59 = arith.constant 0 : i32
        %scan3A_60 = arith.constant 16 : i32
        %scan3A_61 = arith.addi %scan3A_59, %scan3A_60 : i32
        %scan3A_62 = arith.constant 1 : i32
        scf.for %scan3A_64 = %scan3A_59 to %scan3A_61 step %scan3A_62  : i32 {
          %mul3A_65 = arith.constant 2 : i32
          %mul3A_66 = arith.muli %mul3A_65, %scan3A_64 : i32
          %add3A_67 = arith.constant 1 : i32
          %add3A_68 = arith.addi %mul3A_66, %add3A_67 : i32
          %dma_start3A_69 = arith.constant 0 : i32
          %dma_start3A_70 = arith.constant 0 : i32
          %dma_start3A_71 = tpu.memref_slice %arg12[%dma_start3A_69, %dma_start3A_70] : memref<128x128xf32, #tpu.memory_space<vmem>> -> memref<64x128xf32, #tpu.memory_space<vmem>>
          %dma_start3A_72 = arith.constant 0 : i32
          %dma_start3A_73 = tpu.memref_slice %arg9[%add3A_68, %dma_start3A_72] : memref<32x128xi32, #tpu.memory_space<vmem>> -> memref<1x64xi32, #tpu.memory_space<vmem>>
          %dma_start3A_74 = tpu.memref_squeeze %dma_start3A_73 : memref<1x64xi32, #tpu.memory_space<vmem>> -> memref<64xi32, #tpu.memory_space<vmem>>
          %dma_start3A_75 = arith.constant 0 : i32
          %dma_start3A_76 = arith.constant 0 : i32
          %dma_start3A_77 = tpu.memref_slice %arg3[%dma_start3A_75, %dma_start3A_76] : memref<10000x128xf32, #tpu.memory_space<hbm>> -> memref<10000x128xf32, #tpu.memory_space<hbm>>
          tpu.enqueue_indirect_dma source(%dma_start3A_77 : memref<10000x128xf32, #tpu.memory_space<hbm>>) target(%dma_start3A_71 : memref<64x128xf32, #tpu.memory_space<vmem>>) offsets(%dma_start3A_74 : memref<64xi32, #tpu.memory_space<vmem>>) semaphore(%arg15 : memref<!tpu.dma_semaphore, #tpu.memory_space<semaphore_mem>>)
          %dma_start3A_78 = arith.constant 64 : i32
          %dma_start3A_79 = arith.constant 0 : i32
          %dma_start3A_80 = tpu.memref_slice %arg12[%dma_start3A_78, %dma_start3A_79] : memref<128x128xf32, #tpu.memory_space<vmem>> -> memref<64x128xf32, #tpu.memory_space<vmem>>
          %dma_start3A_81 = arith.constant 64 : i32
          %dma_start3A_82 = tpu.memref_slice %arg9[%add3A_68, %dma_start3A_81] : memref<32x128xi32, #tpu.memory_space<vmem>> -> memref<1x64xi32, #tpu.memory_space<vmem>>
          %dma_start3A_83 = tpu.memref_squeeze %dma_start3A_82 : memref<1x64xi32, #tpu.memory_space<vmem>> -> memref<64xi32, #tpu.memory_space<vmem>>
          %dma_start3A_84 = arith.constant 0 : i32
          %dma_start3A_85 = arith.constant 0 : i32
          %dma_start3A_86 = tpu.memref_slice %arg3[%dma_start3A_84, %dma_start3A_85] : memref<10000x128xf32, #tpu.memory_space<hbm>> -> memref<10000x128xf32, #tpu.memory_space<hbm>>
          tpu.enqueue_indirect_dma source(%dma_start3A_86 : memref<10000x128xf32, #tpu.memory_space<hbm>>) target(%dma_start3A_80 : memref<64x128xf32, #tpu.memory_space<vmem>>) offsets(%dma_start3A_83 : memref<64xi32, #tpu.memory_space<vmem>>) semaphore(%arg15 : memref<!tpu.dma_semaphore, #tpu.memory_space<semaphore_mem>>)
          %dma_wait3A = arith.constant 0 : i32
          %dma_wait3A_87 = arith.constant 0 : i32
          %dma_wait3A_88 = arith.constant 0 : i32
          %dma_wait3A_89 = tpu.memref_slice %arg11[%dma_wait3A_87, %dma_wait3A_88] : memref<128x128xf32, #tpu.memory_space<vmem>> -> memref<64x128xf32, #tpu.memory_space<vmem>>
          %dma_wait3A_90 = arith.constant 0 : i32
          %dma_wait3A_91 = tpu.memref_slice %arg9[%dma_wait3A, %dma_wait3A_90] : memref<32x128xi32, #tpu.memory_space<vmem>> -> memref<1x64xi32, #tpu.memory_space<vmem>>
          %dma_wait3A_92 = tpu.memref_squeeze %dma_wait3A_91 : memref<1x64xi32, #tpu.memory_space<vmem>> -> memref<64xi32, #tpu.memory_space<vmem>>
          %dma_wait3A_93 = arith.constant 0 : i32
          %dma_wait3A_94 = arith.constant 0 : i32
          %dma_wait3A_95 = tpu.memref_slice %arg3[%dma_wait3A_93, %dma_wait3A_94] : memref<10000x128xf32, #tpu.memory_space<hbm>> -> memref<10000x128xf32, #tpu.memory_space<hbm>>
          tpu.wait_indirect_dma semaphore(%arg14 : memref<!tpu.dma_semaphore, #tpu.memory_space<semaphore_mem>>) src(%dma_wait3A_95 : memref<10000x128xf32, #tpu.memory_space<hbm>>) dst(%dma_wait3A_89 : memref<64x128xf32, #tpu.memory_space<vmem>>)
          %dma_wait3A_96 = arith.constant 0 : i32
          %dma_wait3A_97 = arith.constant 64 : i32
          %dma_wait3A_98 = arith.constant 0 : i32
          %dma_wait3A_99 = tpu.memref_slice %arg11[%dma_wait3A_97, %dma_wait3A_98] : memref<128x128xf32, #tpu.memory_space<vmem>> -> memref<64x128xf32, #tpu.memory_space<vmem>>
          %dma_wait3A_100 = arith.constant 0 : i32
          %dma_wait3A_101 = tpu.memref_slice %arg9[%dma_wait3A_96, %dma_wait3A_100] : memref<32x128xi32, #tpu.memory_space<vmem>> -> memref<1x64xi32, #tpu.memory_space<vmem>>
          %dma_wait3A_102 = tpu.memref_squeeze %dma_wait3A_101 : memref<1x64xi32, #tpu.memory_space<vmem>> -> memref<64xi32, #tpu.memory_space<vmem>>
          %dma_wait3A_103 = arith.constant 0 : i32
          %dma_wait3A_104 = arith.constant 0 : i32
          %dma_wait3A_105 = tpu.memref_slice %arg3[%dma_wait3A_103, %dma_wait3A_104] : memref<10000x128xf32, #tpu.memory_space<hbm>> -> memref<10000x128xf32, #tpu.memory_space<hbm>>
          tpu.wait_indirect_dma semaphore(%arg14 : memref<!tpu.dma_semaphore, #tpu.memory_space<semaphore_mem>>) src(%dma_wait3A_105 : memref<10000x128xf32, #tpu.memory_space<hbm>>) dst(%dma_wait3A_99 : memref<64x128xf32, #tpu.memory_space<vmem>>)
          "tpu.region"() ({
            %run_scoped3A = tpu.sem_alloc : memref<!tpu.dma_semaphore, #tpu.memory_space<semaphore_mem>>
            %dma_start3A_132 = arith.constant 0 : i32
            %dma_start3A_133 = tpu.memref_slice %arg10[%mul3A_66, %dma_start3A_132] : memref<32x128xi32, #tpu.memory_space<vmem>> -> memref<1x128xi32, #tpu.memory_space<vmem>>
            %dma_start3A_134 = tpu.memref_squeeze %dma_start3A_133 : memref<1x128xi32, #tpu.memory_space<vmem>> -> memref<128xi32, #tpu.memory_space<vmem>>
            %dma_start3A_135 = arith.constant 0 : i32
            %dma_start3A_136 = arith.constant 0 : i32
            %dma_start3A_137 = tpu.memref_slice %arg13[%dma_start3A_135, %dma_start3A_136] : memref<10112x128xf32, #tpu.memory_space<vmem_shared>> -> memref<10112x128xf32, #tpu.memory_space<vmem_shared>>
            tpu.enqueue_indirect_dma source(%arg11 : memref<128x128xf32, #tpu.memory_space<vmem>>) target(%dma_start3A_137 : memref<10112x128xf32, #tpu.memory_space<vmem_shared>>) offsets(%dma_start3A_134 : memref<128xi32, #tpu.memory_space<vmem>>) semaphore(%run_scoped3A : memref<!tpu.dma_semaphore, #tpu.memory_space<semaphore_mem>>) {add = true}
            %dma_wait3A_138 = arith.constant 0 : i32
            %dma_wait3A_139 = tpu.memref_slice %arg10[%mul3A_66, %dma_wait3A_138] : memref<32x128xi32, #tpu.memory_space<vmem>> -> memref<1x128xi32, #tpu.memory_space<vmem>>
            %dma_wait3A_140 = tpu.memref_squeeze %dma_wait3A_139 : memref<1x128xi32, #tpu.memory_space<vmem>> -> memref<128xi32, #tpu.memory_space<vmem>>
            %dma_wait3A_141 = arith.constant 0 : i32
            %dma_wait3A_142 = arith.constant 0 : i32
            %dma_wait3A_143 = tpu.memref_slice %arg13[%dma_wait3A_141, %dma_wait3A_142] : memref<10112x128xf32, #tpu.memory_space<vmem_shared>> -> memref<10112x128xf32, #tpu.memory_space<vmem_shared>>
            tpu.wait_indirect_dma semaphore(%run_scoped3A : memref<!tpu.dma_semaphore, #tpu.memory_space<semaphore_mem>>) src(%arg11 : memref<128x128xf32, #tpu.memory_space<vmem>>) dst(%dma_wait3A_143 : memref<10112x128xf32, #tpu.memory_space<vmem_shared>>)
            tpu.yield
          }) : () -> ()
          %lt3A = arith.constant 15 : i32
          %lt3A_106 = arith.cmpi slt, %scan3A_64, %lt3A : i32
          %convert_element_type3A_107 = arith.extui %lt3A_106 : i1 to i32
          %cond3A_108 = arith.constant 0 : i32
          %cond3A_109 = arith.cmpi ne, %convert_element_type3A_107, %cond3A_108 : i32
          scf.if %cond3A_109 {
            %add3A_132 = arith.constant 2 : i32
            %add3A_133 = arith.addi %mul3A_66, %add3A_132 : i32
            %dma_start3A_134 = arith.constant 0 : i32
            %dma_start3A_135 = arith.constant 0 : i32
            %dma_start3A_136 = tpu.memref_slice %arg11[%dma_start3A_134, %dma_start3A_135] : memref<128x128xf32, #tpu.memory_space<vmem>> -> memref<64x128xf32, #tpu.memory_space<vmem>>
            %dma_start3A_137 = arith.constant 0 : i32
            %dma_start3A_138 = tpu.memref_slice %arg9[%add3A_133, %dma_start3A_137] : memref<32x128xi32, #tpu.memory_space<vmem>> -> memref<1x64xi32, #tpu.memory_space<vmem>>
            %dma_start3A_139 = tpu.memref_squeeze %dma_start3A_138 : memref<1x64xi32, #tpu.memory_space<vmem>> -> memref<64xi32, #tpu.memory_space<vmem>>
            %dma_start3A_140 = arith.constant 0 : i32
            %dma_start3A_141 = arith.constant 0 : i32
            %dma_start3A_142 = tpu.memref_slice %arg3[%dma_start3A_140, %dma_start3A_141] : memref<10000x128xf32, #tpu.memory_space<hbm>> -> memref<10000x128xf32, #tpu.memory_space<hbm>>
            tpu.enqueue_indirect_dma source(%dma_start3A_142 : memref<10000x128xf32, #tpu.memory_space<hbm>>) target(%dma_start3A_136 : memref<64x128xf32, #tpu.memory_space<vmem>>) offsets(%dma_start3A_139 : memref<64xi32, #tpu.memory_space<vmem>>) semaphore(%arg14 : memref<!tpu.dma_semaphore, #tpu.memory_space<semaphore_mem>>)
            %dma_start3A_143 = arith.constant 64 : i32
            %dma_start3A_144 = arith.constant 0 : i32
            %dma_start3A_145 = tpu.memref_slice %arg11[%dma_start3A_143, %dma_start3A_144] : memref<128x128xf32, #tpu.memory_space<vmem>> -> memref<64x128xf32, #tpu.memory_space<vmem>>
            %dma_start3A_146 = arith.constant 64 : i32
            %dma_start3A_147 = tpu.memref_slice %arg9[%add3A_133, %dma_start3A_146] : memref<32x128xi32, #tpu.memory_space<vmem>> -> memref<1x64xi32, #tpu.memory_space<vmem>>
            %dma_start3A_148 = tpu.memref_squeeze %dma_start3A_147 : memref<1x64xi32, #tpu.memory_space<vmem>> -> memref<64xi32, #tpu.memory_space<vmem>>
            %dma_start3A_149 = arith.constant 0 : i32
            %dma_start3A_150 = arith.constant 0 : i32
            %dma_start3A_151 = tpu.memref_slice %arg3[%dma_start3A_149, %dma_start3A_150] : memref<10000x128xf32, #tpu.memory_space<hbm>> -> memref<10000x128xf32, #tpu.memory_space<hbm>>
            tpu.enqueue_indirect_dma source(%dma_start3A_151 : memref<10000x128xf32, #tpu.memory_space<hbm>>) target(%dma_start3A_145 : memref<64x128xf32, #tpu.memory_space<vmem>>) offsets(%dma_start3A_148 : memref<64xi32, #tpu.memory_space<vmem>>) semaphore(%arg14 : memref<!tpu.dma_semaphore, #tpu.memory_space<semaphore_mem>>)
          } else {
          }
          %dma_wait3A_110 = arith.constant 0 : i32
          %dma_wait3A_111 = arith.constant 0 : i32
          %dma_wait3A_112 = arith.constant 0 : i32
          %dma_wait3A_113 = tpu.memref_slice %arg12[%dma_wait3A_111, %dma_wait3A_112] : memref<128x128xf32, #tpu.memory_space<vmem>> -> memref<64x128xf32, #tpu.memory_space<vmem>>
          %dma_wait3A_114 = arith.constant 0 : i32
          %dma_wait3A_115 = tpu.memref_slice %arg9[%dma_wait3A_110, %dma_wait3A_114] : memref<32x128xi32, #tpu.memory_space<vmem>> -> memref<1x64xi32, #tpu.memory_space<vmem>>
          %dma_wait3A_116 = tpu.memref_squeeze %dma_wait3A_115 : memref<1x64xi32, #tpu.memory_space<vmem>> -> memref<64xi32, #tpu.memory_space<vmem>>
          %dma_wait3A_117 = arith.constant 0 : i32
          %dma_wait3A_118 = arith.constant 0 : i32
          %dma_wait3A_119 = tpu.memref_slice %arg3[%dma_wait3A_117, %dma_wait3A_118] : memref<10000x128xf32, #tpu.memory_space<hbm>> -> memref<10000x128xf32, #tpu.memory_space<hbm>>
          tpu.wait_indirect_dma semaphore(%arg15 : memref<!tpu.dma_semaphore, #tpu.memory_space<semaphore_mem>>) src(%dma_wait3A_119 : memref<10000x128xf32, #tpu.memory_space<hbm>>) dst(%dma_wait3A_113 : memref<64x128xf32, #tpu.memory_space<vmem>>)
          %dma_wait3A_120 = arith.constant 0 : i32
          %dma_wait3A_121 = arith.constant 64 : i32
          %dma_wait3A_122 = arith.constant 0 : i32
          %dma_wait3A_123 = tpu.memref_slice %arg12[%dma_wait3A_121, %dma_wait3A_122] : memref<128x128xf32, #tpu.memory_space<vmem>> -> memref<64x128xf32, #tpu.memory_space<vmem>>
          %dma_wait3A_124 = arith.constant 0 : i32
          %dma_wait3A_125 = tpu.memref_slice %arg9[%dma_wait3A_120, %dma_wait3A_124] : memref<32x128xi32, #tpu.memory_space<vmem>> -> memref<1x64xi32, #tpu.memory_space<vmem>>
          %dma_wait3A_126 = tpu.memref_squeeze %dma_wait3A_125 : memref<1x64xi32, #tpu.memory_space<vmem>> -> memref<64xi32, #tpu.memory_space<vmem>>
          %dma_wait3A_127 = arith.constant 0 : i32
          %dma_wait3A_128 = arith.constant 0 : i32
          %dma_wait3A_129 = tpu.memref_slice %arg3[%dma_wait3A_127, %dma_wait3A_128] : memref<10000x128xf32, #tpu.memory_space<hbm>> -> memref<10000x128xf32, #tpu.memory_space<hbm>>
          tpu.wait_indirect_dma semaphore(%arg15 : memref<!tpu.dma_semaphore, #tpu.memory_space<semaphore_mem>>) src(%dma_wait3A_129 : memref<10000x128xf32, #tpu.memory_space<hbm>>) dst(%dma_wait3A_123 : memref<64x128xf32, #tpu.memory_space<vmem>>)
          %add3A_130 = arith.constant 1 : i32
          %add3A_131 = arith.addi %mul3A_66, %add3A_130 : i32
          "tpu.region"() ({
            %run_scoped3A = tpu.sem_alloc : memref<!tpu.dma_semaphore, #tpu.memory_space<semaphore_mem>>
            %dma_start3A_132 = arith.constant 0 : i32
            %dma_start3A_133 = tpu.memref_slice %arg10[%add3A_131, %dma_start3A_132] : memref<32x128xi32, #tpu.memory_space<vmem>> -> memref<1x128xi32, #tpu.memory_space<vmem>>
            %dma_start3A_134 = tpu.memref_squeeze %dma_start3A_133 : memref<1x128xi32, #tpu.memory_space<vmem>> -> memref<128xi32, #tpu.memory_space<vmem>>
            %dma_start3A_135 = arith.constant 0 : i32
            %dma_start3A_136 = arith.constant 0 : i32
            %dma_start3A_137 = tpu.memref_slice %arg13[%dma_start3A_135, %dma_start3A_136] : memref<10112x128xf32, #tpu.memory_space<vmem_shared>> -> memref<10112x128xf32, #tpu.memory_space<vmem_shared>>
            tpu.enqueue_indirect_dma source(%arg12 : memref<128x128xf32, #tpu.memory_space<vmem>>) target(%dma_start3A_137 : memref<10112x128xf32, #tpu.memory_space<vmem_shared>>) offsets(%dma_start3A_134 : memref<128xi32, #tpu.memory_space<vmem>>) semaphore(%run_scoped3A : memref<!tpu.dma_semaphore, #tpu.memory_space<semaphore_mem>>) {add = true}
            %dma_wait3A_138 = arith.constant 0 : i32
            %dma_wait3A_139 = tpu.memref_slice %arg10[%add3A_131, %dma_wait3A_138] : memref<32x128xi32, #tpu.memory_space<vmem>> -> memref<1x128xi32, #tpu.memory_space<vmem>>
            %dma_wait3A_140 = tpu.memref_squeeze %dma_wait3A_139 : memref<1x128xi32, #tpu.memory_space<vmem>> -> memref<128xi32, #tpu.memory_space<vmem>>
            %dma_wait3A_141 = arith.constant 0 : i32
            %dma_wait3A_142 = arith.constant 0 : i32
            %dma_wait3A_143 = tpu.memref_slice %arg13[%dma_wait3A_141, %dma_wait3A_142] : memref<10112x128xf32, #tpu.memory_space<vmem_shared>> -> memref<10112x128xf32, #tpu.memory_space<vmem_shared>>
            tpu.wait_indirect_dma semaphore(%run_scoped3A : memref<!tpu.dma_semaphore, #tpu.memory_space<semaphore_mem>>) src(%arg12 : memref<128x128xf32, #tpu.memory_space<vmem>>) dst(%dma_wait3A_143 : memref<10112x128xf32, #tpu.memory_space<vmem_shared>>)
            tpu.yield
          }) : () -> ()
        }
        %scan3A_63 = arith.constant 16 : i32
      }
      %scan3A_32 = arith.constant 5 : i32
    } else {
    }
    %barrier3A_17 = arith.constant 0 : index
    tpu.barrier barrier_id(%barrier3A_17)
    %eq3A_18 = arith.constant 0 : i32
    %eq3A_19 = arith.cmpi eq, %arg0, %eq3A_18 : i32
    %convert_element_type3A_20 = arith.extui %eq3A_19 : i1 to i32
    %cond3A_21 = arith.constant 0 : i32
    %cond3A_22 = arith.cmpi ne, %convert_element_type3A_20, %cond3A_21 : i32
    scf.if %cond3A_22 {
      "tpu.region"() ({
        %run_scoped3A = tpu.sem_alloc : memref<!tpu.dma_semaphore, #tpu.memory_space<semaphore_mem>>
        %dma_start3A = arith.constant 0 : i32
        %dma_start3A_28 = tpu.memref_slice %arg7[%mul3A_0, %dma_start3A] : memref<10112x128xf32, #tpu.memory_space<hbm>> -> memref<632x128xf32, #tpu.memory_space<hbm>>
        %dma_start3A_29 = arith.constant 0 : i32
        %dma_start3A_30 = tpu.memref_slice %arg13[%mul3A_0, %dma_start3A_29] : memref<10112x128xf32, #tpu.memory_space<vmem_shared>> -> memref<632x128xf32, #tpu.memory_space<vmem_shared>>
        tpu.enqueue_dma source(%dma_start3A_30 : memref<632x128xf32, #tpu.memory_space<vmem_shared>>) target(%dma_start3A_28 : memref<632x128xf32, #tpu.memory_space<hbm>>) target_semaphore(%run_scoped3A : memref<!tpu.dma_semaphore, #tpu.memory_space<semaphore_mem>>)
        %dma_wait3A = arith.constant 0 : i32
        %dma_wait3A_31 = tpu.memref_slice %arg7[%mul3A_0, %dma_wait3A] : memref<10112x128xf32, #tpu.memory_space<hbm>> -> memref<632x128xf32, #tpu.memory_space<hbm>>
        %dma_wait3A_32 = arith.constant 0 : i32
        %dma_wait3A_33 = tpu.memref_slice %arg13[%mul3A_0, %dma_wait3A_32] : memref<10112x128xf32, #tpu.memory_space<vmem_shared>> -> memref<632x128xf32, #tpu.memory_space<vmem_shared>>
        tpu.wait_dma2 semaphore(%run_scoped3A : memref<!tpu.dma_semaphore, #tpu.memory_space<semaphore_mem>>) src(%dma_wait3A_33 : memref<632x128xf32, #tpu.memory_space<vmem_shared>>) dst(%dma_wait3A_31 : memref<632x128xf32, #tpu.memory_space<hbm>>)
        tpu.yield
      }) : () -> ()
    } else {
    }
    %eq3A_23 = arith.constant 1 : i32
    %eq3A_24 = arith.cmpi eq, %arg0, %eq3A_23 : i32
    %convert_element_type3A_25 = arith.extui %eq3A_24 : i1 to i32
    %cond3A_26 = arith.constant 0 : i32
    %cond3A_27 = arith.cmpi ne, %convert_element_type3A_25, %cond3A_26 : i32
    scf.if %cond3A_27 {
      "tpu.region"() ({
        %run_scoped3A = tpu.sem_alloc : memref<!tpu.dma_semaphore, #tpu.memory_space<semaphore_mem>>
        %dma_start3A = arith.constant 0 : i32
        %dma_start3A_28 = tpu.memref_slice %arg8[%mul3A_0, %dma_start3A] : memref<10112x128xf32, #tpu.memory_space<hbm>> -> memref<632x128xf32, #tpu.memory_space<hbm>>
        %dma_start3A_29 = arith.constant 0 : i32
        %dma_start3A_30 = tpu.memref_slice %arg13[%mul3A_0, %dma_start3A_29] : memref<10112x128xf32, #tpu.memory_space<vmem_shared>> -> memref<632x128xf32, #tpu.memory_space<vmem_shared>>
        tpu.enqueue_dma source(%dma_start3A_30 : memref<632x128xf32, #tpu.memory_space<vmem_shared>>) target(%dma_start3A_28 : memref<632x128xf32, #tpu.memory_space<hbm>>) target_semaphore(%run_scoped3A : memref<!tpu.dma_semaphore, #tpu.memory_space<semaphore_mem>>)
        %dma_wait3A = arith.constant 0 : i32
        %dma_wait3A_31 = tpu.memref_slice %arg8[%mul3A_0, %dma_wait3A] : memref<10112x128xf32, #tpu.memory_space<hbm>> -> memref<632x128xf32, #tpu.memory_space<hbm>>
        %dma_wait3A_32 = arith.constant 0 : i32
        %dma_wait3A_33 = tpu.memref_slice %arg13[%mul3A_0, %dma_wait3A_32] : memref<10112x128xf32, #tpu.memory_space<vmem_shared>> -> memref<632x128xf32, #tpu.memory_space<vmem_shared>>
        tpu.wait_dma2 semaphore(%run_scoped3A : memref<!tpu.dma_semaphore, #tpu.memory_space<semaphore_mem>>) src(%dma_wait3A_33 : memref<632x128xf32, #tpu.memory_space<vmem_shared>>) dst(%dma_wait3A_31 : memref<632x128xf32, #tpu.memory_space<hbm>>)
        tpu.yield
      }) : () -> ()
    } else {
    }
    return
  }
}

module attributes {stable_mosaic.version = 14 : i64} {
  func.func @_k1_body(%arg0: i32, %arg1: memref<2000x128xf32, #tpu.memory_space<vmem>>, %arg2: memref<2000x128xf32, #tpu.memory_space<vmem>>, %arg3: memref<2000x128xf32, #tpu.memory_space<vmem>>, %arg4: memref<2000x128xf32, #tpu.memory_space<vmem>>, %arg5: memref<2000x128xf32, #tpu.memory_space<vmem>>, %arg6: memref<2000x128xf32, #tpu.memory_space<vmem>>, %arg7: memref<2000x128xf32, #tpu.memory_space<vmem>>) attributes {dimension_semantics = [#tpu.dimension_semantics<arbitrary>], iteration_bounds = array<i64: 5>, scalar_prefetch = 0 : i64, scratch_operands = 0 : i64, tpu.core_type = #tpu.core_type<tc>, window_params = [{transform_indices = @transform_0, window_bounds = array<i64: 2000, 128>}, {transform_indices = @transform_1, window_bounds = array<i64: 2000, 128>}, {transform_indices = @transform_2, window_bounds = array<i64: 2000, 128>}, {transform_indices = @transform_3, window_bounds = array<i64: 2000, 128>}, {transform_indices = @transform_4, window_bounds = array<i64: 2000, 128>}, {transform_indices = @transform_5, window_bounds = array<i64: 2000, 128>}, {transform_indices = @transform_6, window_bounds = array<i64: 2000, 128>}]} {
    %get3A = arith.constant 0 : index
    %get3A_0 = arith.constant 0 : index
    %get3A_1 = vector.load %arg1[%get3A, %get3A_0] : memref<2000x128xf32, #tpu.memory_space<vmem>>, vector<2000x1xf32>
    %get3A_2 = arith.constant 0 : index
    %get3A_3 = arith.constant 0 : index
    %get3A_4 = vector.load %arg2[%get3A_2, %get3A_3] : memref<2000x128xf32, #tpu.memory_space<vmem>>, vector<2000x1xf32>
    %add3A = arith.addf %get3A_1, %get3A_4 : vector<2000x1xf32>
    %add3A_5 = arith.constant 1.000000e+00 : f32
    %add3A_6 = vector.broadcast %add3A_5 : f32 to vector<2000x1xf32>
    %add3A_7 = arith.addf %add3A, %add3A_6 : vector<2000x1xf32>
    %rsqrt3A = math.rsqrt %add3A_7 : vector<2000x1xf32>
    %broadcast_in_dim3A = vector.shape_cast %rsqrt3A : vector<2000x1xf32> to vector<2000x1xf32>
    %broadcast_in_dim3A_8 = vector.broadcast %broadcast_in_dim3A : vector<2000x1xf32> to vector<2000x128xf32>
    %swap3A = arith.constant 0 : index
    %swap3A_9 = arith.constant 0 : index
    %swap3A_10 = vector.load %arg7[%swap3A, %swap3A_9] : memref<2000x128xf32, #tpu.memory_space<vmem>>, vector<2000x128xf32>
    tpu.vector_store %arg7[%swap3A, %swap3A_9], %broadcast_in_dim3A_8 {strides = array<i32>} : memref<2000x128xf32, #tpu.memory_space<vmem>>, vector<2000x128xf32>,
    %get3A_11 = arith.constant 0 : index
    %get3A_12 = arith.constant 0 : index
    %get3A_13 = vector.load %arg3[%get3A_11, %get3A_12] : memref<2000x128xf32, #tpu.memory_space<vmem>>, vector<2000x128xf32>
    %mul3A = vector.broadcast %rsqrt3A : vector<2000x1xf32> to vector<2000x128xf32>
    %mul3A_14 = arith.mulf %get3A_13, %mul3A : vector<2000x128xf32>
    %swap3A_15 = arith.constant 0 : index
    %swap3A_16 = arith.constant 0 : index
    %swap3A_17 = vector.load %arg5[%swap3A_15, %swap3A_16] : memref<2000x128xf32, #tpu.memory_space<vmem>>, vector<2000x128xf32>
    tpu.vector_store %arg5[%swap3A_15, %swap3A_16], %mul3A_14 {strides = array<i32>} : memref<2000x128xf32, #tpu.memory_space<vmem>>, vector<2000x128xf32>,
    %get3A_18 = arith.constant 0 : index
    %get3A_19 = arith.constant 0 : index
    %get3A_20 = vector.load %arg4[%get3A_18, %get3A_19] : memref<2000x128xf32, #tpu.memory_space<vmem>>, vector<2000x128xf32>
    %mul3A_21 = vector.broadcast %rsqrt3A : vector<2000x1xf32> to vector<2000x128xf32>
    %mul3A_22 = arith.mulf %get3A_20, %mul3A_21 : vector<2000x128xf32>
    %swap3A_23 = arith.constant 0 : index
    %swap3A_24 = arith.constant 0 : index
    %swap3A_25 = vector.load %arg6[%swap3A_23, %swap3A_24] : memref<2000x128xf32, #tpu.memory_space<vmem>>, vector<2000x128xf32>
    tpu.vector_store %arg6[%swap3A_23, %swap3A_24], %mul3A_22 {strides = array<i32>} : memref<2000x128xf32, #tpu.memory_space<vmem>>, vector<2000x128xf32>,
    return
  }
  func.func @transform_0(%arg0: i32) -> (i32, i32) {
    %c0_i32 = arith.constant 0 : i32
    %c0_i32_0 = arith.constant 0 : i32
    return %arg0, %c0_i32 : i32, i32
  }
  func.func @transform_1(%arg0: i32) -> (i32, i32) {
    %c0_i32 = arith.constant 0 : i32
    %c0_i32_0 = arith.constant 0 : i32
    return %arg0, %c0_i32 : i32, i32
  }
  func.func @transform_2(%arg0: i32) -> (i32, i32) {
    %c0_i32 = arith.constant 0 : i32
    %c0_i32_0 = arith.constant 0 : i32
    return %arg0, %c0_i32 : i32, i32
  }
  func.func @transform_3(%arg0: i32) -> (i32, i32) {
    %c0_i32 = arith.constant 0 : i32
    %c0_i32_0 = arith.constant 0 : i32
    return %arg0, %c0_i32 : i32, i32
  }
  func.func @transform_4(%arg0: i32) -> (i32, i32) {
    %c0_i32 = arith.constant 0 : i32
    %c0_i32_0 = arith.constant 0 : i32
    return %arg0, %c0_i32 : i32, i32
  }
  func.func @transform_5(%arg0: i32) -> (i32, i32) {
    %c0_i32 = arith.constant 0 : i32
    %c0_i32_0 = arith.constant 0 : i32
    return %arg0, %c0_i32 : i32, i32
  }
  func.func @transform_6(%arg0: i32) -> (i32, i32) {
    %c0_i32 = arith.constant 0 : i32
    %c0_i32_0 = arith.constant 0 : i32
    return %arg0, %c0_i32 : i32, i32
  }
}

module attributes {stable_mosaic.version = 14 : i64} {
  func.func @_k2_body(%arg0: i32, %arg1: memref<2000x128xf32, #tpu.memory_space<vmem>>, %arg2: memref<2000x128xf32, #tpu.memory_space<vmem>>, %arg3: memref<2000x128xf32, #tpu.memory_space<vmem>>, %arg4: memref<2000x128xf32, #tpu.memory_space<vmem>>, %arg5: memref<2000x128xf32, #tpu.memory_space<vmem>>, %arg6: memref<2000x128xf32, #tpu.memory_space<vmem>>, %arg7: memref<2000x128xf32, #tpu.memory_space<vmem>>) attributes {dimension_semantics = [#tpu.dimension_semantics<arbitrary>], iteration_bounds = array<i64: 5>, scalar_prefetch = 0 : i64, scratch_operands = 0 : i64, tpu.core_type = #tpu.core_type<tc>, window_params = [{transform_indices = @transform_0, window_bounds = array<i64: 2000, 128>}, {transform_indices = @transform_1, window_bounds = array<i64: 2000, 128>}, {transform_indices = @transform_2, window_bounds = array<i64: 2000, 128>}, {transform_indices = @transform_3, window_bounds = array<i64: 2000, 128>}, {transform_indices = @transform_4, window_bounds = array<i64: 2000, 128>}, {transform_indices = @transform_5, window_bounds = array<i64: 2000, 128>}, {transform_indices = @transform_6, window_bounds = array<i64: 2000, 128>}]} {
    %get3A = arith.constant 0 : index
    %get3A_0 = arith.constant 0 : index
    %get3A_1 = vector.load %arg1[%get3A, %get3A_0] : memref<2000x128xf32, #tpu.memory_space<vmem>>, vector<2000x128xf32>
    %get3A_2 = arith.constant 0 : index
    %get3A_3 = arith.constant 0 : index
    %get3A_4 = vector.load %arg1[%get3A_2, %get3A_3] : memref<2000x128xf32, #tpu.memory_space<vmem>>, vector<2000x128xf32>
    %mul3A = arith.mulf %get3A_1, %get3A_4 : vector<2000x128xf32>
    %get3A_5 = arith.constant 0 : index
    %get3A_6 = arith.constant 0 : index
    %get3A_7 = vector.load %arg2[%get3A_5, %get3A_6] : memref<2000x128xf32, #tpu.memory_space<vmem>>, vector<2000x128xf32>
    %get3A_8 = arith.constant 0 : index
    %get3A_9 = arith.constant 0 : index
    %get3A_10 = vector.load %arg4[%get3A_8, %get3A_9] : memref<2000x128xf32, #tpu.memory_space<vmem>>, vector<2000x128xf32>
    %add3A = arith.addf %get3A_7, %get3A_10 : vector<2000x128xf32>
    %mul3A_11 = arith.mulf %add3A, %mul3A : vector<2000x128xf32>
    %swap3A = arith.constant 0 : index
    %swap3A_12 = arith.constant 0 : index
    %swap3A_13 = vector.load %arg6[%swap3A, %swap3A_12] : memref<2000x128xf32, #tpu.memory_space<vmem>>, vector<2000x128xf32>
    tpu.vector_store %arg6[%swap3A, %swap3A_12], %mul3A_11 {strides = array<i32>} : memref<2000x128xf32, #tpu.memory_space<vmem>>, vector<2000x128xf32>,
    %get3A_14 = arith.constant 0 : index
    %get3A_15 = arith.constant 0 : index
    %get3A_16 = vector.load %arg3[%get3A_14, %get3A_15] : memref<2000x128xf32, #tpu.memory_space<vmem>>, vector<2000x128xf32>
    %get3A_17 = arith.constant 0 : index
    %get3A_18 = arith.constant 0 : index
    %get3A_19 = vector.load %arg5[%get3A_17, %get3A_18] : memref<2000x128xf32, #tpu.memory_space<vmem>>, vector<2000x128xf32>
    %add3A_20 = arith.addf %get3A_16, %get3A_19 : vector<2000x128xf32>
    %mul3A_21 = arith.mulf %add3A_20, %mul3A : vector<2000x128xf32>
    %swap3A_22 = arith.constant 0 : index
    %swap3A_23 = arith.constant 0 : index
    %swap3A_24 = vector.load %arg7[%swap3A_22, %swap3A_23] : memref<2000x128xf32, #tpu.memory_space<vmem>>, vector<2000x128xf32>
    tpu.vector_store %arg7[%swap3A_22, %swap3A_23], %mul3A_21 {strides = array<i32>} : memref<2000x128xf32, #tpu.memory_space<vmem>>, vector<2000x128xf32>,
    return
  }
  func.func @transform_0(%arg0: i32) -> (i32, i32) {
    %c0_i32 = arith.constant 0 : i32
    %c0_i32_0 = arith.constant 0 : i32
    return %arg0, %c0_i32 : i32, i32
  }
  func.func @transform_1(%arg0: i32) -> (i32, i32) {
    %c0_i32 = arith.constant 0 : i32
    %c0_i32_0 = arith.constant 0 : i32
    return %arg0, %c0_i32 : i32, i32
  }
  func.func @transform_2(%arg0: i32) -> (i32, i32) {
    %c0_i32 = arith.constant 0 : i32
    %c0_i32_0 = arith.constant 0 : i32
    return %arg0, %c0_i32 : i32, i32
  }
  func.func @transform_3(%arg0: i32) -> (i32, i32) {
    %c0_i32 = arith.constant 0 : i32
    %c0_i32_0 = arith.constant 0 : i32
    return %arg0, %c0_i32 : i32, i32
  }
  func.func @transform_4(%arg0: i32) -> (i32, i32) {
    %c0_i32 = arith.constant 0 : i32
    %c0_i32_0 = arith.constant 0 : i32
    return %arg0, %c0_i32 : i32, i32
  }
  func.func @transform_5(%arg0: i32) -> (i32, i32) {
    %c0_i32 = arith.constant 0 : i32
    %c0_i32_0 = arith.constant 0 : i32
    return %arg0, %c0_i32 : i32, i32
  }
  func.func @transform_6(%arg0: i32) -> (i32, i32) {
    %c0_i32 = arith.constant 0 : i32
    %c0_i32_0 = arith.constant 0 : i32
    return %arg0, %c0_i32 : i32, i32
  }
}

module attributes {stable_mosaic.version = 14 : i64} {
  func.func @_k3_body(%arg0: i32, %arg1: memref<2000x128xf32, #tpu.memory_space<vmem>>, %arg2: memref<2000x128xf32, #tpu.memory_space<vmem>>, %arg3: memref<2000x128xf32, #tpu.memory_space<vmem>>, %arg4: memref<2000x128xf32, #tpu.memory_space<vmem>>, %arg5: memref<2000x128xf32, #tpu.memory_space<vmem>>, %arg6: memref<128x128xf32, #tpu.memory_space<vmem>>, %arg7: memref<1x128xf32, #tpu.memory_space<vmem>>, %arg8: memref<128x128xf32, #tpu.memory_space<vmem>>, %arg9: memref<128x128xf32, #tpu.memory_space<vmem>>, %arg10: memref<1x128xf32, #tpu.memory_space<vmem>>, %arg11: memref<2000x128xf32, #tpu.memory_space<vmem>>) attributes {dimension_semantics = [#tpu.dimension_semantics<arbitrary>], iteration_bounds = array<i64: 5>, scalar_prefetch = 0 : i64, scratch_operands = 0 : i64, tpu.core_type = #tpu.core_type<tc>, window_params = [{transform_indices = @transform_0, window_bounds = array<i64: 2000, 128>}, {transform_indices = @transform_1, window_bounds = array<i64: 2000, 128>}, {transform_indices = @transform_2, window_bounds = array<i64: 2000, 128>}, {transform_indices = @transform_3, window_bounds = array<i64: 2000, 128>}, {transform_indices = @transform_4, window_bounds = array<i64: 2000, 128>}, {pipeline_mode = #tpu.pipeline_mode<synchronous>, transform_indices = @transform_5, window_bounds = array<i64: 128, 128>}, {pipeline_mode = #tpu.pipeline_mode<synchronous>, transform_indices = @transform_6, window_bounds = array<i64: 1, 128>}, {pipeline_mode = #tpu.pipeline_mode<synchronous>, transform_indices = @transform_7, window_bounds = array<i64: 128, 128>}, {pipeline_mode = #tpu.pipeline_mode<synchronous>, transform_indices = @transform_8, window_bounds = array<i64: 128, 128>}, {pipeline_mode = #tpu.pipeline_mode<synchronous>, transform_indices = @transform_9, window_bounds = array<i64: 1, 128>}, {transform_indices = @transform_10, window_bounds = array<i64: 2000, 128>}]} {
    %get3A = arith.constant 0 : index
    %get3A_0 = arith.constant 0 : index
    %get3A_1 = vector.load %arg1[%get3A, %get3A_0] : memref<2000x128xf32, #tpu.memory_space<vmem>>, vector<2000x128xf32>
    %get3A_2 = arith.constant 0 : index
    %get3A_3 = arith.constant 0 : index
    %get3A_4 = vector.load %arg2[%get3A_2, %get3A_3] : memref<2000x128xf32, #tpu.memory_space<vmem>>, vector<2000x128xf32>
    %get3A_5 = arith.constant 0 : index
    %get3A_6 = arith.constant 0 : index
    %get3A_7 = vector.load %arg4[%get3A_5, %get3A_6] : memref<2000x128xf32, #tpu.memory_space<vmem>>, vector<2000x128xf32>
    %add3A = arith.addf %get3A_4, %get3A_7 : vector<2000x128xf32>
    %mul3A = arith.mulf %add3A, %get3A_1 : vector<2000x128xf32>
    %get3A_8 = arith.constant 0 : index
    %get3A_9 = arith.constant 0 : index
    %get3A_10 = vector.load %arg3[%get3A_8, %get3A_9] : memref<2000x128xf32, #tpu.memory_space<vmem>>, vector<2000x128xf32>
    %get3A_11 = arith.constant 0 : index
    %get3A_12 = arith.constant 0 : index
    %get3A_13 = vector.load %arg5[%get3A_11, %get3A_12] : memref<2000x128xf32, #tpu.memory_space<vmem>>, vector<2000x128xf32>
    %add3A_14 = arith.addf %get3A_10, %get3A_13 : vector<2000x128xf32>
    %mul3A_15 = arith.mulf %add3A_14, %get3A_1 : vector<2000x128xf32>
    %get3A_16 = arith.constant 0 : index
    %get3A_17 = arith.constant 0 : index
    %get3A_18 = vector.load %arg6[%get3A_16, %get3A_17] : memref<128x128xf32, #tpu.memory_space<vmem>>, vector<128x128xf32>
    %dot_general3A = arith.constant dense<0.000000e+00> : vector<2000x128xf32>
    %dot_general3A_19 = tpu.matmul %mul3A, %get3A_18, %dot_general3A {dimension_numbers = #tpu.dot_dimension_numbers<[1], [0], [0], [1], [0, 0, 1, 1], [], []>, transpose_lhs_hint = false} : vector<2000x128xf32>, vector<128x128xf32>, vector<2000x128xf32> -> vector<2000x128xf32>
    %get3A_20 = arith.constant 0 : index
    %get3A_21 = arith.constant 0 : index
    %get3A_22 = vector.load %arg7[%get3A_20, %get3A_21] : memref<1x128xf32, #tpu.memory_space<vmem>>, vector<1x128xf32>
    %add3A_23 = vector.broadcast %get3A_22 : vector<1x128xf32> to vector<2000x128xf32>
    %add3A_24 = arith.addf %dot_general3A_19, %add3A_23 : vector<2000x128xf32>
    %mul3A_25 = arith.mulf %add3A_24, %add3A_24 : vector<2000x128xf32>
    %reduce_sum3A = arith.constant dense<0.000000e+00> : vector<2000xf32>
    %reduce_sum3A_26 = vector.multi_reduction <add>, %mul3A_25, %reduce_sum3A [1] : vector<2000x128xf32> to vector<2000xf32>
    %broadcast_in_dim3A = vector.shape_cast %reduce_sum3A_26 : vector<2000xf32> to vector<2000x1xf32>
    %sqrt3A = math.sqrt %broadcast_in_dim3A : vector<2000x1xf32>
    %max3A = arith.constant 9.99999996E-13 : f32
    %max3A_27 = vector.broadcast %max3A : f32 to vector<2000x1xf32>
    %max3A_28 = arith.maximumf %sqrt3A, %max3A_27 : vector<2000x1xf32>
    %div3A = vector.broadcast %max3A_28 : vector<2000x1xf32> to vector<2000x128xf32>
    %div3A_29 = arith.divf %add3A_24, %div3A : vector<2000x128xf32>
    %get3A_30 = arith.constant 0 : index
    %get3A_31 = arith.constant 0 : index
    %get3A_32 = vector.load %arg8[%get3A_30, %get3A_31] : memref<128x128xf32, #tpu.memory_space<vmem>>, vector<128x128xf32>
    %dot_general3A_33 = arith.constant dense<0.000000e+00> : vector<2000x128xf32>
    %dot_general3A_34 = tpu.matmul %div3A_29, %get3A_32, %dot_general3A_33 {dimension_numbers = #tpu.dot_dimension_numbers<[1], [0], [0], [1], [0, 0, 1, 1], [], []>, transpose_lhs_hint = false} : vector<2000x128xf32>, vector<128x128xf32>, vector<2000x128xf32> -> vector<2000x128xf32>
    %get3A_35 = arith.constant 0 : index
    %get3A_36 = arith.constant 0 : index
    %get3A_37 = vector.load %arg9[%get3A_35, %get3A_36] : memref<128x128xf32, #tpu.memory_space<vmem>>, vector<128x128xf32>
    %dot_general3A_38 = arith.constant dense<0.000000e+00> : vector<2000x128xf32>
    %dot_general3A_39 = tpu.matmul %mul3A_15, %get3A_37, %dot_general3A_38 {dimension_numbers = #tpu.dot_dimension_numbers<[1], [0], [0], [1], [0, 0, 1, 1], [], []>, transpose_lhs_hint = false} : vector<2000x128xf32>, vector<128x128xf32>, vector<2000x128xf32> -> vector<2000x128xf32>
    %add3A_40 = arith.addf %dot_general3A_34, %dot_general3A_39 : vector<2000x128xf32>
    %get3A_41 = arith.constant 0 : index
    %get3A_42 = arith.constant 0 : index
    %get3A_43 = vector.load %arg10[%get3A_41, %get3A_42] : memref<1x128xf32, #tpu.memory_space<vmem>>, vector<1x128xf32>
    %add3A_44 = vector.broadcast %get3A_43 : vector<1x128xf32> to vector<2000x128xf32>
    %add3A_45 = arith.addf %add3A_40, %add3A_44 : vector<2000x128xf32>
    %swap3A = arith.constant 0 : index
    %swap3A_46 = arith.constant 0 : index
    %swap3A_47 = vector.load %arg11[%swap3A, %swap3A_46] : memref<2000x128xf32, #tpu.memory_space<vmem>>, vector<2000x128xf32>
    tpu.vector_store %arg11[%swap3A, %swap3A_46], %add3A_45 {strides = array<i32>} : memref<2000x128xf32, #tpu.memory_space<vmem>>, vector<2000x128xf32>,
    return
  }
  func.func @transform_0(%arg0: i32) -> (i32, i32) {
    %c0_i32 = arith.constant 0 : i32
    %c0_i32_0 = arith.constant 0 : i32
    return %arg0, %c0_i32 : i32, i32
  }
  func.func @transform_1(%arg0: i32) -> (i32, i32) {
    %c0_i32 = arith.constant 0 : i32
    %c0_i32_0 = arith.constant 0 : i32
    return %arg0, %c0_i32 : i32, i32
  }
  func.func @transform_2(%arg0: i32) -> (i32, i32) {
    %c0_i32 = arith.constant 0 : i32
    %c0_i32_0 = arith.constant 0 : i32
    return %arg0, %c0_i32 : i32, i32
  }
  func.func @transform_3(%arg0: i32) -> (i32, i32) {
    %c0_i32 = arith.constant 0 : i32
    %c0_i32_0 = arith.constant 0 : i32
    return %arg0, %c0_i32 : i32, i32
  }
  func.func @transform_4(%arg0: i32) -> (i32, i32) {
    %c0_i32 = arith.constant 0 : i32
    %c0_i32_0 = arith.constant 0 : i32
    return %arg0, %c0_i32 : i32, i32
  }
  func.func @transform_5(%arg0: i32) -> (i32, i32) {
    %c0_i32 = arith.constant 0 : i32
    %c0_i32_0 = arith.constant 0 : i32
    %c0_i32_1 = arith.constant 0 : i32
    return %c0_i32, %c0_i32_0 : i32, i32
  }
  func.func @transform_6(%arg0: i32) -> (i32, i32) {
    %c0_i32 = arith.constant 0 : i32
    %c0_i32_0 = arith.constant 0 : i32
    %c0_i32_1 = arith.constant 0 : i32
    return %c0_i32, %c0_i32_0 : i32, i32
  }
  func.func @transform_7(%arg0: i32) -> (i32, i32) {
    %c0_i32 = arith.constant 0 : i32
    %c0_i32_0 = arith.constant 0 : i32
    %c0_i32_1 = arith.constant 0 : i32
    return %c0_i32, %c0_i32_0 : i32, i32
  }
  func.func @transform_8(%arg0: i32) -> (i32, i32) {
    %c0_i32 = arith.constant 0 : i32
    %c0_i32_0 = arith.constant 0 : i32
    %c0_i32_1 = arith.constant 0 : i32
    return %c0_i32, %c0_i32_0 : i32, i32
  }
  func.func @transform_9(%arg0: i32) -> (i32, i32) {
    %c0_i32 = arith.constant 0 : i32
    %c0_i32_0 = arith.constant 0 : i32
    %c0_i32_1 = arith.constant 0 : i32
    return %c0_i32, %c0_i32_0 : i32, i32
  }
  func.func @transform_10(%arg0: i32) -> (i32, i32) {
    %c0_i32 = arith.constant 0 : i32
    %c0_i32_0 = arith.constant 0 : i32
    return %arg0, %c0_i32 : i32, i32
  }
}

</mosaic_0001>

<sc_bundles>
// kernel: kernel.11.cloned.1.call-start
scs
__scs_entry_jumppad:
0x0: {  	(pc) =	sbr.rel $0x88, $3  }
0x1: {  	(tag) =	ssettag $0x0;
	lr =	simm.s32 $0x1  }
0x2: {  	[smem:$0x3F9A] =	sst lr;
	_ =	strace $0xD0000000  }
0x3: {  	_ = 	snop  }
0x4: {  	_ = 	snop  }
0x5: {  	_ = 	snop  }
0x6: {  	_ = 	snop  }
0x7: {  	_ = 	snop  }
__scs_overlays_trampoline_lowered:
0x8: {  	[smem:$0x3FA9] =	sst s0  }
0x9: {  	[smem:$0x3FAA] =	sst s1  }
0xa: {  	[smem:$0x3FAB] =	sst s2  }
0xb: {  	[smem:$0x3FAC] =	sst s3  }
0xc: {  	[smem:$0x3FAD] =	sst s4  }
0xd: {  	[smem:$0x3FAE] =	sst s5  }
0xe: {  	[smem:$0x3FAF] =	sst s6  }
0xf: {  	[smem:$0x3FB0] =	sst s7  }
0x10: {  	[smem:$0x3FB1] =	sst s8  }
0x11: {  	[smem:$0x3FB2] =	sst s9;
	s0 =	simm.s32 @!p0 $0x0  }
0x12: {  	s1 =	sld [smem:$0x3F98];
	s0 =	simm.s32 @p0 $0x1  }
0x13: {  	[smem:$0x3FB3] =	sst s0;
	s0 =	simm.s32 @!p1 $0x0  }
0x14: {  	s2 =	sld [smem:$0x3F97];
	s0 =	simm.s32 @p1 $0x1  }
0x15: {  	[smem:$0x3FB4] =	sst s0;
	s0 =	simm.s32 @!p2 $0x0  }
0x16: {  	s3 =	sld [smem:$0x3FDB];
	s0 =	simm.s32 @p2 $0x1  }
0x17: {  	s4 =	simm.s32 $0x1BF5;
	[smem:$0x3FB6] =	sst s0  }
0x18: {  	s0 =	sld [smem:$0x3F99];
	_ =	swait.ge [sflag:s4], $0x0  }
0x19: {  	s7 =	sld [smem:$0x3F9A]  }
0x1a: {  	s8 =	sadd.s32 $0xFFFFE003, lr  }
0x1b: {  	s9 =	sadd.s32 $0xFFFFFEF7, lr;
	s5 =	simm.s32 $0xFFFFFFFF;
	p2 =	slt.u32 s8, $0xFFFFF086  }
0x1c: {  	p1 =	slt.u32 s9, $0xF7A;
	s5 =	simm.s32 @!p2 $0x0  }
0x1d: {  	s5 =	simm.s32 @p1 $0x1;
	p0 =	seq.s32 s7, s2  }
0x1e: {  	s7 =	smul.u32 @!p0 $0xF7A, s2;
	p2 =	seq.s32 @!p0 s5, $0x0  }
0x1f: {  	s9 =	smul.u32 $0xF7A, s1;
	s8 =	simm.s32 @!p0 $0x1BF5;
	p2 =	por !p2, p0  }
0x20: {  	[sflag:s8] =	ssyncset.s32 @!p0 $0xFFFFF086;
	s6 =	sadd.s32 @!p0 s3, s7;
	s7 =	simm.s32 @!p0 $0x108  }
0x21: {  	s3 =	sadd.s32 s3, s9;
	s6 =	sadd.s32 @!p0 $0x88, s6;
	s7 =	simm.s32 @p2 $0x1082  }
0x22: {  	[simem:s7], [sflag:s8] =	dma.local @!p0 [hbm:s6], $0xF7A  }
0x23: {  	s9 =	sor.u32 $0xD0000000, s2;
	s6 =	simm.s32 $0x108;
	_ =	swait.ge @!p0 [sflag:s8], $0x0  }
0x24: {  	s3 =	sadd.s32 $0x88, s3;
	s6 =	simm.s32 @!p1 $0x1082;
	[sflag:s4] =	ssyncset.s32 $0xFFFFF086  }
0x25: {  	[simem:s6], [sflag:s4] =	dma.local [hbm:s3], $0xF7A  }
0x26: {  	[smem:$0x3F9A] =	sst s1;
	(tag) =	ssettag s2;
	_ =	strace s9  }
0x27: {  	s1 =	sld [smem:$0x3FAA]  }
0x28: {  	s2 =	sld [smem:$0x3FAB]  }
0x29: {  	s4 =	sld [smem:$0x3FAD]  }
0x2a: {  	p0 =	seq.s32 s5, $0x0;
	s5 =	sld [smem:$0x3FAE]  }
0x2b: {  	s6 =	sld [smem:$0x3FAF]  }
0x2c: {  	s7 =	sld [smem:$0x3FB0]  }
0x2d: {  	s3 =	simm.s32 $0x108;
	s8 =	sld [smem:$0x3FB1]  }
0x2e: {  	s3 =	simm.s32 @!p0 $0x1082;
	s9 =	sld [smem:$0x3FB2]  }
0x2f: {  	lr =	sadd.s32 s0, s3;
	s0 =	sld [smem:$0x3FA9]  }
0x30: {  	s3 =	sld [smem:$0x3FAC]  }
0x31: {  	[smem:$0x3FB5] =	sst s10  }
0x32: {  	s10 =	sld [smem:$0x3FB3];
	_ =	sdelay $0x3  }
0x33: {  	p0 =	seq.s32 s10, $0x1;
	s10 =	sld [smem:$0x3FB5];
	_ =	sdelay $0x3  }
0x34: {  	[smem:$0x3FB5] =	sst s10  }
0x35: {  	s10 =	sld [smem:$0x3FB4];
	_ =	sdelay $0x3  }
0x36: {  	p1 =	seq.s32 s10, $0x1;
	s10 =	sld [smem:$0x3FB5];
	_ =	sdelay $0x3  }
0x37: {  	[smem:$0x3FB5] =	sst s10  }
0x38: {  	s10 =	sld [smem:$0x3FB6]  }
0x39: {  	_ = 	snop;
	(pc) =	sbr.ind lr, $3  }
0x3a: {  	_ = 	snop  }
0x3b: {  	_ = 	snop  }
0x3c: {  	p2 =	seq.s32 s10, $0x1;
	s10 =	sld [smem:$0x3FB5]  }
0x3d: {  	_ =	shalt  }
0x3e: {  	_ =	shalt  }
0x3f: {  	_ =	shalt  }
0x40: {  	_ =	shalt  }
0x41: {  	_ =	shalt  }
0x42: {  	_ =	shalt  }
0x43: {  	_ =	shalt  }
0x44: {  	_ =	shalt  }
0x45: {  	_ =	shalt  }
0x46: {  	_ =	shalt  }
0x47: {  	_ =	shalt  }
0x48: {  	_ =	shalt  }
0x49: {  	_ =	shalt  }
0x4a: {  	_ =	shalt  }
0x4b: {  	_ =	shalt  }
0x4c: {  	_ =	shalt  }
0x4d: {  	_ =	shalt  }
0x4e: {  	_ =	shalt  }
0x4f: {  	_ =	shalt  }
0x50: {  	_ =	shalt  }
0x51: {  	_ =	shalt  }
0x52: {  	_ =	shalt  }
0x53: {  	_ =	shalt  }
0x54: {  	_ =	shalt  }
0x55: {  	_ =	shalt  }
0x56: {  	_ =	shalt  }
0x57: {  	_ =	shalt  }
0x58: {  	_ =	shalt  }
0x59: {  	_ =	shalt  }
0x5a: {  	_ =	shalt  }
0x5b: {  	_ =	shalt  }
0x5c: {  	_ =	shalt  }
0x5d: {  	_ =	shalt  }
0x5e: {  	_ =	shalt  }
0x5f: {  	_ =	shalt  }
0x60: {  	_ =	shalt  }
0x61: {  	_ =	shalt  }
0x62: {  	_ =	shalt  }
0x63: {  	_ =	shalt  }
0x64: {  	_ =	shalt  }
0x65: {  	_ =	shalt  }
0x66: {  	_ =	shalt  }
0x67: {  	_ =	shalt  }
0x68: {  	_ =	shalt  }
0x69: {  	_ =	shalt  }
0x6a: {  	_ =	shalt  }
0x6b: {  	_ =	shalt  }
0x6c: {  	_ =	shalt  }
0x6d: {  	_ =	shalt  }
0x6e: {  	_ =	shalt  }
0x6f: {  	_ =	shalt  }
0x70: {  	_ =	shalt  }
0x71: {  	_ =	shalt  }
0x72: {  	_ =	shalt  }
0x73: {  	_ =	shalt  }
0x74: {  	_ =	shalt  }
0x75: {  	_ =	shalt  }
0x76: {  	_ =	shalt  }
0x77: {  	_ =	shalt  }
0x78: {  	_ =	shalt  }
0x79: {  	_ =	shalt  }
0x7a: {  	_ =	shalt  }
0x7b: {  	_ =	shalt  }
0x7c: {  	_ =	shalt  }
0x7d: {  	_ =	shalt  }
0x7e: {  	_ =	shalt  }
0x7f: {  	_ =	shalt  }
0x80: {  	_ =	shalt  }
0x81: {  	_ =	shalt  }
0x82: {  	_ =	shalt  }
0x83: {  	_ =	shalt  }
0x84: {  	_ =	shalt  }
0x85: {  	_ =	shalt  }
0x86: {  	_ =	shalt  }
0x87: {  	_ =	shalt  }
.Lfunc_end0:
.L_simem_size_0:
called_computation.1_lowered:
.L_overlay_start_0:
0x88: {  	s2 =	sld [smem:$0x3FD9]  }
0x89: {  	s3 =	sld [smem:$0x3FFE];
	_ =	sdelay $0x1  }
0x8a: {  	s1 =	srdreg.scid  }
0x8b: {  	s0 =	sand.u32 $0x1, s1  }
0x8c: {  	s17 =	sshll.u32 s0, $0xA;
	s2 =	sadd.s32 s3, s2  }
0x8d: {  	s2 =	sadd.s32 s2, s17  }
0x8e: {  	[smem:$0x3FC1] =	sst s2  }
0x8f: {  	_ = 	snop  }
0x90: {  	s2 =	sld [smem:$0x3FD0];
	(tm) =	ssettm $0x1  }
0x91: {  	s18 =	sld [smem:$0x3FFB];
	_ =	sdelay $0x3  }
0x92: {  	_ =	strace s18  }
0x93: {  	s3 =	sld [smem:$0x3FFC];
	_ =	sdelay $0x3  }
0x94: {  	_ =	strace s3  }
0x95: {  	s3 =	sld [smem:$0x3FFD];
	_ =	sdelay $0x3  }
0x96: {  	_ =	strace s3  }
0x97: {  	_ =	strace $0x8FFFFFFF  }
0x98: {  	s19 =	sld [smem:$0x3FDB];
	_ =	sdelay $0x1  }
0x99: {  	s4 =	simm.s32 $_scs_section_size  }
0x9a: {  	s5 =	simm.s32 $_size__tile_overlayer_lowered;
	s6 =	simm.s32 $_tile_overlayer_lowered  }
0x9b: {  	s22 =	simm.s32 $0x1BFF;
	s21 =	sshll.u32 s6, $0x1;
	s3 =	sadd.s32 s4, s19  }
0x9c: {  	s7 =	simm.s32 $0x0;
	s20 =	sshll.u32 s5, $0x1;
	s5 =	sadd.s32 s21, s3  }
0x9d: {  	[timem:s7], [sflag:s22] =	dma.local [hbm:s5], s20  }
0x9e: {  	_ =	swait.ge [sflag:s22], s20  }
0x9f: {  	s4 =	ssub.s32 $0x0, s20;
	[sflag:s22] =	ssyncset.done $0x0  }
0xa0: {  	[sflag:s22] =	ssyncadd.s32 s4;
	_ =	sdelay $0x1  }
0xa1: {  	s23 =	simm.s32 $0x1B8B  }
0xa2: {  	_ =	swait.ge [sflag:s23], $0x1  }
0xa3: {  	[sflag:s23] =	ssyncset.done $0x0  }
0xa4: {  	s25 =	simm.s32 $0x1B8E;
	s24 =	sld [smem:$0x3FFE];
	[sflag:s23] =	ssyncadd.s32 $0xFFFFFFFF  }
0xa5: {  	s26 =	simm.s32 $execute0_lowered;
	[smem:$0x3FD2] =	sst s25  }
0xa6: {  	s5 =	sshll.u32 s26, $0x1;
	_ =	strace $0x80000049;
	[dreg:$0x1] =	wrdreg $0xFFFFFFFF  }
0xa7: {  	s28 =	simm.s32 $_size_execute0_lowered;
	s3 =	sadd.s32 s3, s5;
	[dreg:$0x0] =	wrdreg $0x0  }
0xa8: {  	s5 =	sshll.u32 s28, $0x1;
	[dreg:$0x2] =	wrdreg s3  }
0xa9: {  	[dreg:$0x3] =	wrdreg s5  }
0xaa: {  	[dreg:$0x4] =	wrdreg $0xC0  }
0xab: {  	_ =	task [dreg:s7], $0x5FFFF  }
0xac: {  	[dreg:$0x1] =	wrdreg $0xFFFFFFFF  }
0xad: {  	[dreg:$0x0] =	wrdreg $0x60  }
0xae: {  	[dreg:$0x2] =	wrdreg s2  }
0xaf: {  	[dreg:$0x3] =	wrdreg s24  }
0xb0: {  	[dreg:$0x4] =	wrdreg $0xA0000  }
0xb1: {  	[dreg:$0x5] =	wrdreg $0x9  }
0xb2: {  	_ =	task.clear_ibuf [dreg:s7], $0x6FFFF;
	_ =	strace $0x90000049  }
0xb3: {  	s29 =	simm.s32 $0x9;
	_ =	strace $0x8000004B  }
0xb4: {  	_ =	swait.ge [sflag:s29], $0x1  }
0xb5: {  	[sflag:s29] =	ssyncadd.s32 $0xFFFFFFFF  }
0xb6: {  	_ =	strace $0x9000004B  }
0xb7: {  	_ =	sfence  }
0xb8: {  	s30 =	sld [smem:$0x0];
	_ =	sdelay $0x2  }
0xb9: {  	s31 =	sshll.u32 s1, $0xD;
	s1 =	sshrl.u32 s1, $0x2  }
0xba: {  	s3 =	sand.u32 $0x4000, s31;
	s1 =	sadd.s32 s1, s30  }
0xbb: {  	s0 =	sor.u32 s3, s0;
	s1 =	sshll.u32 s1, $0x11  }
0xbc: {  	s0 =	sor.u32 s1, s0  }
0xbd: {  	s0 =	sadd.s32 $0x8F2B, s0  }
0xbe: {  	[sflag:s0] =	ssyncadd.remote.s32 $0x1  }
0xbf: {  	_ =	sfence.sel $0xFFFF  }
0xc0: {  	[dreg:$0x0] =	wrdreg $0xFFFFFFFF;
	(pc) =	sbr.abs _section_cstart, $3  }
0xc1: {  	[dreg:$0x1] =	wrdreg $0xFFFFFFFF  }
0xc2: {  	_ =	task.clear_ibuf [dreg:s7], $0x2FFFF;
	_ =	strace $0x9FFFFFFF  }
0xc3: {  	(tm) =	ssettm $0x7FFFFFFF  }
tec
execute0_lowered:
.L_overlay_start_1:
0x0: {  	(tag) =	ssettag $0x1  }
0x1: {  	s1 =	rddreg [dreg:$0x0]  }
0x2: {  	s0 =	rddreg [dreg:$0x1]  }
0x3: {  	s2 =	rddreg [dreg:$0x2]  }
0x4: {  	s3 =	simm.s32 $0x0;
	s9 =	stileid.u32;
	s21 =	srdreg.scid  }
0x5: {  	s19 =	simm.s32 $0x2000;
	s20 =	simm.s32 $0x3;
	s28 =	simm.s32 $0x80  }
0x6: {  	s29 =	simm.s32 $0x2;
	s30 =	simm.s32 $0xF80;
	s31 =	simm.s32 $0xFC0  }
0x7: {  	[smem:$0x7FF] =	sst s3;
	s5 =	sadd.s32 $0x17E00, s0;
	s6 =	sadd.s32 $0xD600, s0  }
0x8: {  	s4 =	smul.u32 $0x4F000, s9;
	s7 =	sadd.s32 $0x3600, s0;
	s8 =	sadd.s32 $0x17600, s0  }
0x9: {  	s3 =	sand.u32 $0x1, s21;
	s22 =	sadd.s32 $0x3F000, s0;
	s0 =	sadd.s32 $0x66800, s0  }
0xa: {  	s16 =	smul.u32 $0x5000, s9;
	_ =	strace $0x8000004A;
	[dreg:$0x4] =	wrdreg s8  }
0xb: {  	s17 =	smul.u32 $0x2780, s9;
	s21 =	simm.s32 $0x1000;
	[dreg:$0x5] =	wrdreg s22  }
0xc: {  	s9 =	simm.s32 $0x0;
	s23 =	ssub.s32 $0x2, s3;
	[dreg:$0x6] =	wrdreg s0  }
0xd: {  	p0 =	sne.s32 s3, $0x0;
	s4 =	sshrl.u32 s4, $0x2;
	s24 =	sshrl.u32 s23, $0x1  }
0xe: {  	s22 =	simm.s32 $0x40;
	s11 =	sadd.s32 s4, s2;
	s0 =	ssub.s32 s23, s24  }
.Ltmp0:
0xf: {  	s23 =	simm.s32 $0x4000;
	s4 =	sadd.s32 $0x4000, s11;
	(pc) =	sbr.rel .LBB2_1-.Ltmp0, $4  }
0x10: {  	s24 =	simm.s32 $0x6000;
	s25 =	sadd.s32 $0x8000, s11;
	[dreg:$0x7] =	wrdreg s4  }
0x11: {  	s26 =	sadd.s32 $0xC000, s11;
	s15 =	sadd.s32 $0x10000, s11;
	[dreg:$0x8] =	wrdreg s25  }
0x12: {  	s18 =	smax.u32 s0, $0x1;
	s0 =	simm.s32 $0x1F00;
	[dreg:$0x9] =	wrdreg s26  }
0x13: {  	s25 =	simm.s32 $0x8000;
	s26 =	simm.s32 $0x1;
	s4 =	simm.s32 $0x1F80  }
.LBB2_10:
0x14: {  	s3 =	sadd.s32 s3, s17;
	s8 =	stileid.u32;
	s9 =	sadd.s32 $0x1, s9  }
0x15: {  	[bflag:$0x0] =	sbarrier.arrive $0xFFFF;
	s8 =	sshll.u32 s8, $0x6;
	p1 =	sne.s32 s9, s18  }
.Ltmp1:
0x16: {  	s10 =	sshrl.u32 s11, $0x3;
	s8 =	sor.u32 $0x1C03, s8;
	(pc) =	sbr.rel @!p1 .LBB2_11-.Ltmp1, $4  }
0x17: {  	[hbm:s3], [sflag:s8] =	dma.local [spmem:s10], $0x2780  }
0x18: {  	_ =	swait.ge [sflag:s20], $0x2780  }
0x19: {  	[sflag:s20] =	ssyncset.done $0x0  }
0x1a: {  	[sflag:s20] =	ssyncadd.s32 $0xFFFFD880  }
.LBB2_1:
0x1b: {  	s3 =	simm.s32 $0x0;
	s8 =	rddreg [dreg:$0x4]  }
0x1c: {  	[tilespmem:s19], [sflag:$0x3] =	stream.linear.gather [hbm4b:s8+s3], $0x4000, $0x38;
	[tilespmem:$0x1DC00] =	vst v63  }
0x1d: {  	_ =	swait.ge [sflag:s20], $0x4000  }
0x1e: {  	[sflag:s20] =	ssyncset.done $0x0  }
0x1f: {  	[sflag:s20] =	ssyncadd.s32 $0xFFFFC000  }
0x20: {  	[spmem:s11] =	stream.linear.scatter [tilespmem:s19], [sflag:$0x3], $0x4000, $0x38;
	[tilespmem:$0x1DC00] =	vst v63  }
0x21: {  	_ =	swait.ge [sflag:s20], $0x4000  }
0x22: {  	[sflag:s20] =	ssyncset.done $0x0  }
0x23: {  	s12 =	rddreg [dreg:$0x7];
	[sflag:s20] =	ssyncadd.s32 $0xFFFFC000  }
0x24: {  	[spmem:s12] =	stream.linear.scatter [tilespmem:s19], [sflag:$0x3], $0x4000, $0x38;
	[tilespmem:$0x1DC00] =	vst v63  }
0x25: {  	_ =	swait.ge [sflag:s20], $0x4000  }
0x26: {  	[sflag:s20] =	ssyncset.done $0x0  }
0x27: {  	s13 =	rddreg [dreg:$0x8];
	[sflag:s20] =	ssyncadd.s32 $0xFFFFC000  }
0x28: {  	[spmem:s13] =	stream.linear.scatter [tilespmem:s19], [sflag:$0x3], $0x4000, $0x38;
	[tilespmem:$0x1DC00] =	vst v63  }
0x29: {  	_ =	swait.ge [sflag:s20], $0x4000  }
0x2a: {  	[sflag:s20] =	ssyncset.done $0x0  }
0x2b: {  	s14 =	rddreg [dreg:$0x9];
	[sflag:s20] =	ssyncadd.s32 $0xFFFFC000  }
0x2c: {  	[spmem:s14] =	stream.linear.scatter [tilespmem:s19], [sflag:$0x3], $0x4000, $0x38;
	[tilespmem:$0x1DC00] =	vst v63  }
0x2d: {  	_ =	swait.ge [sflag:s20], $0x4000  }
0x2e: {  	[sflag:s20] =	ssyncset.done $0x0  }
0x2f: {  	[sflag:s20] =	ssyncadd.s32 $0xFFFFC000  }
0x30: {  	[spmem:s15] =	stream.linear.scatter [tilespmem:s19], [sflag:$0x3], $0x3C00, $0x38;
	[tilespmem:$0x1DC00] =	vst v63  }
.Ltmp2:
0x31: {  	_ =	swait.ge [sflag:s20], $0x3C00;
	(pc) =	sbr.rel @p0 .LBB2_6-.Ltmp2, $4  }
0x32: {  	[sflag:s20] =	ssyncset.done $0x0  }
0x33: {  	[sflag:s20] =	ssyncadd.s32 $0xFFFFC400  }
0x34: {  	[bflag:$0x0] =	sbarrier.arrive $0xFFFF  }
0x35: {  	s10 =	simm.s32 $0x0;
	s3 =	simm.s32 $0x0  }
.LBB2_2:
0x36: {  	s3 =	sshll.u32 s10, $0xC  }
0x37: {  	s3 =	sadd.s32 s16, s3  }
0x38: {  	s3 =	sshrl.u32 s3, $0x3  }
0x39: {  	s12 =	simm.s32 $0x0;
	s8 =	sadd.s32 s7, s3  }
0x3a: {  	[tilespmem:s12], [sflag:$0x3] =	stream.linear.gather [hbm4b:s8+s12], $0x1000, $0x38;
	[tilespmem:$0x1DC00] =	vst v63  }
0x3b: {  	_ =	swait.ge [sflag:s20], $0x1000  }
0x3c: {  	[sflag:s20] =	ssyncset.done $0x0  }
0x3d: {  	s3 =	sadd.s32 s6, s3;
	[sflag:s20] =	ssyncadd.s32 $0xFFFFF000  }
0x3e: {  	[tilespmem:s21], [sflag:$0x3] =	stream.linear.gather [hbm4b:s3+s12], $0x1000, $0x38;
	[tilespmem:$0x1DC00] =	vst v63  }
0x3f: {  	_ =	swait.ge [sflag:s20], $0x1000  }
0x40: {  	[sflag:s20] =	ssyncset.done $0x0  }
0x41: {  	[sflag:s20] =	ssyncadd.s32 $0xFFFFF000  }
0x42: {  	[tilespmem:s19], [sflag:$0x1] =	stream.indirect.gather [hbm4b:s1+s22], $0x80, s12, s22, $0xb8;
	[tilespmem:$0x1DC00] =	vst v63  }
0x43: {  	_ = 	snop  }
0x44: {  	[tilespmem:s23], [sflag:$0x1] =	stream.indirect.gather [hbm4b:s1+s22], $0x80, s22, s22, $0xb8;
	[tilespmem:$0x1DC00] =	vst v63  }
0x45: {  	s13 =	simm.s32 $0x80  }
0x46: {  	[tilespmem:s24], [sflag:$0x2] =	stream.indirect.gather [hbm4b:s1+s22], $0x80, s13, s22, $0xb8;
	[tilespmem:$0x1DC00] =	vst v63  }
0x47: {  	s14 =	simm.s32 $0xC0  }
0x48: {  	[tilespmem:s25], [sflag:$0x2] =	stream.indirect.gather [hbm4b:s1+s22], $0x80, s14, s22, $0xb8;
	[tilespmem:$0x1DC00] =	vst v63  }
0x49: {  	_ =	swait.ge [sflag:s26], $0x2000  }
0x4a: {  	[sflag:s26] =	ssyncset.done $0x0  }
0x4b: {  	[sflag:s26] =	ssyncadd.s32 $0xFFFFE000  }
0x4c: {  	_ =	swait.ge [sflag:s26], $0x2000  }
0x4d: {  	[sflag:s26] =	ssyncset.done $0x0  }
0x4e: {  	s8 =	simm.s32 $0x1000;
	[sflag:s26] =	ssyncadd.s32 $0xFFFFE000  }
0x4f: {  	[spmem:s2] =	stream.indirect.scatter.add.f32 [tilespmem:s19], [sflag:$0x3], $0x80, s8, s28, $0xb8;
	[tilespmem:$0x1DC00] =	vst v63  }
0x50: {  	_ =	swait.ge [sflag:s20], $0x4000  }
0x51: {  	[sflag:s20] =	ssyncset.done $0x0  }
0x52: {  	s12 =	simm.s32 $0x100;
	[sflag:s20] =	ssyncadd.s32 $0xFFFFC000  }
0x53: {  	[tilespmem:s19], [sflag:$0x1] =	stream.indirect.gather [hbm4b:s1+s22], $0x80, s12, s22, $0xb8;
	[tilespmem:$0x1DC00] =	vst v63  }
0x54: {  	s13 =	simm.s32 $0x140  }
0x55: {  	[tilespmem:s23], [sflag:$0x1] =	stream.indirect.gather [hbm4b:s1+s22], $0x80, s13, s22, $0xb8;
	[tilespmem:$0x1DC00] =	vst v63  }
0x56: {  	_ =	swait.ge [sflag:s29], $0x2000  }
0x57: {  	[sflag:s29] =	ssyncset.done $0x0  }
0x58: {  	[sflag:s29] =	ssyncadd.s32 $0xFFFFE000  }
0x59: {  	_ =	swait.ge [sflag:s29], $0x2000  }
0x5a: {  	[sflag:s29] =	ssyncset.done $0x0  }
0x5b: {  	s14 =	simm.s32 $0x1080;
	[sflag:s29] =	ssyncadd.s32 $0xFFFFE000  }
0x5c: {  	[spmem:s2] =	stream.indirect.scatter.add.f32 [tilespmem:s24], [sflag:$0x3], $0x80, s14, s28, $0xb8;
	[tilespmem:$0x1DC00] =	vst v63  }
0x5d: {  	_ =	swait.ge [sflag:s20], $0x4000  }
0x5e: {  	s3 =	simm.s32 $0x100;
	s8 =	simm.s32 $0x800;
	[sflag:s20] =	ssyncset.done $0x0  }
.LBB2_3:
0x5f: {  	s12 =	sadd.s32 $0x80, s3  }
0x60: {  	[sflag:s20] =	ssyncadd.s32 $0xFFFFC000;
	s13 =	smov.u32 s8;
	s14 =	sadd.s32 $0x400, s8  }
0x61: {  	[tilespmem:s24], [sflag:$0x2] =	stream.indirect.gather [hbm4b:s1+s22], $0x80, s12, s22, $0xb8;
	[tilespmem:$0x1DC00] =	vst v63  }
0x62: {  	p1 =	sne.s32 s8, $0x3800;
	s8 =	sadd.s32 $0xC0, s3  }
0x63: {  	[tilespmem:s25], [sflag:$0x2] =	stream.indirect.gather [hbm4b:s1+s22], $0x80, s8, s22, $0xb8;
	[tilespmem:$0x1DC00] =	vst v63  }
0x64: {  	_ =	swait.ge [sflag:s26], $0x2000  }
0x65: {  	[sflag:s26] =	ssyncset.done $0x0  }
0x66: {  	[sflag:s26] =	ssyncadd.s32 $0xFFFFE000  }
0x67: {  	_ =	swait.ge [sflag:s26], $0x2000  }
0x68: {  	[sflag:s26] =	ssyncset.done $0x0  }
0x69: {  	s8 =	sadd.s32 $0x1000, s3;
	[sflag:s26] =	ssyncadd.s32 $0xFFFFE000  }
0x6a: {  	[spmem:s2] =	stream.indirect.scatter.add.f32 [tilespmem:s19], [sflag:$0x3], $0x80, s8, s28, $0xb8;
	[tilespmem:$0x1DC00] =	vst v63  }
0x6b: {  	_ =	swait.ge [sflag:s20], $0x4000  }
0x6c: {  	[sflag:s20] =	ssyncset.done $0x0  }
0x6d: {  	s8 =	sadd.s32 $0x100, s3;
	[sflag:s20] =	ssyncadd.s32 $0xFFFFC000  }
0x6e: {  	[tilespmem:s19], [sflag:$0x1] =	stream.indirect.gather [hbm4b:s1+s22], $0x80, s8, s22, $0xb8;
	[tilespmem:$0x1DC00] =	vst v63  }
0x6f: {  	s8 =	sadd.s32 $0x140, s3  }
0x70: {  	[tilespmem:s23], [sflag:$0x1] =	stream.indirect.gather [hbm4b:s1+s22], $0x80, s8, s22, $0xb8;
	[tilespmem:$0x1DC00] =	vst v63  }
0x71: {  	_ =	swait.ge [sflag:s29], $0x2000  }
0x72: {  	[sflag:s29] =	ssyncset.done $0x0  }
0x73: {  	[sflag:s29] =	ssyncadd.s32 $0xFFFFE000  }
0x74: {  	_ =	swait.ge [sflag:s29], $0x2000  }
.Ltmp3:
0x75: {  	[sflag:s29] =	ssyncset.done $0x0;
	(pc) =	sbr.rel @p1 .LBB2_3-.Ltmp3, $4  }
0x76: {  	s3 =	sadd.s32 $0x1080, s3;
	[sflag:s29] =	ssyncadd.s32 $0xFFFFE000  }
0x77: {  	[spmem:s2] =	stream.indirect.scatter.add.f32 [tilespmem:s24], [sflag:$0x3], $0x80, s3, s28, $0xb8;
	[tilespmem:$0x1DC00] =	vst v63  }
0x78: {  	_ =	swait.ge [sflag:s20], $0x4000  }
0x79: {  	s8 =	smov.u32 s14;
	s3 =	sshra.s32 s13, $0x2;
	[sflag:s20] =	ssyncset.done $0x0  }
0x7a: {  	s8 =	sadd.s32 $0x80, s3;
	[sflag:s20] =	ssyncadd.s32 $0xFFFFC000  }
0x7b: {  	[tilespmem:s24], [sflag:$0x2] =	stream.indirect.gather [hbm4b:s1+s22], $0x80, s8, s22, $0xb8;
	[tilespmem:$0x1DC00] =	vst v63  }
0x7c: {  	s13 =	sadd.s32 $0xC0, s3  }
0x7d: {  	[tilespmem:s25], [sflag:$0x2] =	stream.indirect.gather [hbm4b:s1+s22], $0x80, s13, s22, $0xb8;
	[tilespmem:$0x1DC00] =	vst v63  }
0x7e: {  	_ =	swait.ge [sflag:s26], $0x2000  }
0x7f: {  	[sflag:s26] =	ssyncset.done $0x0  }
0x80: {  	[sflag:s26] =	ssyncadd.s32 $0xFFFFE000  }
0x81: {  	_ =	swait.ge [sflag:s26], $0x2000  }
0x82: {  	[sflag:s26] =	ssyncset.done $0x0  }
0x83: {  	s14 =	sadd.s32 $0x1000, s3;
	[sflag:s26] =	ssyncadd.s32 $0xFFFFE000  }
0x84: {  	[spmem:s2] =	stream.indirect.scatter.add.f32 [tilespmem:s19], [sflag:$0x3], $0x80, s14, s28, $0xb8;
	[tilespmem:$0x1DC00] =	vst v63  }
0x85: {  	_ =	swait.ge [sflag:s20], $0x4000  }
0x86: {  	[sflag:s20] =	ssyncset.done $0x0  }
0x87: {  	s12 =	sadd.s32 $0x100, s3;
	[sflag:s20] =	ssyncadd.s32 $0xFFFFC000  }
0x88: {  	[tilespmem:s19], [sflag:$0x1] =	stream.indirect.gather [hbm4b:s1+s22], $0x80, s12, s22, $0xb8;
	[tilespmem:$0x1DC00] =	vst v63  }
0x89: {  	s13 =	sadd.s32 $0x140, s3  }
0x8a: {  	[tilespmem:s23], [sflag:$0x1] =	stream.indirect.gather [hbm4b:s1+s22], $0x80, s13, s22, $0xb8;
	[tilespmem:$0x1DC00] =	vst v63  }
0x8b: {  	_ =	swait.ge [sflag:s29], $0x2000  }
0x8c: {  	[sflag:s29] =	ssyncset.done $0x0  }
0x8d: {  	[sflag:s29] =	ssyncadd.s32 $0xFFFFE000  }
0x8e: {  	_ =	swait.ge [sflag:s29], $0x2000  }
0x8f: {  	[sflag:s29] =	ssyncset.done $0x0  }
0x90: {  	s14 =	sadd.s32 $0x1080, s3;
	[sflag:s29] =	ssyncadd.s32 $0xFFFFE000  }
0x91: {  	[spmem:s2] =	stream.indirect.scatter.add.f32 [tilespmem:s24], [sflag:$0x3], $0x80, s14, s28, $0xb8;
	[tilespmem:$0x1DC00] =	vst v63  }
0x92: {  	_ =	swait.ge [sflag:s20], $0x4000  }
0x93: {  	[sflag:s20] =	ssyncset.done $0x0  }
0x94: {  	[sflag:s20] =	ssyncadd.s32 $0xFFFFC000  }
0x95: {  	[tilespmem:s24], [sflag:$0x2] =	stream.indirect.gather [hbm4b:s1+s22], $0x80, s30, s22, $0xb8;
	[tilespmem:$0x1DC00] =	vst v63  }
0x96: {  	_ = 	snop  }
0x97: {  	[tilespmem:s25], [sflag:$0x2] =	stream.indirect.gather [hbm4b:s1+s22], $0x80, s31, s22, $0xb8;
	[tilespmem:$0x1DC00] =	vst v63  }
0x98: {  	_ =	swait.ge [sflag:s26], $0x2000  }
0x99: {  	[sflag:s26] =	ssyncset.done $0x0  }
0x9a: {  	[sflag:s26] =	ssyncadd.s32 $0xFFFFE000  }
0x9b: {  	_ =	swait.ge [sflag:s26], $0x2000  }
0x9c: {  	[sflag:s26] =	ssyncset.done $0x0  }
0x9d: {  	[sflag:s26] =	ssyncadd.s32 $0xFFFFE000  }
0x9e: {  	[spmem:s2] =	stream.indirect.scatter.add.f32 [tilespmem:s19], [sflag:$0x3], $0x80, s0, s28, $0xb8;
	[tilespmem:$0x1DC00] =	vst v63  }
0x9f: {  	_ =	swait.ge [sflag:s20], $0x4000  }
0xa0: {  	[sflag:s20] =	ssyncset.done $0x0  }
0xa1: {  	[sflag:s20] =	ssyncadd.s32 $0xFFFFC000  }
0xa2: {  	_ =	swait.ge [sflag:s29], $0x2000  }
0xa3: {  	[sflag:s29] =	ssyncset.done $0x0  }
0xa4: {  	[sflag:s29] =	ssyncadd.s32 $0xFFFFE000  }
0xa5: {  	s10 =	sadd.s32 $0x1, s10;
	_ =	swait.ge [sflag:s29], $0x2000  }
0xa6: {  	p1 =	seq.s32 s10, $0x5;
	[sflag:s29] =	ssyncset.done $0x0  }
.Ltmp4:
0xa7: {  	[sflag:s29] =	ssyncadd.s32 $0xFFFFE000;
	(pc) =	sbr.rel @!p1 .LBB2_2-.Ltmp4, $4  }
0xa8: {  	[spmem:s2] =	stream.indirect.scatter.add.f32 [tilespmem:s24], [sflag:$0x3], $0x80, s4, s28, $0xb8;
	[tilespmem:$0x1DC00] =	vst v63  }
0xa9: {  	_ =	swait.ge [sflag:s20], $0x4000  }
0xaa: {  	[sflag:s20] =	ssyncset.done $0x0  }
0xab: {  	[sflag:s20] =	ssyncadd.s32 $0xFFFFC000  }
.Ltmp5:
0xac: {  	(pc) =	sbr.rel .LBB2_10-.Ltmp5, $2  }
0xad: {  	_ =	sdelay $0x2  }
0xae: {  	s3 =	rddreg [dreg:$0x5]  }
.LBB2_6:
0xaf: {  	s8 =	sshll.u32 s3, $0xC  }
0xb0: {  	s8 =	sadd.s32 s16, s8  }
0xb1: {  	s8 =	sshrl.u32 s8, $0x3  }
0xb2: {  	s12 =	simm.s32 $0x0;
	s10 =	sadd.s32 s7, s8  }
0xb3: {  	[tilespmem:s12], [sflag:$0x3] =	stream.linear.gather [hbm4b:s10+s12], $0x1000, $0x38;
	[tilespmem:$0x1DC00] =	vst v63  }
0xb4: {  	_ =	swait.ge [sflag:s20], $0x1000  }
0xb5: {  	[sflag:s20] =	ssyncset.done $0x0  }
0xb6: {  	s8 =	sadd.s32 s6, s8;
	[sflag:s20] =	ssyncadd.s32 $0xFFFFF000  }
0xb7: {  	[tilespmem:s21], [sflag:$0x3] =	stream.linear.gather [hbm4b:s8+s12], $0x1000, $0x38;
	[tilespmem:$0x1DC00] =	vst v63  }
0xb8: {  	_ =	swait.ge [sflag:s20], $0x1000  }
0xb9: {  	[sflag:s20] =	ssyncset.done $0x0  }
0xba: {  	[sflag:s20] =	ssyncadd.s32 $0xFFFFF000  }
0xbb: {  	[tilespmem:s19], [sflag:$0x1] =	stream.indirect.gather [hbm4b:s5+s22], $0x80, s12, s22, $0xb8;
	[tilespmem:$0x1DC00] =	vst v63  }
0xbc: {  	_ = 	snop  }
0xbd: {  	[tilespmem:s23], [sflag:$0x1] =	stream.indirect.gather [hbm4b:s5+s22], $0x80, s22, s22, $0xb8;
	[tilespmem:$0x1DC00] =	vst v63  }
0xbe: {  	s13 =	simm.s32 $0x80  }
0xbf: {  	[tilespmem:s24], [sflag:$0x2] =	stream.indirect.gather [hbm4b:s5+s22], $0x80, s13, s22, $0xb8;
	[tilespmem:$0x1DC00] =	vst v63  }
0xc0: {  	s14 =	simm.s32 $0xC0  }
0xc1: {  	[tilespmem:s25], [sflag:$0x2] =	stream.indirect.gather [hbm4b:s5+s22], $0x80, s14, s22, $0xb8;
	[tilespmem:$0x1DC00] =	vst v63  }
0xc2: {  	_ =	swait.ge [sflag:s26], $0x2000  }
0xc3: {  	[sflag:s26] =	ssyncset.done $0x0  }
0xc4: {  	[sflag:s26] =	ssyncadd.s32 $0xFFFFE000  }
0xc5: {  	_ =	swait.ge [sflag:s26], $0x2000  }
0xc6: {  	[sflag:s26] =	ssyncset.done $0x0  }
0xc7: {  	s10 =	simm.s32 $0x1000;
	[sflag:s26] =	ssyncadd.s32 $0xFFFFE000  }
0xc8: {  	[spmem:s2] =	stream.indirect.scatter.add.f32 [tilespmem:s19], [sflag:$0x3], $0x80, s10, s28, $0xb8;
	[tilespmem:$0x1DC00] =	vst v63  }
0xc9: {  	_ =	swait.ge [sflag:s20], $0x4000  }
0xca: {  	[sflag:s20] =	ssyncset.done $0x0  }
0xcb: {  	s12 =	simm.s32 $0x100;
	[sflag:s20] =	ssyncadd.s32 $0xFFFFC000  }
0xcc: {  	[tilespmem:s19], [sflag:$0x1] =	stream.indirect.gather [hbm4b:s5+s22], $0x80, s12, s22, $0xb8;
	[tilespmem:$0x1DC00] =	vst v63  }
0xcd: {  	s13 =	simm.s32 $0x140  }
0xce: {  	[tilespmem:s23], [sflag:$0x1] =	stream.indirect.gather [hbm4b:s5+s22], $0x80, s13, s22, $0xb8;
	[tilespmem:$0x1DC00] =	vst v63  }
0xcf: {  	_ =	swait.ge [sflag:s29], $0x2000  }
0xd0: {  	[sflag:s29] =	ssyncset.done $0x0  }
0xd1: {  	[sflag:s29] =	ssyncadd.s32 $0xFFFFE000  }
0xd2: {  	_ =	swait.ge [sflag:s29], $0x2000  }
0xd3: {  	[sflag:s29] =	ssyncset.done $0x0  }
0xd4: {  	s14 =	simm.s32 $0x1080;
	[sflag:s29] =	ssyncadd.s32 $0xFFFFE000  }
0xd5: {  	[spmem:s2] =	stream.indirect.scatter.add.f32 [tilespmem:s24], [sflag:$0x3], $0x80, s14, s28, $0xb8;
	[tilespmem:$0x1DC00] =	vst v63  }
0xd6: {  	_ =	swait.ge [sflag:s20], $0x4000  }
0xd7: {  	s8 =	simm.s32 $0x800;
	s10 =	simm.s32 $0x100;
	[sflag:s20] =	ssyncset.done $0x0  }
.LBB2_7:
0xd8: {  	s12 =	sadd.s32 $0x80, s10  }
0xd9: {  	[sflag:s20] =	ssyncadd.s32 $0xFFFFC000;
	s13 =	smov.u32 s8;
	s14 =	sadd.s32 $0x400, s8  }
0xda: {  	[tilespmem:s24], [sflag:$0x2] =	stream.indirect.gather [hbm4b:s5+s22], $0x80, s12, s22, $0xb8;
	[tilespmem:$0x1DC00] =	vst v63  }
0xdb: {  	p1 =	sne.s32 s8, $0x3800;
	s8 =	sadd.s32 $0xC0, s10  }
0xdc: {  	[tilespmem:s25], [sflag:$0x2] =	stream.indirect.gather [hbm4b:s5+s22], $0x80, s8, s22, $0xb8;
	[tilespmem:$0x1DC00] =	vst v63  }
0xdd: {  	_ =	swait.ge [sflag:s26], $0x2000  }
0xde: {  	[sflag:s26] =	ssyncset.done $0x0  }
0xdf: {  	[sflag:s26] =	ssyncadd.s32 $0xFFFFE000  }
0xe0: {  	_ =	swait.ge [sflag:s26], $0x2000  }
0xe1: {  	[sflag:s26] =	ssyncset.done $0x0  }
0xe2: {  	s8 =	sadd.s32 $0x1000, s10;
	[sflag:s26] =	ssyncadd.s32 $0xFFFFE000  }
0xe3: {  	[spmem:s2] =	stream.indirect.scatter.add.f32 [tilespmem:s19], [sflag:$0x3], $0x80, s8, s28, $0xb8;
	[tilespmem:$0x1DC00] =	vst v63  }
0xe4: {  	_ =	swait.ge [sflag:s20], $0x4000  }
0xe5: {  	[sflag:s20] =	ssyncset.done $0x0  }
0xe6: {  	s8 =	sadd.s32 $0x100, s10;
	[sflag:s20] =	ssyncadd.s32 $0xFFFFC000  }
0xe7: {  	[tilespmem:s19], [sflag:$0x1] =	stream.indirect.gather [hbm4b:s5+s22], $0x80, s8, s22, $0xb8;
	[tilespmem:$0x1DC00] =	vst v63  }
0xe8: {  	s8 =	sadd.s32 $0x140, s10  }
0xe9: {  	[tilespmem:s23], [sflag:$0x1] =	stream.indirect.gather [hbm4b:s5+s22], $0x80, s8, s22, $0xb8;
	[tilespmem:$0x1DC00] =	vst v63  }
0xea: {  	_ =	swait.ge [sflag:s29], $0x2000  }
0xeb: {  	[sflag:s29] =	ssyncset.done $0x0  }
0xec: {  	[sflag:s29] =	ssyncadd.s32 $0xFFFFE000  }
0xed: {  	_ =	swait.ge [sflag:s29], $0x2000  }
.Ltmp6:
0xee: {  	[sflag:s29] =	ssyncset.done $0x0;
	(pc) =	sbr.rel @p1 .LBB2_7-.Ltmp6, $4  }
0xef: {  	s8 =	sadd.s32 $0x1080, s10;
	[sflag:s29] =	ssyncadd.s32 $0xFFFFE000  }
0xf0: {  	[spmem:s2] =	stream.indirect.scatter.add.f32 [tilespmem:s24], [sflag:$0x3], $0x80, s8, s28, $0xb8;
	[tilespmem:$0x1DC00] =	vst v63  }
0xf1: {  	_ =	swait.ge [sflag:s20], $0x4000  }
0xf2: {  	s10 =	sshra.s32 s13, $0x2;
	s8 =	smov.u32 s14;
	[sflag:s20] =	ssyncset.done $0x0  }
0xf3: {  	s8 =	sadd.s32 $0x80, s10;
	[sflag:s20] =	ssyncadd.s32 $0xFFFFC000  }
0xf4: {  	[tilespmem:s24], [sflag:$0x2] =	stream.indirect.gather [hbm4b:s5+s22], $0x80, s8, s22, $0xb8;
	[tilespmem:$0x1DC00] =	vst v63  }
0xf5: {  	s13 =	sadd.s32 $0xC0, s10  }
0xf6: {  	[tilespmem:s25], [sflag:$0x2] =	stream.indirect.gather [hbm4b:s5+s22], $0x80, s13, s22, $0xb8;
	[tilespmem:$0x1DC00] =	vst v63  }
0xf7: {  	_ =	swait.ge [sflag:s26], $0x2000  }
0xf8: {  	[sflag:s26] =	ssyncset.done $0x0  }
0xf9: {  	[sflag:s26] =	ssyncadd.s32 $0xFFFFE000  }
0xfa: {  	_ =	swait.ge [sflag:s26], $0x2000  }
0xfb: {  	[sflag:s26] =	ssyncset.done $0x0  }
0xfc: {  	s14 =	sadd.s32 $0x1000, s10;
	[sflag:s26] =	ssyncadd.s32 $0xFFFFE000  }
0xfd: {  	[spmem:s2] =	stream.indirect.scatter.add.f32 [tilespmem:s19], [sflag:$0x3], $0x80, s14, s28, $0xb8;
	[tilespmem:$0x1DC00] =	vst v63  }
0xfe: {  	_ =	swait.ge [sflag:s20], $0x4000  }
0xff: {  	[sflag:s20] =	ssyncset.done $0x0  }
0x100: {  	s12 =	sadd.s32 $0x100, s10;
	[sflag:s20] =	ssyncadd.s32 $0xFFFFC000  }
0x101: {  	[tilespmem:s19], [sflag:$0x1] =	stream.indirect.gather [hbm4b:s5+s22], $0x80, s12, s22, $0xb8;
	[tilespmem:$0x1DC00] =	vst v63  }
0x102: {  	s13 =	sadd.s32 $0x140, s10  }
0x103: {  	[tilespmem:s23], [sflag:$0x1] =	stream.indirect.gather [hbm4b:s5+s22], $0x80, s13, s22, $0xb8;
	[tilespmem:$0x1DC00] =	vst v63  }
0x104: {  	_ =	swait.ge [sflag:s29], $0x2000  }
0x105: {  	[sflag:s29] =	ssyncset.done $0x0  }
0x106: {  	[sflag:s29] =	ssyncadd.s32 $0xFFFFE000  }
0x107: {  	_ =	swait.ge [sflag:s29], $0x2000  }
0x108: {  	[sflag:s29] =	ssyncset.done $0x0  }
0x109: {  	s14 =	sadd.s32 $0x1080, s10;
	[sflag:s29] =	ssyncadd.s32 $0xFFFFE000  }
0x10a: {  	[spmem:s2] =	stream.indirect.scatter.add.f32 [tilespmem:s24], [sflag:$0x3], $0x80, s14, s28, $0xb8;
	[tilespmem:$0x1DC00] =	vst v63  }
0x10b: {  	_ =	swait.ge [sflag:s20], $0x4000  }
0x10c: {  	[sflag:s20] =	ssyncset.done $0x0  }
0x10d: {  	[sflag:s20] =	ssyncadd.s32 $0xFFFFC000  }
0x10e: {  	[tilespmem:s24], [sflag:$0x2] =	stream.indirect.gather [hbm4b:s5+s22], $0x80, s30, s22, $0xb8;
	[tilespmem:$0x1DC00] =	vst v63  }
0x10f: {  	_ = 	snop  }
0x110: {  	[tilespmem:s25], [sflag:$0x2] =	stream.indirect.gather [hbm4b:s5+s22], $0x80, s31, s22, $0xb8;
	[tilespmem:$0x1DC00] =	vst v63  }
0x111: {  	_ =	swait.ge [sflag:s26], $0x2000  }
0x112: {  	[sflag:s26] =	ssyncset.done $0x0  }
0x113: {  	[sflag:s26] =	ssyncadd.s32 $0xFFFFE000  }
0x114: {  	_ =	swait.ge [sflag:s26], $0x2000  }
0x115: {  	[sflag:s26] =	ssyncset.done $0x0  }
0x116: {  	[sflag:s26] =	ssyncadd.s32 $0xFFFFE000  }
0x117: {  	[spmem:s2] =	stream.indirect.scatter.add.f32 [tilespmem:s19], [sflag:$0x3], $0x80, s0, s28, $0xb8;
	[tilespmem:$0x1DC00] =	vst v63  }
0x118: {  	_ =	swait.ge [sflag:s20], $0x4000  }
0x119: {  	[sflag:s20] =	ssyncset.done $0x0  }
0x11a: {  	[sflag:s20] =	ssyncadd.s32 $0xFFFFC000  }
0x11b: {  	_ =	swait.ge [sflag:s29], $0x2000  }
0x11c: {  	[sflag:s29] =	ssyncset.done $0x0  }
0x11d: {  	[sflag:s29] =	ssyncadd.s32 $0xFFFFE000  }
0x11e: {  	s3 =	sadd.s32 $0x1, s3;
	_ =	swait.ge [sflag:s29], $0x2000  }
0x11f: {  	p1 =	sne.s32 s3, $0x5;
	[sflag:s29] =	ssyncset.done $0x0  }
.Ltmp7:
0x120: {  	[sflag:s29] =	ssyncadd.s32 $0xFFFFE000;
	(pc) =	sbr.rel @p1 .LBB2_6-.Ltmp7, $4  }
0x121: {  	[spmem:s2] =	stream.indirect.scatter.add.f32 [tilespmem:s24], [sflag:$0x3], $0x80, s4, s28, $0xb8;
	[tilespmem:$0x1DC00] =	vst v63  }
0x122: {  	_ =	swait.ge [sflag:s20], $0x4000  }
0x123: {  	[sflag:s20] =	ssyncset.done $0x0  }
0x124: {  	[sflag:s20] =	ssyncadd.s32 $0xFFFFC000  }
.Ltmp8:
0x125: {  	(pc) =	sbr.rel .LBB2_10-.Ltmp8, $2  }
0x126: {  	_ =	sdelay $0x2  }
0x127: {  	s3 =	rddreg [dreg:$0x6]  }
.LBB2_11:
0x128: {  	_ =	sfence.sel $0x180000  }
0x129: {  	[bflag:$0x0] =	sbarrier.arrive $0xFFFF  }
0x12a: {  	_ =	strace $0x9000004A  }
0x12b: {  	s0 =	stileid.u32;
	[bflag:$0x2] =	sbarrier.arrive $0xFFFF  }
0x12c: {  	p0 =	sne.s32 s0, $0x0;
	s0 =	rddreg [dreg:$0x3]  }
0x12d: {  	s0 =	sadd.s32 @!p0 $0x100000, s0  }
0x12e: {  	[sflag:s0] =	ssyncadd.tile.s32 @!p0 $0x1;
	_ =	shalt  }
.Lfunc_end2:
_tile_overlayer_lowered:
.L_overlay_start_2:
0x12f: {  	(tag) =	ssettag $0x2  }
0x130: {  	s0 =	rddreg [dreg:$0x0];
	s2 =	stileid.u32  }
0x131: {  	s1 =	rddreg [dreg:$0x1];
	p0 =	sne.s32 s2, $0x0  }
0x132: {  	s3 =	rddreg [dreg:$0x2];
	[bflag:$0x3] =	sbarrier.arrive $0xFFFF;
	s2 =	simm.s32 @!p0 $0x1C03  }
0x133: {  	[timem:s3], [sflag:s2] =	dma.local @!p0 [hbm:s0], s1  }
0x134: {  	s0 =	simm.s32 @!p0 $0x3  }
0x135: {  	_ =	swait.ge @!p0 [sflag:s0], s1  }
0x136: {  	s1 =	ssub.s32 @!p0 $0x0, s1;
	[sflag:s0] =	ssyncset.done @!p0 $0x0  }
0x137: {  	[sflag:s0] =	ssyncadd.s32 @!p0 s1  }
0x138: {  	[bflag:$0x3] =	sbarrier.arrive $0xFFFF  }
0x139: {  	_ =	shalt  }

// kernel: kernel.14.cloned.1.call-start
scs
__scs_entry_jumppad:
0x0: {  	(pc) =	sbr.rel $0x88, $3  }
0x1: {  	(tag) =	ssettag $0x0;
	lr =	simm.s32 $0x1  }
0x2: {  	[smem:$0x3F9A] =	sst lr;
	_ =	strace $0xD0000000  }
0x3: {  	_ = 	snop  }
0x4: {  	_ = 	snop  }
0x5: {  	_ = 	snop  }
0x6: {  	_ = 	snop  }
0x7: {  	_ = 	snop  }
__scs_overlays_trampoline_lowered:
0x8: {  	[smem:$0x3FA9] =	sst s0  }
0x9: {  	[smem:$0x3FAA] =	sst s1  }
0xa: {  	[smem:$0x3FAB] =	sst s2  }
0xb: {  	[smem:$0x3FAC] =	sst s3  }
0xc: {  	[smem:$0x3FAD] =	sst s4  }
0xd: {  	[smem:$0x3FAE] =	sst s5  }
0xe: {  	[smem:$0x3FAF] =	sst s6  }
0xf: {  	[smem:$0x3FB0] =	sst s7  }
0x10: {  	[smem:$0x3FB1] =	sst s8  }
0x11: {  	[smem:$0x3FB2] =	sst s9;
	s0 =	simm.s32 @!p0 $0x0  }
0x12: {  	s1 =	sld [smem:$0x3F98];
	s0 =	simm.s32 @p0 $0x1  }
0x13: {  	[smem:$0x3FB3] =	sst s0;
	s0 =	simm.s32 @!p1 $0x0  }
0x14: {  	s2 =	sld [smem:$0x3F97];
	s0 =	simm.s32 @p1 $0x1  }
0x15: {  	[smem:$0x3FB4] =	sst s0;
	s0 =	simm.s32 @!p2 $0x0  }
0x16: {  	s3 =	sld [smem:$0x3FDB];
	s0 =	simm.s32 @p2 $0x1  }
0x17: {  	s4 =	simm.s32 $0x1BF5;
	[smem:$0x3FB6] =	sst s0  }
0x18: {  	s0 =	sld [smem:$0x3F99];
	_ =	swait.ge [sflag:s4], $0x0  }
0x19: {  	s7 =	sld [smem:$0x3F9A]  }
0x1a: {  	s8 =	sadd.s32 $0xFFFFE003, lr  }
0x1b: {  	s9 =	sadd.s32 $0xFFFFFEF7, lr;
	s5 =	simm.s32 $0xFFFFFFFF;
	p2 =	slt.u32 s8, $0xFFFFF086  }
0x1c: {  	p1 =	slt.u32 s9, $0xF7A;
	s5 =	simm.s32 @!p2 $0x0  }
0x1d: {  	s5 =	simm.s32 @p1 $0x1;
	p0 =	seq.s32 s7, s2  }
0x1e: {  	s7 =	smul.u32 @!p0 $0xF7A, s2;
	p2 =	seq.s32 @!p0 s5, $0x0  }
0x1f: {  	s9 =	smul.u32 $0xF7A, s1;
	s8 =	simm.s32 @!p0 $0x1BF5;
	p2 =	por !p2, p0  }
0x20: {  	[sflag:s8] =	ssyncset.s32 @!p0 $0xFFFFF086;
	s6 =	sadd.s32 @!p0 s3, s7;
	s7 =	simm.s32 @!p0 $0x108  }
0x21: {  	s3 =	sadd.s32 s3, s9;
	s6 =	sadd.s32 @!p0 $0x88, s6;
	s7 =	simm.s32 @p2 $0x1082  }
0x22: {  	[simem:s7], [sflag:s8] =	dma.local @!p0 [hbm:s6], $0xF7A  }
0x23: {  	s9 =	sor.u32 $0xD0000000, s2;
	s6 =	simm.s32 $0x108;
	_ =	swait.ge @!p0 [sflag:s8], $0x0  }
0x24: {  	s3 =	sadd.s32 $0x88, s3;
	s6 =	simm.s32 @!p1 $0x1082;
	[sflag:s4] =	ssyncset.s32 $0xFFFFF086  }
0x25: {  	[simem:s6], [sflag:s4] =	dma.local [hbm:s3], $0xF7A  }
0x26: {  	[smem:$0x3F9A] =	sst s1;
	(tag) =	ssettag s2;
	_ =	strace s9  }
0x27: {  	s1 =	sld [smem:$0x3FAA]  }
0x28: {  	s2 =	sld [smem:$0x3FAB]  }
0x29: {  	s4 =	sld [smem:$0x3FAD]  }
0x2a: {  	p0 =	seq.s32 s5, $0x0;
	s5 =	sld [smem:$0x3FAE]  }
0x2b: {  	s6 =	sld [smem:$0x3FAF]  }
0x2c: {  	s7 =	sld [smem:$0x3FB0]  }
0x2d: {  	s3 =	simm.s32 $0x108;
	s8 =	sld [smem:$0x3FB1]  }
0x2e: {  	s3 =	simm.s32 @!p0 $0x1082;
	s9 =	sld [smem:$0x3FB2]  }
0x2f: {  	lr =	sadd.s32 s0, s3;
	s0 =	sld [smem:$0x3FA9]  }
0x30: {  	s3 =	sld [smem:$0x3FAC]  }
0x31: {  	[smem:$0x3FB5] =	sst s10  }
0x32: {  	s10 =	sld [smem:$0x3FB3];
	_ =	sdelay $0x3  }
0x33: {  	p0 =	seq.s32 s10, $0x1;
	s10 =	sld [smem:$0x3FB5];
	_ =	sdelay $0x3  }
0x34: {  	[smem:$0x3FB5] =	sst s10  }
0x35: {  	s10 =	sld [smem:$0x3FB4];
	_ =	sdelay $0x3  }
0x36: {  	p1 =	seq.s32 s10, $0x1;
	s10 =	sld [smem:$0x3FB5];
	_ =	sdelay $0x3  }
0x37: {  	[smem:$0x3FB5] =	sst s10  }
0x38: {  	s10 =	sld [smem:$0x3FB6]  }
0x39: {  	_ = 	snop;
	(pc) =	sbr.ind lr, $3  }
0x3a: {  	_ = 	snop  }
0x3b: {  	_ = 	snop  }
0x3c: {  	p2 =	seq.s32 s10, $0x1;
	s10 =	sld [smem:$0x3FB5]  }
0x3d: {  	_ =	shalt  }
0x3e: {  	_ =	shalt  }
0x3f: {  	_ =	shalt  }
0x40: {  	_ =	shalt  }
0x41: {  	_ =	shalt  }
0x42: {  	_ =	shalt  }
0x43: {  	_ =	shalt  }
0x44: {  	_ =	shalt  }
0x45: {  	_ =	shalt  }
0x46: {  	_ =	shalt  }
0x47: {  	_ =	shalt  }
0x48: {  	_ =	shalt  }
0x49: {  	_ =	shalt  }
0x4a: {  	_ =	shalt  }
0x4b: {  	_ =	shalt  }
0x4c: {  	_ =	shalt  }
0x4d: {  	_ =	shalt  }
0x4e: {  	_ =	shalt  }
0x4f: {  	_ =	shalt  }
0x50: {  	_ =	shalt  }
0x51: {  	_ =	shalt  }
0x52: {  	_ =	shalt  }
0x53: {  	_ =	shalt  }
0x54: {  	_ =	shalt  }
0x55: {  	_ =	shalt  }
0x56: {  	_ =	shalt  }
0x57: {  	_ =	shalt  }
0x58: {  	_ =	shalt  }
0x59: {  	_ =	shalt  }
0x5a: {  	_ =	shalt  }
0x5b: {  	_ =	shalt  }
0x5c: {  	_ =	shalt  }
0x5d: {  	_ =	shalt  }
0x5e: {  	_ =	shalt  }
0x5f: {  	_ =	shalt  }
0x60: {  	_ =	shalt  }
0x61: {  	_ =	shalt  }
0x62: {  	_ =	shalt  }
0x63: {  	_ =	shalt  }
0x64: {  	_ =	shalt  }
0x65: {  	_ =	shalt  }
0x66: {  	_ =	shalt  }
0x67: {  	_ =	shalt  }
0x68: {  	_ =	shalt  }
0x69: {  	_ =	shalt  }
0x6a: {  	_ =	shalt  }
0x6b: {  	_ =	shalt  }
0x6c: {  	_ =	shalt  }
0x6d: {  	_ =	shalt  }
0x6e: {  	_ =	shalt  }
0x6f: {  	_ =	shalt  }
0x70: {  	_ =	shalt  }
0x71: {  	_ =	shalt  }
0x72: {  	_ =	shalt  }
0x73: {  	_ =	shalt  }
0x74: {  	_ =	shalt  }
0x75: {  	_ =	shalt  }
0x76: {  	_ =	shalt  }
0x77: {  	_ =	shalt  }
0x78: {  	_ =	shalt  }
0x79: {  	_ =	shalt  }
0x7a: {  	_ =	shalt  }
0x7b: {  	_ =	shalt  }
0x7c: {  	_ =	shalt  }
0x7d: {  	_ =	shalt  }
0x7e: {  	_ =	shalt  }
0x7f: {  	_ =	shalt  }
0x80: {  	_ =	shalt  }
0x81: {  	_ =	shalt  }
0x82: {  	_ =	shalt  }
0x83: {  	_ =	shalt  }
0x84: {  	_ =	shalt  }
0x85: {  	_ =	shalt  }
0x86: {  	_ =	shalt  }
0x87: {  	_ =	shalt  }
.Lfunc_end0:
.L_simem_size_0:
called_computation.2_lowered:
.L_overlay_start_0:
0x88: {  	s2 =	sld [smem:$0x3FD9]  }
0x89: {  	s3 =	sld [smem:$0x3FFE];
	_ =	sdelay $0x1  }
0x8a: {  	s1 =	srdreg.scid  }
0x8b: {  	s0 =	sand.u32 $0x1, s1  }
0x8c: {  	s17 =	sshll.u32 s0, $0xA;
	s2 =	sadd.s32 s3, s2  }
0x8d: {  	s2 =	sadd.s32 s2, s17  }
0x8e: {  	[smem:$0x3FC1] =	sst s2  }
0x8f: {  	_ = 	snop  }
0x90: {  	s2 =	sld [smem:$0x3FD0];
	(tm) =	ssettm $0x1  }
0x91: {  	s18 =	sld [smem:$0x3FFB];
	_ =	sdelay $0x3  }
0x92: {  	_ =	strace s18  }
0x93: {  	s3 =	sld [smem:$0x3FFC];
	_ =	sdelay $0x3  }
0x94: {  	_ =	strace s3  }
0x95: {  	s3 =	sld [smem:$0x3FFD];
	_ =	sdelay $0x3  }
0x96: {  	_ =	strace s3  }
0x97: {  	_ =	strace $0x8FFFFFFF  }
0x98: {  	s19 =	sld [smem:$0x3FDB];
	_ =	sdelay $0x1  }
0x99: {  	s4 =	simm.s32 $_scs_section_size  }
0x9a: {  	s5 =	simm.s32 $_size__tile_overlayer_lowered;
	s6 =	simm.s32 $_tile_overlayer_lowered  }
0x9b: {  	s22 =	simm.s32 $0x1BFF;
	s21 =	sshll.u32 s6, $0x1;
	s3 =	sadd.s32 s4, s19  }
0x9c: {  	s7 =	simm.s32 $0x0;
	s20 =	sshll.u32 s5, $0x1;
	s5 =	sadd.s32 s21, s3  }
0x9d: {  	[timem:s7], [sflag:s22] =	dma.local [hbm:s5], s20  }
0x9e: {  	_ =	swait.ge [sflag:s22], s20  }
0x9f: {  	s4 =	ssub.s32 $0x0, s20;
	[sflag:s22] =	ssyncset.done $0x0  }
0xa0: {  	[sflag:s22] =	ssyncadd.s32 s4;
	_ =	sdelay $0x1  }
0xa1: {  	s23 =	simm.s32 $0x1B8B  }
0xa2: {  	_ =	swait.ge [sflag:s23], $0x1  }
0xa3: {  	[sflag:s23] =	ssyncset.done $0x0  }
0xa4: {  	s25 =	simm.s32 $0x1B8E;
	s24 =	sld [smem:$0x3FFE];
	[sflag:s23] =	ssyncadd.s32 $0xFFFFFFFF  }
0xa5: {  	s26 =	simm.s32 $execute0_lowered;
	[smem:$0x3FD2] =	sst s25  }
0xa6: {  	s5 =	sshll.u32 s26, $0x1;
	_ =	strace $0x8000004C;
	[dreg:$0x1] =	wrdreg $0xFFFFFFFF  }
0xa7: {  	s28 =	simm.s32 $_size_execute0_lowered;
	s3 =	sadd.s32 s3, s5;
	[dreg:$0x0] =	wrdreg $0x0  }
0xa8: {  	s5 =	sshll.u32 s28, $0x1;
	[dreg:$0x2] =	wrdreg s3  }
0xa9: {  	[dreg:$0x3] =	wrdreg s5  }
0xaa: {  	[dreg:$0x4] =	wrdreg $0xC0  }
0xab: {  	_ =	task [dreg:s7], $0x5FFFF  }
0xac: {  	[dreg:$0x1] =	wrdreg $0xFFFFFFFF  }
0xad: {  	[dreg:$0x0] =	wrdreg $0x60  }
0xae: {  	[dreg:$0x2] =	wrdreg s2  }
0xaf: {  	[dreg:$0x3] =	wrdreg s24  }
0xb0: {  	[dreg:$0x4] =	wrdreg $0xA0000  }
0xb1: {  	[dreg:$0x5] =	wrdreg $0x9  }
0xb2: {  	_ =	task.clear_ibuf [dreg:s7], $0x6FFFF;
	_ =	strace $0x9000004C  }
0xb3: {  	s29 =	simm.s32 $0x9;
	_ =	strace $0x8000004E  }
0xb4: {  	_ =	swait.ge [sflag:s29], $0x1  }
0xb5: {  	[sflag:s29] =	ssyncadd.s32 $0xFFFFFFFF  }
0xb6: {  	_ =	strace $0x9000004E  }
0xb7: {  	_ =	sfence  }
0xb8: {  	s30 =	sld [smem:$0x0];
	_ =	sdelay $0x2  }
0xb9: {  	s31 =	sshll.u32 s1, $0xD;
	s1 =	sshrl.u32 s1, $0x2  }
0xba: {  	s3 =	sand.u32 $0x4000, s31;
	s1 =	sadd.s32 s1, s30  }
0xbb: {  	s0 =	sor.u32 s3, s0;
	s1 =	sshll.u32 s1, $0x11  }
0xbc: {  	s0 =	sor.u32 s1, s0  }
0xbd: {  	s0 =	sadd.s32 $0x8F2B, s0  }
0xbe: {  	[sflag:s0] =	ssyncadd.remote.s32 $0x1  }
0xbf: {  	_ =	sfence.sel $0xFFFF  }
0xc0: {  	[dreg:$0x0] =	wrdreg $0xFFFFFFFF;
	(pc) =	sbr.abs _section_cstart, $3  }
0xc1: {  	[dreg:$0x1] =	wrdreg $0xFFFFFFFF  }
0xc2: {  	_ =	task.clear_ibuf [dreg:s7], $0x2FFFF;
	_ =	strace $0x9FFFFFFF  }
0xc3: {  	(tm) =	ssettm $0x7FFFFFFF  }
tec
execute0_lowered:
.L_overlay_start_1:
0x0: {  	(tag) =	ssettag $0x1  }
0x1: {  	s1 =	rddreg [dreg:$0x0]  }
0x2: {  	s0 =	rddreg [dreg:$0x1]  }
0x3: {  	s2 =	rddreg [dreg:$0x2]  }
0x4: {  	s3 =	simm.s32 $0x0;
	s9 =	stileid.u32;
	s21 =	srdreg.scid  }
0x5: {  	s19 =	simm.s32 $0x2000;
	s20 =	simm.s32 $0x3;
	s28 =	simm.s32 $0x80  }
0x6: {  	s29 =	simm.s32 $0x2;
	s30 =	simm.s32 $0xF80;
	s31 =	simm.s32 $0xFC0  }
0x7: {  	[smem:$0x7FF] =	sst s3;
	s5 =	sadd.s32 $0x17E00, s0;
	s6 =	sadd.s32 $0xD600, s0  }
0x8: {  	s4 =	smul.u32 $0x4F000, s9;
	s7 =	sadd.s32 $0x3600, s0;
	s8 =	sadd.s32 $0x17600, s0  }
0x9: {  	s3 =	sand.u32 $0x1, s21;
	s22 =	sadd.s32 $0x3F000, s0;
	s0 =	sadd.s32 $0x66800, s0  }
0xa: {  	s16 =	smul.u32 $0x5000, s9;
	_ =	strace $0x8000004D;
	[dreg:$0x4] =	wrdreg s8  }
0xb: {  	s17 =	smul.u32 $0x2780, s9;
	s21 =	simm.s32 $0x1000;
	[dreg:$0x5] =	wrdreg s22  }
0xc: {  	s9 =	simm.s32 $0x0;
	s23 =	ssub.s32 $0x2, s3;
	[dreg:$0x6] =	wrdreg s0  }
0xd: {  	p0 =	sne.s32 s3, $0x0;
	s4 =	sshrl.u32 s4, $0x2;
	s24 =	sshrl.u32 s23, $0x1  }
0xe: {  	s22 =	simm.s32 $0x40;
	s11 =	sadd.s32 s4, s2;
	s0 =	ssub.s32 s23, s24  }
.Ltmp0:
0xf: {  	s23 =	simm.s32 $0x4000;
	s4 =	sadd.s32 $0x4000, s11;
	(pc) =	sbr.rel .LBB2_1-.Ltmp0, $4  }
0x10: {  	s24 =	simm.s32 $0x6000;
	s25 =	sadd.s32 $0x8000, s11;
	[dreg:$0x7] =	wrdreg s4  }
0x11: {  	s26 =	sadd.s32 $0xC000, s11;
	s15 =	sadd.s32 $0x10000, s11;
	[dreg:$0x8] =	wrdreg s25  }
0x12: {  	s18 =	smax.u32 s0, $0x1;
	s0 =	simm.s32 $0x1F00;
	[dreg:$0x9] =	wrdreg s26  }
0x13: {  	s25 =	simm.s32 $0x8000;
	s26 =	simm.s32 $0x1;
	s4 =	simm.s32 $0x1F80  }
.LBB2_10:
0x14: {  	s3 =	sadd.s32 s3, s17;
	s8 =	stileid.u32;
	s9 =	sadd.s32 $0x1, s9  }
0x15: {  	[bflag:$0x0] =	sbarrier.arrive $0xFFFF;
	s8 =	sshll.u32 s8, $0x6;
	p1 =	sne.s32 s9, s18  }
.Ltmp1:
0x16: {  	s10 =	sshrl.u32 s11, $0x3;
	s8 =	sor.u32 $0x1C03, s8;
	(pc) =	sbr.rel @!p1 .LBB2_11-.Ltmp1, $4  }
0x17: {  	[hbm:s3], [sflag:s8] =	dma.local [spmem:s10], $0x2780  }
0x18: {  	_ =	swait.ge [sflag:s20], $0x2780  }
0x19: {  	[sflag:s20] =	ssyncset.done $0x0  }
0x1a: {  	[sflag:s20] =	ssyncadd.s32 $0xFFFFD880  }
.LBB2_1:
0x1b: {  	s3 =	simm.s32 $0x0;
	s8 =	rddreg [dreg:$0x4]  }
0x1c: {  	[tilespmem:s19], [sflag:$0x3] =	stream.linear.gather [hbm4b:s8+s3], $0x4000, $0x38;
	[tilespmem:$0x1DC00] =	vst v63  }
0x1d: {  	_ =	swait.ge [sflag:s20], $0x4000  }
0x1e: {  	[sflag:s20] =	ssyncset.done $0x0  }
0x1f: {  	[sflag:s20] =	ssyncadd.s32 $0xFFFFC000  }
0x20: {  	[spmem:s11] =	stream.linear.scatter [tilespmem:s19], [sflag:$0x3], $0x4000, $0x38;
	[tilespmem:$0x1DC00] =	vst v63  }
0x21: {  	_ =	swait.ge [sflag:s20], $0x4000  }
0x22: {  	[sflag:s20] =	ssyncset.done $0x0  }
0x23: {  	s12 =	rddreg [dreg:$0x7];
	[sflag:s20] =	ssyncadd.s32 $0xFFFFC000  }
0x24: {  	[spmem:s12] =	stream.linear.scatter [tilespmem:s19], [sflag:$0x3], $0x4000, $0x38;
	[tilespmem:$0x1DC00] =	vst v63  }
0x25: {  	_ =	swait.ge [sflag:s20], $0x4000  }
0x26: {  	[sflag:s20] =	ssyncset.done $0x0  }
0x27: {  	s13 =	rddreg [dreg:$0x8];
	[sflag:s20] =	ssyncadd.s32 $0xFFFFC000  }
0x28: {  	[spmem:s13] =	stream.linear.scatter [tilespmem:s19], [sflag:$0x3], $0x4000, $0x38;
	[tilespmem:$0x1DC00] =	vst v63  }
0x29: {  	_ =	swait.ge [sflag:s20], $0x4000  }
0x2a: {  	[sflag:s20] =	ssyncset.done $0x0  }
0x2b: {  	s14 =	rddreg [dreg:$0x9];
	[sflag:s20] =	ssyncadd.s32 $0xFFFFC000  }
0x2c: {  	[spmem:s14] =	stream.linear.scatter [tilespmem:s19], [sflag:$0x3], $0x4000, $0x38;
	[tilespmem:$0x1DC00] =	vst v63  }
0x2d: {  	_ =	swait.ge [sflag:s20], $0x4000  }
0x2e: {  	[sflag:s20] =	ssyncset.done $0x0  }
0x2f: {  	[sflag:s20] =	ssyncadd.s32 $0xFFFFC000  }
0x30: {  	[spmem:s15] =	stream.linear.scatter [tilespmem:s19], [sflag:$0x3], $0x3C00, $0x38;
	[tilespmem:$0x1DC00] =	vst v63  }
.Ltmp2:
0x31: {  	_ =	swait.ge [sflag:s20], $0x3C00;
	(pc) =	sbr.rel @p0 .LBB2_6-.Ltmp2, $4  }
0x32: {  	[sflag:s20] =	ssyncset.done $0x0  }
0x33: {  	[sflag:s20] =	ssyncadd.s32 $0xFFFFC400  }
0x34: {  	[bflag:$0x0] =	sbarrier.arrive $0xFFFF  }
0x35: {  	s10 =	simm.s32 $0x0;
	s3 =	simm.s32 $0x0  }
.LBB2_2:
0x36: {  	s3 =	sshll.u32 s10, $0xC  }
0x37: {  	s3 =	sadd.s32 s16, s3  }
0x38: {  	s3 =	sshrl.u32 s3, $0x3  }
0x39: {  	s12 =	simm.s32 $0x0;
	s8 =	sadd.s32 s7, s3  }
0x3a: {  	[tilespmem:s12], [sflag:$0x3] =	stream.linear.gather [hbm4b:s8+s12], $0x1000, $0x38;
	[tilespmem:$0x1DC00] =	vst v63  }
0x3b: {  	_ =	swait.ge [sflag:s20], $0x1000  }
0x3c: {  	[sflag:s20] =	ssyncset.done $0x0  }
0x3d: {  	s3 =	sadd.s32 s6, s3;
	[sflag:s20] =	ssyncadd.s32 $0xFFFFF000  }
0x3e: {  	[tilespmem:s21], [sflag:$0x3] =	stream.linear.gather [hbm4b:s3+s12], $0x1000, $0x38;
	[tilespmem:$0x1DC00] =	vst v63  }
0x3f: {  	_ =	swait.ge [sflag:s20], $0x1000  }
0x40: {  	[sflag:s20] =	ssyncset.done $0x0  }
0x41: {  	[sflag:s20] =	ssyncadd.s32 $0xFFFFF000  }
0x42: {  	[tilespmem:s19], [sflag:$0x1] =	stream.indirect.gather [hbm4b:s1+s22], $0x80, s12, s22, $0xb8;
	[tilespmem:$0x1DC00] =	vst v63  }
0x43: {  	_ = 	snop  }
0x44: {  	[tilespmem:s23], [sflag:$0x1] =	stream.indirect.gather [hbm4b:s1+s22], $0x80, s22, s22, $0xb8;
	[tilespmem:$0x1DC00] =	vst v63  }
0x45: {  	s13 =	simm.s32 $0x80  }
0x46: {  	[tilespmem:s24], [sflag:$0x2] =	stream.indirect.gather [hbm4b:s1+s22], $0x80, s13, s22, $0xb8;
	[tilespmem:$0x1DC00] =	vst v63  }
0x47: {  	s14 =	simm.s32 $0xC0  }
0x48: {  	[tilespmem:s25], [sflag:$0x2] =	stream.indirect.gather [hbm4b:s1+s22], $0x80, s14, s22, $0xb8;
	[tilespmem:$0x1DC00] =	vst v63  }
0x49: {  	_ =	swait.ge [sflag:s26], $0x2000  }
0x4a: {  	[sflag:s26] =	ssyncset.done $0x0  }
0x4b: {  	[sflag:s26] =	ssyncadd.s32 $0xFFFFE000  }
0x4c: {  	_ =	swait.ge [sflag:s26], $0x2000  }
0x4d: {  	[sflag:s26] =	ssyncset.done $0x0  }
0x4e: {  	s8 =	simm.s32 $0x1000;
	[sflag:s26] =	ssyncadd.s32 $0xFFFFE000  }
0x4f: {  	[spmem:s2] =	stream.indirect.scatter.add.f32 [tilespmem:s19], [sflag:$0x3], $0x80, s8, s28, $0xb8;
	[tilespmem:$0x1DC00] =	vst v63  }
0x50: {  	_ =	swait.ge [sflag:s20], $0x4000  }
0x51: {  	[sflag:s20] =	ssyncset.done $0x0  }
0x52: {  	s12 =	simm.s32 $0x100;
	[sflag:s20] =	ssyncadd.s32 $0xFFFFC000  }
0x53: {  	[tilespmem:s19], [sflag:$0x1] =	stream.indirect.gather [hbm4b:s1+s22], $0x80, s12, s22, $0xb8;
	[tilespmem:$0x1DC00] =	vst v63  }
0x54: {  	s13 =	simm.s32 $0x140  }
0x55: {  	[tilespmem:s23], [sflag:$0x1] =	stream.indirect.gather [hbm4b:s1+s22], $0x80, s13, s22, $0xb8;
	[tilespmem:$0x1DC00] =	vst v63  }
0x56: {  	_ =	swait.ge [sflag:s29], $0x2000  }
0x57: {  	[sflag:s29] =	ssyncset.done $0x0  }
0x58: {  	[sflag:s29] =	ssyncadd.s32 $0xFFFFE000  }
0x59: {  	_ =	swait.ge [sflag:s29], $0x2000  }
0x5a: {  	[sflag:s29] =	ssyncset.done $0x0  }
0x5b: {  	s14 =	simm.s32 $0x1080;
	[sflag:s29] =	ssyncadd.s32 $0xFFFFE000  }
0x5c: {  	[spmem:s2] =	stream.indirect.scatter.add.f32 [tilespmem:s24], [sflag:$0x3], $0x80, s14, s28, $0xb8;
	[tilespmem:$0x1DC00] =	vst v63  }
0x5d: {  	_ =	swait.ge [sflag:s20], $0x4000  }
0x5e: {  	s3 =	simm.s32 $0x100;
	s8 =	simm.s32 $0x800;
	[sflag:s20] =	ssyncset.done $0x0  }
.LBB2_3:
0x5f: {  	s12 =	sadd.s32 $0x80, s3  }
0x60: {  	[sflag:s20] =	ssyncadd.s32 $0xFFFFC000;
	s13 =	smov.u32 s8;
	s14 =	sadd.s32 $0x400, s8  }
0x61: {  	[tilespmem:s24], [sflag:$0x2] =	stream.indirect.gather [hbm4b:s1+s22], $0x80, s12, s22, $0xb8;
	[tilespmem:$0x1DC00] =	vst v63  }
0x62: {  	p1 =	sne.s32 s8, $0x3800;
	s8 =	sadd.s32 $0xC0, s3  }
0x63: {  	[tilespmem:s25], [sflag:$0x2] =	stream.indirect.gather [hbm4b:s1+s22], $0x80, s8, s22, $0xb8;
	[tilespmem:$0x1DC00] =	vst v63  }
0x64: {  	_ =	swait.ge [sflag:s26], $0x2000  }
0x65: {  	[sflag:s26] =	ssyncset.done $0x0  }
0x66: {  	[sflag:s26] =	ssyncadd.s32 $0xFFFFE000  }
0x67: {  	_ =	swait.ge [sflag:s26], $0x2000  }
0x68: {  	[sflag:s26] =	ssyncset.done $0x0  }
0x69: {  	s8 =	sadd.s32 $0x1000, s3;
	[sflag:s26] =	ssyncadd.s32 $0xFFFFE000  }
0x6a: {  	[spmem:s2] =	stream.indirect.scatter.add.f32 [tilespmem:s19], [sflag:$0x3], $0x80, s8, s28, $0xb8;
	[tilespmem:$0x1DC00] =	vst v63  }
0x6b: {  	_ =	swait.ge [sflag:s20], $0x4000  }
0x6c: {  	[sflag:s20] =	ssyncset.done $0x0  }
0x6d: {  	s8 =	sadd.s32 $0x100, s3;
	[sflag:s20] =	ssyncadd.s32 $0xFFFFC000  }
0x6e: {  	[tilespmem:s19], [sflag:$0x1] =	stream.indirect.gather [hbm4b:s1+s22], $0x80, s8, s22, $0xb8;
	[tilespmem:$0x1DC00] =	vst v63  }
0x6f: {  	s8 =	sadd.s32 $0x140, s3  }
0x70: {  	[tilespmem:s23], [sflag:$0x1] =	stream.indirect.gather [hbm4b:s1+s22], $0x80, s8, s22, $0xb8;
	[tilespmem:$0x1DC00] =	vst v63  }
0x71: {  	_ =	swait.ge [sflag:s29], $0x2000  }
0x72: {  	[sflag:s29] =	ssyncset.done $0x0  }
0x73: {  	[sflag:s29] =	ssyncadd.s32 $0xFFFFE000  }
0x74: {  	_ =	swait.ge [sflag:s29], $0x2000  }
.Ltmp3:
0x75: {  	[sflag:s29] =	ssyncset.done $0x0;
	(pc) =	sbr.rel @p1 .LBB2_3-.Ltmp3, $4  }
0x76: {  	s3 =	sadd.s32 $0x1080, s3;
	[sflag:s29] =	ssyncadd.s32 $0xFFFFE000  }
0x77: {  	[spmem:s2] =	stream.indirect.scatter.add.f32 [tilespmem:s24], [sflag:$0x3], $0x80, s3, s28, $0xb8;
	[tilespmem:$0x1DC00] =	vst v63  }
0x78: {  	_ =	swait.ge [sflag:s20], $0x4000  }
0x79: {  	s8 =	smov.u32 s14;
	s3 =	sshra.s32 s13, $0x2;
	[sflag:s20] =	ssyncset.done $0x0  }
0x7a: {  	s8 =	sadd.s32 $0x80, s3;
	[sflag:s20] =	ssyncadd.s32 $0xFFFFC000  }
0x7b: {  	[tilespmem:s24], [sflag:$0x2] =	stream.indirect.gather [hbm4b:s1+s22], $0x80, s8, s22, $0xb8;
	[tilespmem:$0x1DC00] =	vst v63  }
0x7c: {  	s13 =	sadd.s32 $0xC0, s3  }
0x7d: {  	[tilespmem:s25], [sflag:$0x2] =	stream.indirect.gather [hbm4b:s1+s22], $0x80, s13, s22, $0xb8;
	[tilespmem:$0x1DC00] =	vst v63  }
0x7e: {  	_ =	swait.ge [sflag:s26], $0x2000  }
0x7f: {  	[sflag:s26] =	ssyncset.done $0x0  }
0x80: {  	[sflag:s26] =	ssyncadd.s32 $0xFFFFE000  }
0x81: {  	_ =	swait.ge [sflag:s26], $0x2000  }
0x82: {  	[sflag:s26] =	ssyncset.done $0x0  }
0x83: {  	s14 =	sadd.s32 $0x1000, s3;
	[sflag:s26] =	ssyncadd.s32 $0xFFFFE000  }
0x84: {  	[spmem:s2] =	stream.indirect.scatter.add.f32 [tilespmem:s19], [sflag:$0x3], $0x80, s14, s28, $0xb8;
	[tilespmem:$0x1DC00] =	vst v63  }
0x85: {  	_ =	swait.ge [sflag:s20], $0x4000  }
0x86: {  	[sflag:s20] =	ssyncset.done $0x0  }
0x87: {  	s12 =	sadd.s32 $0x100, s3;
	[sflag:s20] =	ssyncadd.s32 $0xFFFFC000  }
0x88: {  	[tilespmem:s19], [sflag:$0x1] =	stream.indirect.gather [hbm4b:s1+s22], $0x80, s12, s22, $0xb8;
	[tilespmem:$0x1DC00] =	vst v63  }
0x89: {  	s13 =	sadd.s32 $0x140, s3  }
0x8a: {  	[tilespmem:s23], [sflag:$0x1] =	stream.indirect.gather [hbm4b:s1+s22], $0x80, s13, s22, $0xb8;
	[tilespmem:$0x1DC00] =	vst v63  }
0x8b: {  	_ =	swait.ge [sflag:s29], $0x2000  }
0x8c: {  	[sflag:s29] =	ssyncset.done $0x0  }
0x8d: {  	[sflag:s29] =	ssyncadd.s32 $0xFFFFE000  }
0x8e: {  	_ =	swait.ge [sflag:s29], $0x2000  }
0x8f: {  	[sflag:s29] =	ssyncset.done $0x0  }
0x90: {  	s14 =	sadd.s32 $0x1080, s3;
	[sflag:s29] =	ssyncadd.s32 $0xFFFFE000  }
0x91: {  	[spmem:s2] =	stream.indirect.scatter.add.f32 [tilespmem:s24], [sflag:$0x3], $0x80, s14, s28, $0xb8;
	[tilespmem:$0x1DC00] =	vst v63  }
0x92: {  	_ =	swait.ge [sflag:s20], $0x4000  }
0x93: {  	[sflag:s20] =	ssyncset.done $0x0  }
0x94: {  	[sflag:s20] =	ssyncadd.s32 $0xFFFFC000  }
0x95: {  	[tilespmem:s24], [sflag:$0x2] =	stream.indirect.gather [hbm4b:s1+s22], $0x80, s30, s22, $0xb8;
	[tilespmem:$0x1DC00] =	vst v63  }
0x96: {  	_ = 	snop  }
0x97: {  	[tilespmem:s25], [sflag:$0x2] =	stream.indirect.gather [hbm4b:s1+s22], $0x80, s31, s22, $0xb8;
	[tilespmem:$0x1DC00] =	vst v63  }
0x98: {  	_ =	swait.ge [sflag:s26], $0x2000  }
0x99: {  	[sflag:s26] =	ssyncset.done $0x0  }
0x9a: {  	[sflag:s26] =	ssyncadd.s32 $0xFFFFE000  }
0x9b: {  	_ =	swait.ge [sflag:s26], $0x2000  }
0x9c: {  	[sflag:s26] =	ssyncset.done $0x0  }
0x9d: {  	[sflag:s26] =	ssyncadd.s32 $0xFFFFE000  }
0x9e: {  	[spmem:s2] =	stream.indirect.scatter.add.f32 [tilespmem:s19], [sflag:$0x3], $0x80, s0, s28, $0xb8;
	[tilespmem:$0x1DC00] =	vst v63  }
0x9f: {  	_ =	swait.ge [sflag:s20], $0x4000  }
0xa0: {  	[sflag:s20] =	ssyncset.done $0x0  }
0xa1: {  	[sflag:s20] =	ssyncadd.s32 $0xFFFFC000  }
0xa2: {  	_ =	swait.ge [sflag:s29], $0x2000  }
0xa3: {  	[sflag:s29] =	ssyncset.done $0x0  }
0xa4: {  	[sflag:s29] =	ssyncadd.s32 $0xFFFFE000  }
0xa5: {  	s10 =	sadd.s32 $0x1, s10;
	_ =	swait.ge [sflag:s29], $0x2000  }
0xa6: {  	p1 =	seq.s32 s10, $0x5;
	[sflag:s29] =	ssyncset.done $0x0  }
.Ltmp4:
0xa7: {  	[sflag:s29] =	ssyncadd.s32 $0xFFFFE000;
	(pc) =	sbr.rel @!p1 .LBB2_2-.Ltmp4, $4  }
0xa8: {  	[spmem:s2] =	stream.indirect.scatter.add.f32 [tilespmem:s24], [sflag:$0x3], $0x80, s4, s28, $0xb8;
	[tilespmem:$0x1DC00] =	vst v63  }
0xa9: {  	_ =	swait.ge [sflag:s20], $0x4000  }
0xaa: {  	[sflag:s20] =	ssyncset.done $0x0  }
0xab: {  	[sflag:s20] =	ssyncadd.s32 $0xFFFFC000  }
.Ltmp5:
0xac: {  	(pc) =	sbr.rel .LBB2_10-.Ltmp5, $2  }
0xad: {  	_ =	sdelay $0x2  }
0xae: {  	s3 =	rddreg [dreg:$0x5]  }
.LBB2_6:
0xaf: {  	s8 =	sshll.u32 s3, $0xC  }
0xb0: {  	s8 =	sadd.s32 s16, s8  }
0xb1: {  	s8 =	sshrl.u32 s8, $0x3  }
0xb2: {  	s12 =	simm.s32 $0x0;
	s10 =	sadd.s32 s7, s8  }
0xb3: {  	[tilespmem:s12], [sflag:$0x3] =	stream.linear.gather [hbm4b:s10+s12], $0x1000, $0x38;
	[tilespmem:$0x1DC00] =	vst v63  }
0xb4: {  	_ =	swait.ge [sflag:s20], $0x1000  }
0xb5: {  	[sflag:s20] =	ssyncset.done $0x0  }
0xb6: {  	s8 =	sadd.s32 s6, s8;
	[sflag:s20] =	ssyncadd.s32 $0xFFFFF000  }
0xb7: {  	[tilespmem:s21], [sflag:$0x3] =	stream.linear.gather [hbm4b:s8+s12], $0x1000, $0x38;
	[tilespmem:$0x1DC00] =	vst v63  }
0xb8: {  	_ =	swait.ge [sflag:s20], $0x1000  }
0xb9: {  	[sflag:s20] =	ssyncset.done $0x0  }
0xba: {  	[sflag:s20] =	ssyncadd.s32 $0xFFFFF000  }
0xbb: {  	[tilespmem:s19], [sflag:$0x1] =	stream.indirect.gather [hbm4b:s5+s22], $0x80, s12, s22, $0xb8;
	[tilespmem:$0x1DC00] =	vst v63  }
0xbc: {  	_ = 	snop  }
0xbd: {  	[tilespmem:s23], [sflag:$0x1] =	stream.indirect.gather [hbm4b:s5+s22], $0x80, s22, s22, $0xb8;
	[tilespmem:$0x1DC00] =	vst v63  }
0xbe: {  	s13 =	simm.s32 $0x80  }
0xbf: {  	[tilespmem:s24], [sflag:$0x2] =	stream.indirect.gather [hbm4b:s5+s22], $0x80, s13, s22, $0xb8;
	[tilespmem:$0x1DC00] =	vst v63  }
0xc0: {  	s14 =	simm.s32 $0xC0  }
0xc1: {  	[tilespmem:s25], [sflag:$0x2] =	stream.indirect.gather [hbm4b:s5+s22], $0x80, s14, s22, $0xb8;
	[tilespmem:$0x1DC00] =	vst v63  }
0xc2: {  	_ =	swait.ge [sflag:s26], $0x2000  }
0xc3: {  	[sflag:s26] =	ssyncset.done $0x0  }
0xc4: {  	[sflag:s26] =	ssyncadd.s32 $0xFFFFE000  }
0xc5: {  	_ =	swait.ge [sflag:s26], $0x2000  }
0xc6: {  	[sflag:s26] =	ssyncset.done $0x0  }
0xc7: {  	s10 =	simm.s32 $0x1000;
	[sflag:s26] =	ssyncadd.s32 $0xFFFFE000  }
0xc8: {  	[spmem:s2] =	stream.indirect.scatter.add.f32 [tilespmem:s19], [sflag:$0x3], $0x80, s10, s28, $0xb8;
	[tilespmem:$0x1DC00] =	vst v63  }
0xc9: {  	_ =	swait.ge [sflag:s20], $0x4000  }
0xca: {  	[sflag:s20] =	ssyncset.done $0x0  }
0xcb: {  	s12 =	simm.s32 $0x100;
	[sflag:s20] =	ssyncadd.s32 $0xFFFFC000  }
0xcc: {  	[tilespmem:s19], [sflag:$0x1] =	stream.indirect.gather [hbm4b:s5+s22], $0x80, s12, s22, $0xb8;
	[tilespmem:$0x1DC00] =	vst v63  }
0xcd: {  	s13 =	simm.s32 $0x140  }
0xce: {  	[tilespmem:s23], [sflag:$0x1] =	stream.indirect.gather [hbm4b:s5+s22], $0x80, s13, s22, $0xb8;
	[tilespmem:$0x1DC00] =	vst v63  }
0xcf: {  	_ =	swait.ge [sflag:s29], $0x2000  }
0xd0: {  	[sflag:s29] =	ssyncset.done $0x0  }
0xd1: {  	[sflag:s29] =	ssyncadd.s32 $0xFFFFE000  }
0xd2: {  	_ =	swait.ge [sflag:s29], $0x2000  }
0xd3: {  	[sflag:s29] =	ssyncset.done $0x0  }
0xd4: {  	s14 =	simm.s32 $0x1080;
	[sflag:s29] =	ssyncadd.s32 $0xFFFFE000  }
0xd5: {  	[spmem:s2] =	stream.indirect.scatter.add.f32 [tilespmem:s24], [sflag:$0x3], $0x80, s14, s28, $0xb8;
	[tilespmem:$0x1DC00] =	vst v63  }
0xd6: {  	_ =	swait.ge [sflag:s20], $0x4000  }
0xd7: {  	s8 =	simm.s32 $0x800;
	s10 =	simm.s32 $0x100;
	[sflag:s20] =	ssyncset.done $0x0  }
.LBB2_7:
0xd8: {  	s12 =	sadd.s32 $0x80, s10  }
0xd9: {  	[sflag:s20] =	ssyncadd.s32 $0xFFFFC000;
	s13 =	smov.u32 s8;
	s14 =	sadd.s32 $0x400, s8  }
0xda: {  	[tilespmem:s24], [sflag:$0x2] =	stream.indirect.gather [hbm4b:s5+s22], $0x80, s12, s22, $0xb8;
	[tilespmem:$0x1DC00] =	vst v63  }
0xdb: {  	p1 =	sne.s32 s8, $0x3800;
	s8 =	sadd.s32 $0xC0, s10  }
0xdc: {  	[tilespmem:s25], [sflag:$0x2] =	stream.indirect.gather [hbm4b:s5+s22], $0x80, s8, s22, $0xb8;
	[tilespmem:$0x1DC00] =	vst v63  }
0xdd: {  	_ =	swait.ge [sflag:s26], $0x2000  }
0xde: {  	[sflag:s26] =	ssyncset.done $0x0  }
0xdf: {  	[sflag:s26] =	ssyncadd.s32 $0xFFFFE000  }
0xe0: {  	_ =	swait.ge [sflag:s26], $0x2000  }
0xe1: {  	[sflag:s26] =	ssyncset.done $0x0  }
0xe2: {  	s8 =	sadd.s32 $0x1000, s10;
	[sflag:s26] =	ssyncadd.s32 $0xFFFFE000  }
0xe3: {  	[spmem:s2] =	stream.indirect.scatter.add.f32 [tilespmem:s19], [sflag:$0x3], $0x80, s8, s28, $0xb8;
	[tilespmem:$0x1DC00] =	vst v63  }
0xe4: {  	_ =	swait.ge [sflag:s20], $0x4000  }
0xe5: {  	[sflag:s20] =	ssyncset.done $0x0  }
0xe6: {  	s8 =	sadd.s32 $0x100, s10;
	[sflag:s20] =	ssyncadd.s32 $0xFFFFC000  }
0xe7: {  	[tilespmem:s19], [sflag:$0x1] =	stream.indirect.gather [hbm4b:s5+s22], $0x80, s8, s22, $0xb8;
	[tilespmem:$0x1DC00] =	vst v63  }
0xe8: {  	s8 =	sadd.s32 $0x140, s10  }
0xe9: {  	[tilespmem:s23], [sflag:$0x1] =	stream.indirect.gather [hbm4b:s5+s22], $0x80, s8, s22, $0xb8;
	[tilespmem:$0x1DC00] =	vst v63  }
0xea: {  	_ =	swait.ge [sflag:s29], $0x2000  }
0xeb: {  	[sflag:s29] =	ssyncset.done $0x0  }
0xec: {  	[sflag:s29] =	ssyncadd.s32 $0xFFFFE000  }
0xed: {  	_ =	swait.ge [sflag:s29], $0x2000  }
.Ltmp6:
0xee: {  	[sflag:s29] =	ssyncset.done $0x0;
	(pc) =	sbr.rel @p1 .LBB2_7-.Ltmp6, $4  }
0xef: {  	s8 =	sadd.s32 $0x1080, s10;
	[sflag:s29] =	ssyncadd.s32 $0xFFFFE000  }
0xf0: {  	[spmem:s2] =	stream.indirect.scatter.add.f32 [tilespmem:s24], [sflag:$0x3], $0x80, s8, s28, $0xb8;
	[tilespmem:$0x1DC00] =	vst v63  }
0xf1: {  	_ =	swait.ge [sflag:s20], $0x4000  }
0xf2: {  	s10 =	sshra.s32 s13, $0x2;
	s8 =	smov.u32 s14;
	[sflag:s20] =	ssyncset.done $0x0  }
0xf3: {  	s8 =	sadd.s32 $0x80, s10;
	[sflag:s20] =	ssyncadd.s32 $0xFFFFC000  }
0xf4: {  	[tilespmem:s24], [sflag:$0x2] =	stream.indirect.gather [hbm4b:s5+s22], $0x80, s8, s22, $0xb8;
	[tilespmem:$0x1DC00] =	vst v63  }
0xf5: {  	s13 =	sadd.s32 $0xC0, s10  }
0xf6: {  	[tilespmem:s25], [sflag:$0x2] =	stream.indirect.gather [hbm4b:s5+s22], $0x80, s13, s22, $0xb8;
	[tilespmem:$0x1DC00] =	vst v63  }
0xf7: {  	_ =	swait.ge [sflag:s26], $0x2000  }
0xf8: {  	[sflag:s26] =	ssyncset.done $0x0  }
0xf9: {  	[sflag:s26] =	ssyncadd.s32 $0xFFFFE000  }
0xfa: {  	_ =	swait.ge [sflag:s26], $0x2000  }
0xfb: {  	[sflag:s26] =	ssyncset.done $0x0  }
0xfc: {  	s14 =	sadd.s32 $0x1000, s10;
	[sflag:s26] =	ssyncadd.s32 $0xFFFFE000  }
0xfd: {  	[spmem:s2] =	stream.indirect.scatter.add.f32 [tilespmem:s19], [sflag:$0x3], $0x80, s14, s28, $0xb8;
	[tilespmem:$0x1DC00] =	vst v63  }
0xfe: {  	_ =	swait.ge [sflag:s20], $0x4000  }
0xff: {  	[sflag:s20] =	ssyncset.done $0x0  }
0x100: {  	s12 =	sadd.s32 $0x100, s10;
	[sflag:s20] =	ssyncadd.s32 $0xFFFFC000  }
0x101: {  	[tilespmem:s19], [sflag:$0x1] =	stream.indirect.gather [hbm4b:s5+s22], $0x80, s12, s22, $0xb8;
	[tilespmem:$0x1DC00] =	vst v63  }
0x102: {  	s13 =	sadd.s32 $0x140, s10  }
0x103: {  	[tilespmem:s23], [sflag:$0x1] =	stream.indirect.gather [hbm4b:s5+s22], $0x80, s13, s22, $0xb8;
	[tilespmem:$0x1DC00] =	vst v63  }
0x104: {  	_ =	swait.ge [sflag:s29], $0x2000  }
0x105: {  	[sflag:s29] =	ssyncset.done $0x0  }
0x106: {  	[sflag:s29] =	ssyncadd.s32 $0xFFFFE000  }
0x107: {  	_ =	swait.ge [sflag:s29], $0x2000  }
0x108: {  	[sflag:s29] =	ssyncset.done $0x0  }
0x109: {  	s14 =	sadd.s32 $0x1080, s10;
	[sflag:s29] =	ssyncadd.s32 $0xFFFFE000  }
0x10a: {  	[spmem:s2] =	stream.indirect.scatter.add.f32 [tilespmem:s24], [sflag:$0x3], $0x80, s14, s28, $0xb8;
	[tilespmem:$0x1DC00] =	vst v63  }
0x10b: {  	_ =	swait.ge [sflag:s20], $0x4000  }
0x10c: {  	[sflag:s20] =	ssyncset.done $0x0  }
0x10d: {  	[sflag:s20] =	ssyncadd.s32 $0xFFFFC000  }
0x10e: {  	[tilespmem:s24], [sflag:$0x2] =	stream.indirect.gather [hbm4b:s5+s22], $0x80, s30, s22, $0xb8;
	[tilespmem:$0x1DC00] =	vst v63  }
0x10f: {  	_ = 	snop  }
0x110: {  	[tilespmem:s25], [sflag:$0x2] =	stream.indirect.gather [hbm4b:s5+s22], $0x80, s31, s22, $0xb8;
	[tilespmem:$0x1DC00] =	vst v63  }
0x111: {  	_ =	swait.ge [sflag:s26], $0x2000  }
0x112: {  	[sflag:s26] =	ssyncset.done $0x0  }
0x113: {  	[sflag:s26] =	ssyncadd.s32 $0xFFFFE000  }
0x114: {  	_ =	swait.ge [sflag:s26], $0x2000  }
0x115: {  	[sflag:s26] =	ssyncset.done $0x0  }
0x116: {  	[sflag:s26] =	ssyncadd.s32 $0xFFFFE000  }
0x117: {  	[spmem:s2] =	stream.indirect.scatter.add.f32 [tilespmem:s19], [sflag:$0x3], $0x80, s0, s28, $0xb8;
	[tilespmem:$0x1DC00] =	vst v63  }
0x118: {  	_ =	swait.ge [sflag:s20], $0x4000  }
0x119: {  	[sflag:s20] =	ssyncset.done $0x0  }
0x11a: {  	[sflag:s20] =	ssyncadd.s32 $0xFFFFC000  }
0x11b: {  	_ =	swait.ge [sflag:s29], $0x2000  }
0x11c: {  	[sflag:s29] =	ssyncset.done $0x0  }
0x11d: {  	[sflag:s29] =	ssyncadd.s32 $0xFFFFE000  }
0x11e: {  	s3 =	sadd.s32 $0x1, s3;
	_ =	swait.ge [sflag:s29], $0x2000  }
0x11f: {  	p1 =	sne.s32 s3, $0x5;
	[sflag:s29] =	ssyncset.done $0x0  }
.Ltmp7:
0x120: {  	[sflag:s29] =	ssyncadd.s32 $0xFFFFE000;
	(pc) =	sbr.rel @p1 .LBB2_6-.Ltmp7, $4  }
0x121: {  	[spmem:s2] =	stream.indirect.scatter.add.f32 [tilespmem:s24], [sflag:$0x3], $0x80, s4, s28, $0xb8;
	[tilespmem:$0x1DC00] =	vst v63  }
0x122: {  	_ =	swait.ge [sflag:s20], $0x4000  }
0x123: {  	[sflag:s20] =	ssyncset.done $0x0  }
0x124: {  	[sflag:s20] =	ssyncadd.s32 $0xFFFFC000  }
.Ltmp8:
0x125: {  	(pc) =	sbr.rel .LBB2_10-.Ltmp8, $2  }
0x126: {  	_ =	sdelay $0x2  }
0x127: {  	s3 =	rddreg [dreg:$0x6]  }
.LBB2_11:
0x128: {  	_ =	sfence.sel $0x180000  }
0x129: {  	[bflag:$0x0] =	sbarrier.arrive $0xFFFF  }
0x12a: {  	_ =	strace $0x9000004D  }
0x12b: {  	s0 =	stileid.u32;
	[bflag:$0x2] =	sbarrier.arrive $0xFFFF  }
0x12c: {  	p0 =	sne.s32 s0, $0x0;
	s0 =	rddreg [dreg:$0x3]  }
0x12d: {  	s0 =	sadd.s32 @!p0 $0x100000, s0  }
0x12e: {  	[sflag:s0] =	ssyncadd.tile.s32 @!p0 $0x1;
	_ =	shalt  }
.Lfunc_end2:
_tile_overlayer_lowered:
.L_overlay_start_2:
0x12f: {  	(tag) =	ssettag $0x2  }
0x130: {  	s0 =	rddreg [dreg:$0x0];
	s2 =	stileid.u32  }
0x131: {  	s1 =	rddreg [dreg:$0x1];
	p0 =	sne.s32 s2, $0x0  }
0x132: {  	s3 =	rddreg [dreg:$0x2];
	[bflag:$0x3] =	sbarrier.arrive $0xFFFF;
	s2 =	simm.s32 @!p0 $0x1C03  }
0x133: {  	[timem:s3], [sflag:s2] =	dma.local @!p0 [hbm:s0], s1  }
0x134: {  	s0 =	simm.s32 @!p0 $0x3  }
0x135: {  	_ =	swait.ge @!p0 [sflag:s0], s1  }
0x136: {  	s1 =	ssub.s32 @!p0 $0x0, s1;
	[sflag:s0] =	ssyncset.done @!p0 $0x0  }
0x137: {  	[sflag:s0] =	ssyncadd.s32 @!p0 s1  }
0x138: {  	[bflag:$0x3] =	sbarrier.arrive $0xFFFF  }
0x139: {  	_ =	shalt  }

// kernel: kernel.8.cloned.1.call-start
scs
__scs_entry_jumppad:
0x0: {  	(pc) =	sbr.rel $0x88, $3  }
0x1: {  	(tag) =	ssettag $0x0;
	lr =	simm.s32 $0x1  }
0x2: {  	[smem:$0x3F9A] =	sst lr;
	_ =	strace $0xD0000000  }
0x3: {  	_ = 	snop  }
0x4: {  	_ = 	snop  }
0x5: {  	_ = 	snop  }
0x6: {  	_ = 	snop  }
0x7: {  	_ = 	snop  }
__scs_overlays_trampoline_lowered:
0x8: {  	[smem:$0x3FA9] =	sst s0  }
0x9: {  	[smem:$0x3FAA] =	sst s1  }
0xa: {  	[smem:$0x3FAB] =	sst s2  }
0xb: {  	[smem:$0x3FAC] =	sst s3  }
0xc: {  	[smem:$0x3FAD] =	sst s4  }
0xd: {  	[smem:$0x3FAE] =	sst s5  }
0xe: {  	[smem:$0x3FAF] =	sst s6  }
0xf: {  	[smem:$0x3FB0] =	sst s7  }
0x10: {  	[smem:$0x3FB1] =	sst s8  }
0x11: {  	[smem:$0x3FB2] =	sst s9;
	s0 =	simm.s32 @!p0 $0x0  }
0x12: {  	s1 =	sld [smem:$0x3F98];
	s0 =	simm.s32 @p0 $0x1  }
0x13: {  	[smem:$0x3FB3] =	sst s0;
	s0 =	simm.s32 @!p1 $0x0  }
0x14: {  	s2 =	sld [smem:$0x3F97];
	s0 =	simm.s32 @p1 $0x1  }
0x15: {  	[smem:$0x3FB4] =	sst s0;
	s0 =	simm.s32 @!p2 $0x0  }
0x16: {  	s3 =	sld [smem:$0x3FDB];
	s0 =	simm.s32 @p2 $0x1  }
0x17: {  	s4 =	simm.s32 $0x1BF5;
	[smem:$0x3FB6] =	sst s0  }
0x18: {  	s0 =	sld [smem:$0x3F99];
	_ =	swait.ge [sflag:s4], $0x0  }
0x19: {  	s7 =	sld [smem:$0x3F9A]  }
0x1a: {  	s8 =	sadd.s32 $0xFFFFE003, lr  }
0x1b: {  	s9 =	sadd.s32 $0xFFFFFEF7, lr;
	s5 =	simm.s32 $0xFFFFFFFF;
	p2 =	slt.u32 s8, $0xFFFFF086  }
0x1c: {  	p1 =	slt.u32 s9, $0xF7A;
	s5 =	simm.s32 @!p2 $0x0  }
0x1d: {  	s5 =	simm.s32 @p1 $0x1;
	p0 =	seq.s32 s7, s2  }
0x1e: {  	s7 =	smul.u32 @!p0 $0xF7A, s2;
	p2 =	seq.s32 @!p0 s5, $0x0  }
0x1f: {  	s9 =	smul.u32 $0xF7A, s1;
	s8 =	simm.s32 @!p0 $0x1BF5;
	p2 =	por !p2, p0  }
0x20: {  	[sflag:s8] =	ssyncset.s32 @!p0 $0xFFFFF086;
	s6 =	sadd.s32 @!p0 s3, s7;
	s7 =	simm.s32 @!p0 $0x108  }
0x21: {  	s3 =	sadd.s32 s3, s9;
	s6 =	sadd.s32 @!p0 $0x88, s6;
	s7 =	simm.s32 @p2 $0x1082  }
0x22: {  	[simem:s7], [sflag:s8] =	dma.local @!p0 [hbm:s6], $0xF7A  }
0x23: {  	s9 =	sor.u32 $0xD0000000, s2;
	s6 =	simm.s32 $0x108;
	_ =	swait.ge @!p0 [sflag:s8], $0x0  }
0x24: {  	s3 =	sadd.s32 $0x88, s3;
	s6 =	simm.s32 @!p1 $0x1082;
	[sflag:s4] =	ssyncset.s32 $0xFFFFF086  }
0x25: {  	[simem:s6], [sflag:s4] =	dma.local [hbm:s3], $0xF7A  }
0x26: {  	[smem:$0x3F9A] =	sst s1;
	(tag) =	ssettag s2;
	_ =	strace s9  }
0x27: {  	s1 =	sld [smem:$0x3FAA]  }
0x28: {  	s2 =	sld [smem:$0x3FAB]  }
0x29: {  	s4 =	sld [smem:$0x3FAD]  }
0x2a: {  	p0 =	seq.s32 s5, $0x0;
	s5 =	sld [smem:$0x3FAE]  }
0x2b: {  	s6 =	sld [smem:$0x3FAF]  }
0x2c: {  	s7 =	sld [smem:$0x3FB0]  }
0x2d: {  	s3 =	simm.s32 $0x108;
	s8 =	sld [smem:$0x3FB1]  }
0x2e: {  	s3 =	simm.s32 @!p0 $0x1082;
	s9 =	sld [smem:$0x3FB2]  }
0x2f: {  	lr =	sadd.s32 s0, s3;
	s0 =	sld [smem:$0x3FA9]  }
0x30: {  	s3 =	sld [smem:$0x3FAC]  }
0x31: {  	[smem:$0x3FB5] =	sst s10  }
0x32: {  	s10 =	sld [smem:$0x3FB3];
	_ =	sdelay $0x3  }
0x33: {  	p0 =	seq.s32 s10, $0x1;
	s10 =	sld [smem:$0x3FB5];
	_ =	sdelay $0x3  }
0x34: {  	[smem:$0x3FB5] =	sst s10  }
0x35: {  	s10 =	sld [smem:$0x3FB4];
	_ =	sdelay $0x3  }
0x36: {  	p1 =	seq.s32 s10, $0x1;
	s10 =	sld [smem:$0x3FB5];
	_ =	sdelay $0x3  }
0x37: {  	[smem:$0x3FB5] =	sst s10  }
0x38: {  	s10 =	sld [smem:$0x3FB6]  }
0x39: {  	_ = 	snop;
	(pc) =	sbr.ind lr, $3  }
0x3a: {  	_ = 	snop  }
0x3b: {  	_ = 	snop  }
0x3c: {  	p2 =	seq.s32 s10, $0x1;
	s10 =	sld [smem:$0x3FB5]  }
0x3d: {  	_ =	shalt  }
0x3e: {  	_ =	shalt  }
0x3f: {  	_ =	shalt  }
0x40: {  	_ =	shalt  }
0x41: {  	_ =	shalt  }
0x42: {  	_ =	shalt  }
0x43: {  	_ =	shalt  }
0x44: {  	_ =	shalt  }
0x45: {  	_ =	shalt  }
0x46: {  	_ =	shalt  }
0x47: {  	_ =	shalt  }
0x48: {  	_ =	shalt  }
0x49: {  	_ =	shalt  }
0x4a: {  	_ =	shalt  }
0x4b: {  	_ =	shalt  }
0x4c: {  	_ =	shalt  }
0x4d: {  	_ =	shalt  }
0x4e: {  	_ =	shalt  }
0x4f: {  	_ =	shalt  }
0x50: {  	_ =	shalt  }
0x51: {  	_ =	shalt  }
0x52: {  	_ =	shalt  }
0x53: {  	_ =	shalt  }
0x54: {  	_ =	shalt  }
0x55: {  	_ =	shalt  }
0x56: {  	_ =	shalt  }
0x57: {  	_ =	shalt  }
0x58: {  	_ =	shalt  }
0x59: {  	_ =	shalt  }
0x5a: {  	_ =	shalt  }
0x5b: {  	_ =	shalt  }
0x5c: {  	_ =	shalt  }
0x5d: {  	_ =	shalt  }
0x5e: {  	_ =	shalt  }
0x5f: {  	_ =	shalt  }
0x60: {  	_ =	shalt  }
0x61: {  	_ =	shalt  }
0x62: {  	_ =	shalt  }
0x63: {  	_ =	shalt  }
0x64: {  	_ =	shalt  }
0x65: {  	_ =	shalt  }
0x66: {  	_ =	shalt  }
0x67: {  	_ =	shalt  }
0x68: {  	_ =	shalt  }
0x69: {  	_ =	shalt  }
0x6a: {  	_ =	shalt  }
0x6b: {  	_ =	shalt  }
0x6c: {  	_ =	shalt  }
0x6d: {  	_ =	shalt  }
0x6e: {  	_ =	shalt  }
0x6f: {  	_ =	shalt  }
0x70: {  	_ =	shalt  }
0x71: {  	_ =	shalt  }
0x72: {  	_ =	shalt  }
0x73: {  	_ =	shalt  }
0x74: {  	_ =	shalt  }
0x75: {  	_ =	shalt  }
0x76: {  	_ =	shalt  }
0x77: {  	_ =	shalt  }
0x78: {  	_ =	shalt  }
0x79: {  	_ =	shalt  }
0x7a: {  	_ =	shalt  }
0x7b: {  	_ =	shalt  }
0x7c: {  	_ =	shalt  }
0x7d: {  	_ =	shalt  }
0x7e: {  	_ =	shalt  }
0x7f: {  	_ =	shalt  }
0x80: {  	_ =	shalt  }
0x81: {  	_ =	shalt  }
0x82: {  	_ =	shalt  }
0x83: {  	_ =	shalt  }
0x84: {  	_ =	shalt  }
0x85: {  	_ =	shalt  }
0x86: {  	_ =	shalt  }
0x87: {  	_ =	shalt  }
.Lfunc_end0:
.L_simem_size_0:
called_computation_lowered:
.L_overlay_start_0:
0x88: {  	s2 =	sld [smem:$0x3FD9]  }
0x89: {  	s3 =	sld [smem:$0x3FFE];
	_ =	sdelay $0x1  }
0x8a: {  	s1 =	srdreg.scid  }
0x8b: {  	s0 =	sand.u32 $0x1, s1  }
0x8c: {  	s17 =	sshll.u32 s0, $0xA;
	s2 =	sadd.s32 s3, s2  }
0x8d: {  	s2 =	sadd.s32 s2, s17  }
0x8e: {  	[smem:$0x3FC1] =	sst s2  }
0x8f: {  	_ = 	snop  }
0x90: {  	s2 =	sld [smem:$0x3FD0];
	(tm) =	ssettm $0x1  }
0x91: {  	s18 =	sld [smem:$0x3FFB];
	_ =	sdelay $0x3  }
0x92: {  	_ =	strace s18  }
0x93: {  	s3 =	sld [smem:$0x3FFC];
	_ =	sdelay $0x3  }
0x94: {  	_ =	strace s3  }
0x95: {  	s3 =	sld [smem:$0x3FFD];
	_ =	sdelay $0x3  }
0x96: {  	_ =	strace s3  }
0x97: {  	_ =	strace $0x8FFFFFFF  }
0x98: {  	s19 =	sld [smem:$0x3FDB];
	_ =	sdelay $0x1  }
0x99: {  	s4 =	simm.s32 $_scs_section_size  }
0x9a: {  	s5 =	simm.s32 $_size__tile_overlayer_lowered;
	s6 =	simm.s32 $_tile_overlayer_lowered  }
0x9b: {  	s22 =	simm.s32 $0x1BFF;
	s21 =	sshll.u32 s6, $0x1;
	s3 =	sadd.s32 s4, s19  }
0x9c: {  	s7 =	simm.s32 $0x0;
	s20 =	sshll.u32 s5, $0x1;
	s5 =	sadd.s32 s21, s3  }
0x9d: {  	[timem:s7], [sflag:s22] =	dma.local [hbm:s5], s20  }
0x9e: {  	_ =	swait.ge [sflag:s22], s20  }
0x9f: {  	s4 =	ssub.s32 $0x0, s20;
	[sflag:s22] =	ssyncset.done $0x0  }
0xa0: {  	[sflag:s22] =	ssyncadd.s32 s4;
	_ =	sdelay $0x1  }
0xa1: {  	s23 =	simm.s32 $0x1B8B  }
0xa2: {  	_ =	swait.ge [sflag:s23], $0x1  }
0xa3: {  	[sflag:s23] =	ssyncset.done $0x0  }
0xa4: {  	s25 =	simm.s32 $0x1B8E;
	s24 =	sld [smem:$0x3FFE];
	[sflag:s23] =	ssyncadd.s32 $0xFFFFFFFF  }
0xa5: {  	s26 =	simm.s32 $execute0_lowered;
	[smem:$0x3FD2] =	sst s25  }
0xa6: {  	s5 =	sshll.u32 s26, $0x1;
	_ =	strace $0x80000046;
	[dreg:$0x1] =	wrdreg $0xFFFFFFFF  }
0xa7: {  	s28 =	simm.s32 $_size_execute0_lowered;
	s3 =	sadd.s32 s3, s5;
	[dreg:$0x0] =	wrdreg $0x0  }
0xa8: {  	s5 =	sshll.u32 s28, $0x1;
	[dreg:$0x2] =	wrdreg s3  }
0xa9: {  	[dreg:$0x3] =	wrdreg s5  }
0xaa: {  	[dreg:$0x4] =	wrdreg $0xC0  }
0xab: {  	_ =	task [dreg:s7], $0x5FFFF  }
0xac: {  	[dreg:$0x1] =	wrdreg $0xFFFFFFFF  }
0xad: {  	[dreg:$0x0] =	wrdreg $0x60  }
0xae: {  	[dreg:$0x2] =	wrdreg s24  }
0xaf: {  	[dreg:$0x3] =	wrdreg s2  }
0xb0: {  	[dreg:$0x4] =	wrdreg $0x48000  }
0xb1: {  	[dreg:$0x5] =	wrdreg $0x9  }
0xb2: {  	_ =	task.clear_ibuf [dreg:s7], $0x6FFFF;
	_ =	strace $0x90000046  }
0xb3: {  	s29 =	simm.s32 $0x9;
	_ =	strace $0x80000048  }
0xb4: {  	_ =	swait.ge [sflag:s29], $0x1  }
0xb5: {  	[sflag:s29] =	ssyncadd.s32 $0xFFFFFFFF  }
0xb6: {  	_ =	strace $0x90000048  }
0xb7: {  	_ =	sfence  }
0xb8: {  	s30 =	sld [smem:$0x0];
	_ =	sdelay $0x2  }
0xb9: {  	s31 =	sshll.u32 s1, $0xD;
	s1 =	sshrl.u32 s1, $0x2  }
0xba: {  	s3 =	sand.u32 $0x4000, s31;
	s1 =	sadd.s32 s1, s30  }
0xbb: {  	s0 =	sor.u32 s3, s0;
	s1 =	sshll.u32 s1, $0x11  }
0xbc: {  	s0 =	sor.u32 s1, s0  }
0xbd: {  	s0 =	sadd.s32 $0x8F2B, s0  }
0xbe: {  	[sflag:s0] =	ssyncadd.remote.s32 $0x1  }
0xbf: {  	_ =	sfence.sel $0xFFFF  }
0xc0: {  	[dreg:$0x0] =	wrdreg $0xFFFFFFFF;
	(pc) =	sbr.abs _section_cstart, $3  }
0xc1: {  	[dreg:$0x1] =	wrdreg $0xFFFFFFFF  }
0xc2: {  	_ =	task.clear_ibuf [dreg:s7], $0x2FFFF;
	_ =	strace $0x9FFFFFFF  }
0xc3: {  	(tm) =	ssettm $0x7FFFFFFF  }
tec
execute0_lowered:
.L_overlay_start_1:
0x0: {  	(tag) =	ssettag $0x1  }
0x1: {  	s0 =	rddreg [dreg:$0x0]  }
0x2: {  	s1 =	srdreg.scid;
	s8 =	stileid.u32  }
0x3: {  	s3 =	rddreg [dreg:$0x2];
	s4 =	simm.s32 $0x0;
	s14 =	simm.s32 $0x800  }
0x4: {  	s15 =	simm.s32 $0x2;
	s16 =	simm.s32 $0x80;
	s17 =	simm.s32 $0x100  }
0x5: {  	s18 =	simm.s32 $0x180;
	s19 =	simm.s32 $0x200;
	s20 =	simm.s32 $0x280  }
0x6: {  	s21 =	simm.s32 $0x300;
	s28 =	simm.s32 $0x600;
	s2 =	smul.u32 $0x5000, s8  }
0x7: {  	s29 =	simm.s32 $0x680;
	s30 =	simm.s32 $0x700;
	s6 =	smul.u32 $0x4F000, s8  }
0x8: {  	s31 =	simm.s32 $0x780;
	s1 =	sand.u32 $0x1, s1;
	s26 =	smul.u32 $0x2780, s8  }
0x9: {  	[smem:$0x7FF] =	sst s4;
	s9 =	sadd.s32 $0x17600, s0;
	s5 =	smul.u32 $0x2800, s1  }
0xa: {  	_ =	strace $0x80000047;
	s7 =	ssub.s32 $0x2, s1;
	[dreg:$0x4] =	wrdreg s9  }
0xb: {  	p0 =	seq.s32 s1, $0x1;
	s1 =	simm.s32 $0x3F600;
	s22 =	sshrl.u32 s6, $0x2  }
0xc: {  	s23 =	sshrl.u32 s7, $0x1;
	s1 =	simm.s32 @!p0 $0x17E00;
	s2 =	sadd.s32 s5, s2  }
0xd: {  	s5 =	sadd.s32 s22, s3;
	s6 =	ssub.s32 s7, s23;
	s22 =	simm.s32 $0x380  }
0xe: {  	s23 =	simm.s32 $0x400;
	s2 =	sshrl.u32 s2, $0x3;
	s24 =	sadd.s32 $0x4000, s5  }
0xf: {  	s25 =	sadd.s32 $0x8000, s5;
	s9 =	sadd.s32 $0xC000, s5;
	s10 =	sadd.s32 $0x10000, s5  }
0x10: {  	s11 =	smax.u32 s6, $0x1;
	s2 =	sadd.s32 s2, s0;
	[dreg:$0x5] =	wrdreg s24  }
0x11: {  	[dreg:$0x6] =	wrdreg s25;
	s0 =	sadd.s32 s1, s0;
	s24 =	simm.s32 $0x480  }
0x12: {  	s25 =	simm.s32 $0x500;
	s1 =	simm.s32 $0x1;
	s12 =	sadd.s32 s0, s26  }
0x13: {  	s13 =	sadd.s32 $0xD600, s2;
	s26 =	simm.s32 $0x580;
	s2 =	simm.s32 $0x0  }
.LBB2_1:
0x14: {  	s0 =	rddreg [dreg:$0x4]  }
0x15: {  	[tilespmem:s14], [sflag:$0x2] =	stream.linear.gather [hbm4b:s0+s4], $0x4000, $0x38;
	[tilespmem:$0x18400] =	vst v63  }
0x16: {  	_ =	swait.ge [sflag:s15], $0x4000  }
0x17: {  	[sflag:s15] =	ssyncset.done $0x0  }
0x18: {  	[sflag:s15] =	ssyncadd.s32 $0xFFFFC000  }
0x19: {  	[spmem:s5] =	stream.linear.scatter [tilespmem:s14], [sflag:$0x2], $0x4000, $0x38;
	[tilespmem:$0x18400] =	vst v63  }
0x1a: {  	_ =	swait.ge [sflag:s15], $0x4000  }
0x1b: {  	[sflag:s15] =	ssyncset.done $0x0  }
0x1c: {  	s8 =	rddreg [dreg:$0x5];
	[sflag:s15] =	ssyncadd.s32 $0xFFFFC000  }
0x1d: {  	[spmem:s8] =	stream.linear.scatter [tilespmem:s14], [sflag:$0x2], $0x4000, $0x38;
	[tilespmem:$0x18400] =	vst v63  }
0x1e: {  	_ =	swait.ge [sflag:s15], $0x4000  }
0x1f: {  	[sflag:s15] =	ssyncset.done $0x0  }
0x20: {  	s6 =	rddreg [dreg:$0x6];
	[sflag:s15] =	ssyncadd.s32 $0xFFFFC000  }
0x21: {  	[spmem:s6] =	stream.linear.scatter [tilespmem:s14], [sflag:$0x2], $0x4000, $0x38;
	[tilespmem:$0x18400] =	vst v63  }
0x22: {  	_ =	swait.ge [sflag:s15], $0x4000  }
0x23: {  	[sflag:s15] =	ssyncset.done $0x0  }
0x24: {  	[sflag:s15] =	ssyncadd.s32 $0xFFFFC000  }
0x25: {  	[spmem:s9] =	stream.linear.scatter [tilespmem:s14], [sflag:$0x2], $0x4000, $0x38;
	[tilespmem:$0x18400] =	vst v63  }
0x26: {  	_ =	swait.ge [sflag:s15], $0x4000  }
0x27: {  	[sflag:s15] =	ssyncset.done $0x0  }
0x28: {  	[sflag:s15] =	ssyncadd.s32 $0xFFFFC000  }
0x29: {  	[spmem:s10] =	stream.linear.scatter [tilespmem:s14], [sflag:$0x2], $0x3C00, $0x38;
	[tilespmem:$0x18400] =	vst v63  }
0x2a: {  	_ =	swait.ge [sflag:s15], $0x3C00  }
0x2b: {  	[sflag:s15] =	ssyncset.done $0x0  }
0x2c: {  	[sflag:s15] =	ssyncadd.s32 $0xFFFFC400  }
0x2d: {  	s7 =	rddreg [dreg:$0x1]  }
0x2e: {  	[tilespmem:s14], [sflag:$0x2] =	stream.linear.gather [hbm4b:s7+s4], $0x4000, $0x38;
	[tilespmem:$0x18400] =	vst v63  }
0x2f: {  	_ =	swait.ge [sflag:s15], $0x4000  }
0x30: {  	[sflag:s15] =	ssyncset.done $0x0  }
0x31: {  	[sflag:s15] =	ssyncadd.s32 $0xFFFFC000  }
0x32: {  	s8 =	sadd.s32 $0x0, s13;
	[bflag:$0x0] =	sbarrier.arrive $0xFFFF  }
0x33: {  	[tilespmem:s4], [sflag:$0x2] =	stream.linear.gather [hbm4b:s8+s4], $0x800, $0x38;
	[tilespmem:$0x18400] =	vst v63  }
0x34: {  	_ =	swait.ge [sflag:s15], $0x800  }
0x35: {  	[sflag:s15] =	ssyncset.done $0x0  }
0x36: {  	[sflag:s15] =	ssyncadd.s32 $0xFFFFF800  }
0x37: {  	[spmem:s3] =	stream.indirect.scatter.add.f32 [tilespmem:s14], [sflag:$0x1], $0x80, s4, s16, $0xb8;
	[tilespmem:$0x18400] =	vst v63  }
0x38: {  	_ = 	snop  }
0x39: {  	[spmem:s3] =	stream.indirect.scatter.add.f32 [tilespmem:s14], [sflag:$0x1], $0x80, s16, s16, $0xb8;
	[tilespmem:$0x18400] =	vst v63  }
0x3a: {  	_ = 	snop  }
0x3b: {  	[spmem:s3] =	stream.indirect.scatter.add.f32 [tilespmem:s14], [sflag:$0x1], $0x80, s17, s16, $0xb8;
	[tilespmem:$0x18400] =	vst v63  }
0x3c: {  	_ = 	snop  }
0x3d: {  	[spmem:s3] =	stream.indirect.scatter.add.f32 [tilespmem:s14], [sflag:$0x1], $0x80, s18, s16, $0xb8;
	[tilespmem:$0x18400] =	vst v63  }
0x3e: {  	_ = 	snop  }
0x3f: {  	[spmem:s3] =	stream.indirect.scatter.add.f32 [tilespmem:s14], [sflag:$0x1], $0x80, s19, s16, $0xb8;
	[tilespmem:$0x18400] =	vst v63  }
0x40: {  	_ = 	snop  }
0x41: {  	[spmem:s3] =	stream.indirect.scatter.add.f32 [tilespmem:s14], [sflag:$0x1], $0x80, s20, s16, $0xb8;
	[tilespmem:$0x18400] =	vst v63  }
0x42: {  	_ = 	snop  }
0x43: {  	[spmem:s3] =	stream.indirect.scatter.add.f32 [tilespmem:s14], [sflag:$0x1], $0x80, s21, s16, $0xb8;
	[tilespmem:$0x18400] =	vst v63  }
0x44: {  	_ = 	snop  }
0x45: {  	[spmem:s3] =	stream.indirect.scatter.add.f32 [tilespmem:s14], [sflag:$0x1], $0x80, s22, s16, $0xb8;
	[tilespmem:$0x18400] =	vst v63  }
0x46: {  	_ = 	snop  }
0x47: {  	[spmem:s3] =	stream.indirect.scatter.add.f32 [tilespmem:s14], [sflag:$0x1], $0x80, s23, s16, $0xb8;
	[tilespmem:$0x18400] =	vst v63  }
0x48: {  	_ = 	snop  }
0x49: {  	[spmem:s3] =	stream.indirect.scatter.add.f32 [tilespmem:s14], [sflag:$0x1], $0x80, s24, s16, $0xb8;
	[tilespmem:$0x18400] =	vst v63  }
0x4a: {  	_ = 	snop  }
0x4b: {  	[spmem:s3] =	stream.indirect.scatter.add.f32 [tilespmem:s14], [sflag:$0x1], $0x80, s25, s16, $0xb8;
	[tilespmem:$0x18400] =	vst v63  }
0x4c: {  	_ = 	snop  }
0x4d: {  	[spmem:s3] =	stream.indirect.scatter.add.f32 [tilespmem:s14], [sflag:$0x1], $0x80, s26, s16, $0xb8;
	[tilespmem:$0x18400] =	vst v63  }
0x4e: {  	_ = 	snop  }
0x4f: {  	[spmem:s3] =	stream.indirect.scatter.add.f32 [tilespmem:s14], [sflag:$0x1], $0x80, s28, s16, $0xb8;
	[tilespmem:$0x18400] =	vst v63  }
0x50: {  	_ = 	snop  }
0x51: {  	[spmem:s3] =	stream.indirect.scatter.add.f32 [tilespmem:s14], [sflag:$0x1], $0x80, s29, s16, $0xb8;
	[tilespmem:$0x18400] =	vst v63  }
0x52: {  	_ = 	snop  }
0x53: {  	[spmem:s3] =	stream.indirect.scatter.add.f32 [tilespmem:s14], [sflag:$0x1], $0x80, s30, s16, $0xb8;
	[tilespmem:$0x18400] =	vst v63  }
0x54: {  	_ = 	snop  }
0x55: {  	[spmem:s3] =	stream.indirect.scatter.add.f32 [tilespmem:s14], [sflag:$0x1], $0x80, s31, s16, $0xb8;
	[tilespmem:$0x18400] =	vst v63  }
0x56: {  	_ =	swait.ge [sflag:s1], $0x4000  }
0x57: {  	[sflag:s1] =	ssyncset.done $0x0  }
0x58: {  	[sflag:s1] =	ssyncadd.s32 $0xFFFFC000  }
0x59: {  	_ =	swait.ge [sflag:s1], $0x4000  }
0x5a: {  	[sflag:s1] =	ssyncset.done $0x0  }
0x5b: {  	[sflag:s1] =	ssyncadd.s32 $0xFFFFC000  }
0x5c: {  	_ =	swait.ge [sflag:s1], $0x4000  }
0x5d: {  	[sflag:s1] =	ssyncset.done $0x0  }
0x5e: {  	[sflag:s1] =	ssyncadd.s32 $0xFFFFC000  }
0x5f: {  	_ =	swait.ge [sflag:s1], $0x4000  }
0x60: {  	[sflag:s1] =	ssyncset.done $0x0  }
0x61: {  	[sflag:s1] =	ssyncadd.s32 $0xFFFFC000  }
0x62: {  	_ =	swait.ge [sflag:s1], $0x4000  }
0x63: {  	[sflag:s1] =	ssyncset.done $0x0  }
0x64: {  	[sflag:s1] =	ssyncadd.s32 $0xFFFFC000  }
0x65: {  	_ =	swait.ge [sflag:s1], $0x4000  }
0x66: {  	[sflag:s1] =	ssyncset.done $0x0  }
0x67: {  	[sflag:s1] =	ssyncadd.s32 $0xFFFFC000  }
0x68: {  	_ =	swait.ge [sflag:s1], $0x4000  }
0x69: {  	[sflag:s1] =	ssyncset.done $0x0  }
0x6a: {  	[sflag:s1] =	ssyncadd.s32 $0xFFFFC000  }
0x6b: {  	_ =	swait.ge [sflag:s1], $0x4000  }
0x6c: {  	[sflag:s1] =	ssyncset.done $0x0  }
0x6d: {  	[sflag:s1] =	ssyncadd.s32 $0xFFFFC000  }
0x6e: {  	_ =	swait.ge [sflag:s1], $0x4000  }
0x6f: {  	[sflag:s1] =	ssyncset.done $0x0  }
0x70: {  	[sflag:s1] =	ssyncadd.s32 $0xFFFFC000  }
0x71: {  	_ =	swait.ge [sflag:s1], $0x4000  }
0x72: {  	[sflag:s1] =	ssyncset.done $0x0  }
0x73: {  	[sflag:s1] =	ssyncadd.s32 $0xFFFFC000  }
0x74: {  	_ =	swait.ge [sflag:s1], $0x4000  }
0x75: {  	[sflag:s1] =	ssyncset.done $0x0  }
0x76: {  	[sflag:s1] =	ssyncadd.s32 $0xFFFFC000  }
0x77: {  	_ =	swait.ge [sflag:s1], $0x4000  }
0x78: {  	[sflag:s1] =	ssyncset.done $0x0  }
0x79: {  	[sflag:s1] =	ssyncadd.s32 $0xFFFFC000  }
0x7a: {  	_ =	swait.ge [sflag:s1], $0x4000  }
0x7b: {  	[sflag:s1] =	ssyncset.done $0x0  }
0x7c: {  	[sflag:s1] =	ssyncadd.s32 $0xFFFFC000  }
0x7d: {  	_ =	swait.ge [sflag:s1], $0x4000  }
0x7e: {  	[sflag:s1] =	ssyncset.done $0x0  }
0x7f: {  	[sflag:s1] =	ssyncadd.s32 $0xFFFFC000  }
0x80: {  	_ =	swait.ge [sflag:s1], $0x4000  }
0x81: {  	[sflag:s1] =	ssyncset.done $0x0  }
0x82: {  	[sflag:s1] =	ssyncadd.s32 $0xFFFFC000  }
0x83: {  	_ =	swait.ge [sflag:s1], $0x4000  }
0x84: {  	s0 =	simm.s32 $0x100;
	s6 =	simm.s32 $0x200;
	[sflag:s1] =	ssyncset.done $0x0  }
.LBB2_2:
0x85: {  	s8 =	sadd.s32 s0, s13  }
0x86: {  	[sflag:s1] =	ssyncadd.s32 $0xFFFFC000;
	s0 =	smov.u32 s6;
	s7 =	sadd.s32 $0x100, s6  }
0x87: {  	[tilespmem:s4], [sflag:$0x2] =	stream.linear.gather [hbm4b:s8+s4], $0x800, $0x38;
	[tilespmem:$0x18400] =	vst v63  }
0x88: {  	p0 =	sne.s32 s6, $0x400;
	_ =	swait.ge [sflag:s15], $0x800  }
0x89: {  	[sflag:s15] =	ssyncset.done $0x0  }
0x8a: {  	[sflag:s15] =	ssyncadd.s32 $0xFFFFF800  }
0x8b: {  	[spmem:s3] =	stream.indirect.scatter.add.f32 [tilespmem:s14], [sflag:$0x1], $0x80, s4, s16, $0xb8;
	[tilespmem:$0x18400] =	vst v63  }
0x8c: {  	_ = 	snop  }
0x8d: {  	[spmem:s3] =	stream.indirect.scatter.add.f32 [tilespmem:s14], [sflag:$0x1], $0x80, s16, s16, $0xb8;
	[tilespmem:$0x18400] =	vst v63  }
0x8e: {  	_ = 	snop  }
0x8f: {  	[spmem:s3] =	stream.indirect.scatter.add.f32 [tilespmem:s14], [sflag:$0x1], $0x80, s17, s16, $0xb8;
	[tilespmem:$0x18400] =	vst v63  }
0x90: {  	_ = 	snop  }
0x91: {  	[spmem:s3] =	stream.indirect.scatter.add.f32 [tilespmem:s14], [sflag:$0x1], $0x80, s18, s16, $0xb8;
	[tilespmem:$0x18400] =	vst v63  }
0x92: {  	_ = 	snop  }
0x93: {  	[spmem:s3] =	stream.indirect.scatter.add.f32 [tilespmem:s14], [sflag:$0x1], $0x80, s19, s16, $0xb8;
	[tilespmem:$0x18400] =	vst v63  }
0x94: {  	_ = 	snop  }
0x95: {  	[spmem:s3] =	stream.indirect.scatter.add.f32 [tilespmem:s14], [sflag:$0x1], $0x80, s20, s16, $0xb8;
	[tilespmem:$0x18400] =	vst v63  }
0x96: {  	_ = 	snop  }
0x97: {  	[spmem:s3] =	stream.indirect.scatter.add.f32 [tilespmem:s14], [sflag:$0x1], $0x80, s21, s16, $0xb8;
	[tilespmem:$0x18400] =	vst v63  }
0x98: {  	_ = 	snop  }
0x99: {  	[spmem:s3] =	stream.indirect.scatter.add.f32 [tilespmem:s14], [sflag:$0x1], $0x80, s22, s16, $0xb8;
	[tilespmem:$0x18400] =	vst v63  }
0x9a: {  	_ = 	snop  }
0x9b: {  	[spmem:s3] =	stream.indirect.scatter.add.f32 [tilespmem:s14], [sflag:$0x1], $0x80, s23, s16, $0xb8;
	[tilespmem:$0x18400] =	vst v63  }
0x9c: {  	_ = 	snop  }
0x9d: {  	[spmem:s3] =	stream.indirect.scatter.add.f32 [tilespmem:s14], [sflag:$0x1], $0x80, s24, s16, $0xb8;
	[tilespmem:$0x18400] =	vst v63  }
0x9e: {  	_ = 	snop  }
0x9f: {  	[spmem:s3] =	stream.indirect.scatter.add.f32 [tilespmem:s14], [sflag:$0x1], $0x80, s25, s16, $0xb8;
	[tilespmem:$0x18400] =	vst v63  }
0xa0: {  	_ = 	snop  }
0xa1: {  	[spmem:s3] =	stream.indirect.scatter.add.f32 [tilespmem:s14], [sflag:$0x1], $0x80, s26, s16, $0xb8;
	[tilespmem:$0x18400] =	vst v63  }
0xa2: {  	_ = 	snop  }
0xa3: {  	[spmem:s3] =	stream.indirect.scatter.add.f32 [tilespmem:s14], [sflag:$0x1], $0x80, s28, s16, $0xb8;
	[tilespmem:$0x18400] =	vst v63  }
0xa4: {  	_ = 	snop  }
0xa5: {  	[spmem:s3] =	stream.indirect.scatter.add.f32 [tilespmem:s14], [sflag:$0x1], $0x80, s29, s16, $0xb8;
	[tilespmem:$0x18400] =	vst v63  }
0xa6: {  	_ = 	snop  }
0xa7: {  	[spmem:s3] =	stream.indirect.scatter.add.f32 [tilespmem:s14], [sflag:$0x1], $0x80, s30, s16, $0xb8;
	[tilespmem:$0x18400] =	vst v63  }
0xa8: {  	_ = 	snop  }
0xa9: {  	[spmem:s3] =	stream.indirect.scatter.add.f32 [tilespmem:s14], [sflag:$0x1], $0x80, s31, s16, $0xb8;
	[tilespmem:$0x18400] =	vst v63  }
0xaa: {  	_ =	swait.ge [sflag:s1], $0x4000  }
0xab: {  	[sflag:s1] =	ssyncset.done $0x0  }
0xac: {  	[sflag:s1] =	ssyncadd.s32 $0xFFFFC000  }
0xad: {  	_ =	swait.ge [sflag:s1], $0x4000  }
0xae: {  	[sflag:s1] =	ssyncset.done $0x0  }
0xaf: {  	[sflag:s1] =	ssyncadd.s32 $0xFFFFC000  }
0xb0: {  	_ =	swait.ge [sflag:s1], $0x4000  }
0xb1: {  	[sflag:s1] =	ssyncset.done $0x0  }
0xb2: {  	[sflag:s1] =	ssyncadd.s32 $0xFFFFC000  }
0xb3: {  	_ =	swait.ge [sflag:s1], $0x4000  }
0xb4: {  	[sflag:s1] =	ssyncset.done $0x0  }
0xb5: {  	[sflag:s1] =	ssyncadd.s32 $0xFFFFC000  }
0xb6: {  	_ =	swait.ge [sflag:s1], $0x4000  }
0xb7: {  	[sflag:s1] =	ssyncset.done $0x0  }
0xb8: {  	[sflag:s1] =	ssyncadd.s32 $0xFFFFC000  }
0xb9: {  	_ =	swait.ge [sflag:s1], $0x4000  }
0xba: {  	[sflag:s1] =	ssyncset.done $0x0  }
0xbb: {  	[sflag:s1] =	ssyncadd.s32 $0xFFFFC000  }
0xbc: {  	_ =	swait.ge [sflag:s1], $0x4000  }
0xbd: {  	[sflag:s1] =	ssyncset.done $0x0  }
0xbe: {  	[sflag:s1] =	ssyncadd.s32 $0xFFFFC000  }
0xbf: {  	_ =	swait.ge [sflag:s1], $0x4000  }
0xc0: {  	[sflag:s1] =	ssyncset.done $0x0  }
0xc1: {  	[sflag:s1] =	ssyncadd.s32 $0xFFFFC000  }
0xc2: {  	_ =	swait.ge [sflag:s1], $0x4000  }
0xc3: {  	[sflag:s1] =	ssyncset.done $0x0  }
0xc4: {  	[sflag:s1] =	ssyncadd.s32 $0xFFFFC000  }
0xc5: {  	_ =	swait.ge [sflag:s1], $0x4000  }
0xc6: {  	[sflag:s1] =	ssyncset.done $0x0  }
0xc7: {  	[sflag:s1] =	ssyncadd.s32 $0xFFFFC000  }
0xc8: {  	_ =	swait.ge [sflag:s1], $0x4000  }
0xc9: {  	[sflag:s1] =	ssyncset.done $0x0  }
0xca: {  	[sflag:s1] =	ssyncadd.s32 $0xFFFFC000  }
0xcb: {  	_ =	swait.ge [sflag:s1], $0x4000  }
0xcc: {  	[sflag:s1] =	ssyncset.done $0x0  }
0xcd: {  	[sflag:s1] =	ssyncadd.s32 $0xFFFFC000  }
0xce: {  	_ =	swait.ge [sflag:s1], $0x4000  }
0xcf: {  	[sflag:s1] =	ssyncset.done $0x0  }
0xd0: {  	[sflag:s1] =	ssyncadd.s32 $0xFFFFC000  }
0xd1: {  	_ =	swait.ge [sflag:s1], $0x4000  }
0xd2: {  	[sflag:s1] =	ssyncset.done $0x0  }
0xd3: {  	[sflag:s1] =	ssyncadd.s32 $0xFFFFC000  }
.Ltmp0:
0xd4: {  	_ =	swait.ge [sflag:s1], $0x4000;
	(pc) =	sbr.rel @p0 .LBB2_2-.Ltmp0, $4  }
0xd5: {  	[sflag:s1] =	ssyncset.done $0x0  }
0xd6: {  	[sflag:s1] =	ssyncadd.s32 $0xFFFFC000  }
0xd7: {  	_ =	swait.ge [sflag:s1], $0x4000  }
0xd8: {  	s6 =	smov.u32 s7;
	[sflag:s1] =	ssyncset.done $0x0  }
0xd9: {  	s0 =	sadd.s32 s0, s13;
	[sflag:s1] =	ssyncadd.s32 $0xFFFFC000  }
0xda: {  	[tilespmem:s4], [sflag:$0x2] =	stream.linear.gather [hbm4b:s0+s4], $0x800, $0x38;
	[tilespmem:$0x18400] =	vst v63  }
0xdb: {  	_ =	swait.ge [sflag:s15], $0x800  }
0xdc: {  	[sflag:s15] =	ssyncset.done $0x0  }
0xdd: {  	[sflag:s15] =	ssyncadd.s32 $0xFFFFF800  }
0xde: {  	[spmem:s3] =	stream.indirect.scatter.add.f32 [tilespmem:s14], [sflag:$0x1], $0x80, s4, s16, $0xb8;
	[tilespmem:$0x18400] =	vst v63  }
0xdf: {  	_ = 	snop  }
0xe0: {  	[spmem:s3] =	stream.indirect.scatter.add.f32 [tilespmem:s14], [sflag:$0x1], $0x80, s16, s16, $0xb8;
	[tilespmem:$0x18400] =	vst v63  }
0xe1: {  	_ = 	snop  }
0xe2: {  	[spmem:s3] =	stream.indirect.scatter.add.f32 [tilespmem:s14], [sflag:$0x1], $0x80, s17, s16, $0xb8;
	[tilespmem:$0x18400] =	vst v63  }
0xe3: {  	_ = 	snop  }
0xe4: {  	[spmem:s3] =	stream.indirect.scatter.add.f32 [tilespmem:s14], [sflag:$0x1], $0x80, s18, s16, $0xb8;
	[tilespmem:$0x18400] =	vst v63  }
0xe5: {  	_ = 	snop  }
0xe6: {  	[spmem:s3] =	stream.indirect.scatter.add.f32 [tilespmem:s14], [sflag:$0x1], $0x80, s19, s16, $0xb8;
	[tilespmem:$0x18400] =	vst v63  }
0xe7: {  	_ = 	snop  }
0xe8: {  	[spmem:s3] =	stream.indirect.scatter.add.f32 [tilespmem:s14], [sflag:$0x1], $0x80, s20, s16, $0xb8;
	[tilespmem:$0x18400] =	vst v63  }
0xe9: {  	_ = 	snop  }
0xea: {  	[spmem:s3] =	stream.indirect.scatter.add.f32 [tilespmem:s14], [sflag:$0x1], $0x80, s21, s16, $0xb8;
	[tilespmem:$0x18400] =	vst v63  }
0xeb: {  	_ = 	snop  }
0xec: {  	[spmem:s3] =	stream.indirect.scatter.add.f32 [tilespmem:s14], [sflag:$0x1], $0x80, s22, s16, $0xb8;
	[tilespmem:$0x18400] =	vst v63  }
0xed: {  	_ = 	snop  }
0xee: {  	[spmem:s3] =	stream.indirect.scatter.add.f32 [tilespmem:s14], [sflag:$0x1], $0x80, s23, s16, $0xb8;
	[tilespmem:$0x18400] =	vst v63  }
0xef: {  	_ = 	snop  }
0xf0: {  	[spmem:s3] =	stream.indirect.scatter.add.f32 [tilespmem:s14], [sflag:$0x1], $0x80, s24, s16, $0xb8;
	[tilespmem:$0x18400] =	vst v63  }
0xf1: {  	_ = 	snop  }
0xf2: {  	[spmem:s3] =	stream.indirect.scatter.add.f32 [tilespmem:s14], [sflag:$0x1], $0x80, s25, s16, $0xb8;
	[tilespmem:$0x18400] =	vst v63  }
0xf3: {  	_ = 	snop  }
0xf4: {  	[spmem:s3] =	stream.indirect.scatter.add.f32 [tilespmem:s14], [sflag:$0x1], $0x80, s26, s16, $0xb8;
	[tilespmem:$0x18400] =	vst v63  }
0xf5: {  	_ = 	snop  }
0xf6: {  	[spmem:s3] =	stream.indirect.scatter.add.f32 [tilespmem:s14], [sflag:$0x1], $0x80, s28, s16, $0xb8;
	[tilespmem:$0x18400] =	vst v63  }
0xf7: {  	_ = 	snop  }
0xf8: {  	[spmem:s3] =	stream.indirect.scatter.add.f32 [tilespmem:s14], [sflag:$0x1], $0x80, s29, s16, $0xb8;
	[tilespmem:$0x18400] =	vst v63  }
0xf9: {  	_ = 	snop  }
0xfa: {  	[spmem:s3] =	stream.indirect.scatter.add.f32 [tilespmem:s14], [sflag:$0x1], $0x80, s30, s16, $0xb8;
	[tilespmem:$0x18400] =	vst v63  }
0xfb: {  	_ = 	snop  }
0xfc: {  	[spmem:s3] =	stream.indirect.scatter.add.f32 [tilespmem:s14], [sflag:$0x1], $0x80, s31, s16, $0xb8;
	[tilespmem:$0x18400] =	vst v63  }
0xfd: {  	_ =	swait.ge [sflag:s1], $0x4000  }
0xfe: {  	[sflag:s1] =	ssyncset.done $0x0  }
0xff: {  	[sflag:s1] =	ssyncadd.s32 $0xFFFFC000  }
0x100: {  	_ =	swait.ge [sflag:s1], $0x4000  }
0x101: {  	[sflag:s1] =	ssyncset.done $0x0  }
0x102: {  	[sflag:s1] =	ssyncadd.s32 $0xFFFFC000  }
0x103: {  	_ =	swait.ge [sflag:s1], $0x4000  }
0x104: {  	[sflag:s1] =	ssyncset.done $0x0  }
0x105: {  	[sflag:s1] =	ssyncadd.s32 $0xFFFFC000  }
0x106: {  	_ =	swait.ge [sflag:s1], $0x4000  }
0x107: {  	[sflag:s1] =	ssyncset.done $0x0  }
0x108: {  	[sflag:s1] =	ssyncadd.s32 $0xFFFFC000  }
0x109: {  	_ =	swait.ge [sflag:s1], $0x4000  }
0x10a: {  	[sflag:s1] =	ssyncset.done $0x0  }
0x10b: {  	[sflag:s1] =	ssyncadd.s32 $0xFFFFC000  }
0x10c: {  	_ =	swait.ge [sflag:s1], $0x4000  }
0x10d: {  	[sflag:s1] =	ssyncset.done $0x0  }
0x10e: {  	[sflag:s1] =	ssyncadd.s32 $0xFFFFC000  }
0x10f: {  	_ =	swait.ge [sflag:s1], $0x4000  }
0x110: {  	[sflag:s1] =	ssyncset.done $0x0  }
0x111: {  	[sflag:s1] =	ssyncadd.s32 $0xFFFFC000  }
0x112: {  	_ =	swait.ge [sflag:s1], $0x4000  }
0x113: {  	[sflag:s1] =	ssyncset.done $0x0  }
0x114: {  	[sflag:s1] =	ssyncadd.s32 $0xFFFFC000  }
0x115: {  	_ =	swait.ge [sflag:s1], $0x4000  }
0x116: {  	[sflag:s1] =	ssyncset.done $0x0  }
0x117: {  	[sflag:s1] =	ssyncadd.s32 $0xFFFFC000  }
0x118: {  	_ =	swait.ge [sflag:s1], $0x4000  }
0x119: {  	[sflag:s1] =	ssyncset.done $0x0  }
0x11a: {  	[sflag:s1] =	ssyncadd.s32 $0xFFFFC000  }
0x11b: {  	_ =	swait.ge [sflag:s1], $0x4000  }
0x11c: {  	[sflag:s1] =	ssyncset.done $0x0  }
0x11d: {  	[sflag:s1] =	ssyncadd.s32 $0xFFFFC000  }
0x11e: {  	_ =	swait.ge [sflag:s1], $0x4000  }
0x11f: {  	[sflag:s1] =	ssyncset.done $0x0  }
0x120: {  	[sflag:s1] =	ssyncadd.s32 $0xFFFFC000  }
0x121: {  	_ =	swait.ge [sflag:s1], $0x4000  }
0x122: {  	[sflag:s1] =	ssyncset.done $0x0  }
0x123: {  	[sflag:s1] =	ssyncadd.s32 $0xFFFFC000  }
0x124: {  	_ =	swait.ge [sflag:s1], $0x4000  }
0x125: {  	[sflag:s1] =	ssyncset.done $0x0  }
0x126: {  	[sflag:s1] =	ssyncadd.s32 $0xFFFFC000  }
0x127: {  	_ =	swait.ge [sflag:s1], $0x4000  }
0x128: {  	[sflag:s1] =	ssyncset.done $0x0  }
0x129: {  	[sflag:s1] =	ssyncadd.s32 $0xFFFFC000  }
0x12a: {  	s8 =	stileid.u32;
	_ =	swait.ge [sflag:s1], $0x4000  }
0x12b: {  	s6 =	sshrl.u32 s5, $0x3;
	s2 =	sadd.s32 $0x1, s2;
	[sflag:s1] =	ssyncset.done $0x0  }
0x12c: {  	s0 =	sshll.u32 s8, $0x6;
	p0 =	sne.s32 s2, s11;
	[sflag:s1] =	ssyncadd.s32 $0xFFFFC000  }
.Ltmp1:
0x12d: {  	s0 =	sor.u32 $0x1C02, s0;
	[bflag:$0x0] =	sbarrier.arrive $0xFFFF;
	(pc) =	sbr.rel @p0 .LBB2_1-.Ltmp1, $4  }
0x12e: {  	[hbm:s12], [sflag:s0] =	dma.local [spmem:s6], $0x2780  }
0x12f: {  	_ =	swait.ge [sflag:s15], $0x2780  }
0x130: {  	[sflag:s15] =	ssyncset.done $0x0  }
0x131: {  	[sflag:s15] =	ssyncadd.s32 $0xFFFFD880  }
0x132: {  	_ =	sfence.sel $0x180000  }
0x133: {  	[bflag:$0x0] =	sbarrier.arrive $0xFFFF  }
0x134: {  	_ =	strace $0x90000047  }
0x135: {  	s0 =	stileid.u32;
	[bflag:$0x2] =	sbarrier.arrive $0xFFFF  }
0x136: {  	p0 =	sne.s32 s0, $0x0;
	s0 =	rddreg [dreg:$0x3]  }
0x137: {  	s0 =	sadd.s32 @!p0 $0x100000, s0  }
0x138: {  	[sflag:s0] =	ssyncadd.tile.s32 @!p0 $0x1;
	_ =	shalt  }
.Lfunc_end2:
_tile_overlayer_lowered:
.L_overlay_start_2:
0x139: {  	(tag) =	ssettag $0x2  }
0x13a: {  	s0 =	rddreg [dreg:$0x0];
	s2 =	stileid.u32  }
0x13b: {  	s1 =	rddreg [dreg:$0x1];
	p0 =	sne.s32 s2, $0x0  }
0x13c: {  	s3 =	rddreg [dreg:$0x2];
	[bflag:$0x3] =	sbarrier.arrive $0xFFFF;
	s2 =	simm.s32 @!p0 $0x1C02  }
0x13d: {  	[timem:s3], [sflag:s2] =	dma.local @!p0 [hbm:s0], s1  }
0x13e: {  	s0 =	simm.s32 @!p0 $0x2  }
0x13f: {  	_ =	swait.ge @!p0 [sflag:s0], s1  }
0x140: {  	s1 =	ssub.s32 @!p0 $0x0, s1;
	[sflag:s0] =	ssyncset.done @!p0 $0x0  }
0x141: {  	[sflag:s0] =	ssyncadd.s32 @!p0 s1  }
0x142: {  	[bflag:$0x3] =	sbarrier.arrive $0xFFFF  }
0x143: {  	_ =	shalt  }

</sc_bundles>
